<compile_context>
chip_gen: v7x
topology: tpu7x:2x2x1
jax: 0.10.2.dev20260603
libtpu: 0.0.44.dev20260713+nightly
codegen_flags: <defaults>
</compile_context>

<pallas_src>
import jax
import jax.numpy as jnp
from jax import lax
from jax.experimental import pallas as pl
from jax.experimental.pallas import tpu as pltpu
from jax.experimental.pallas import tpu_sc as plsc

B, H, W, C = 4, 112, 112, 96
HW = H * W
OHW = 4 * HW
CW = 16
NQ = C // CW
NWIN = B * NQ
NSUB = 16
WIN_PER_CORE = NWIN // 2
RPS = HW // NSUB
EPS = RPS * CW
CHUNK = 128
NCH = EPS // CHUNK
ACC = OHW * CW
ZSPAN = ACC // NSUB
ZB = 12544


def _sc_body(upd_hbm, idx_hbm, out_hbm, acc, vstage, rawi, dsts, vals, zbuf,
             dsem, lsem, fsem, zsem):
    cid = lax.axis_index("c")
    sid = lax.axis_index("s")
    lanes = lax.iota(jnp.int32, 16)

    @pl.loop(0, ZB // 16)
    def _(i):
        zbuf[pl.ds(i * 16, 16)] = jnp.zeros((16,), jnp.float32)

    def load(t):
        w = cid * WIN_PER_CORE + t
        b = w // NQ
        c0 = (w % NQ) * CW
        r0 = sid * RPS
        pltpu.async_copy(idx_hbm.at[b, pl.ds(r0, RPS), pl.ds(c0, CW)], rawi,
                         lsem)
        pltpu.async_copy(upd_hbm.at[b, pl.ds(r0, RPS), pl.ds(c0, CW)], vstage,
                         lsem)

    load(0)

    @pl.loop(0, WIN_PER_CORE)
    def _(t):
        w = cid * WIN_PER_CORE + t
        z0 = sid * ZSPAN

        @pl.when(t > 0)
        def _():
            pltpu.make_async_copy(
                acc.at[pl.ds(z0, ZSPAN)],
                out_hbm.at[w - 1, pl.ds(z0, ZSPAN)], fsem).wait()

        @pl.loop(0, ZSPAN // ZB)
        def _(z):
            pltpu.async_copy(zbuf, acc.at[pl.ds(z0 + z * ZB, ZB)], zsem)

        @pl.loop(0, ZSPAN // ZB)
        def _(z):
            pltpu.make_async_copy(
                zbuf, acc.at[pl.ds(z0 + z * ZB, ZB)], zsem).wait()
        plsc.subcore_barrier()

        r0 = sid * RPS
        b = w // NQ
        c0 = (w % NQ) * CW
        pltpu.make_async_copy(
            idx_hbm.at[b, pl.ds(r0, RPS), pl.ds(c0, CW)], rawi, lsem).wait()
        pltpu.make_async_copy(
            upd_hbm.at[b, pl.ds(r0, RPS), pl.ds(c0, CW)], vstage, lsem).wait()

        @pl.loop(0, RPS, unroll=4)
        def _(r):
            rv = rawi[r, pl.ds(0, CW)]
            y = lax.shift_right_logical(rv, 5).astype(jnp.float32)
            p = (y * jnp.float32(1.0 / 3.0)).astype(jnp.int32)
            dsts[pl.ds(r * CW, CW)] = p * CW + lanes
            vals[pl.ds(r * CW, CW)] = vstage[r, pl.ds(0, CW)]

        @pl.loop(0, NCH)
        def _(ci):
            pltpu.async_copy(vals.at[pl.ds(ci * CHUNK, CHUNK)],
                             acc.at[dsts.at[pl.ds(ci * CHUNK, CHUNK)]],
                             dsem, add=True)

        @pl.loop(0, NCH)
        def _(ci):
            pltpu.make_async_copy(
                vals.at[pl.ds(ci * CHUNK, CHUNK)],
                acc.at[dsts.at[pl.ds(ci * CHUNK, CHUNK)]], dsem).wait()
        plsc.subcore_barrier()

        pltpu.async_copy(acc.at[pl.ds(z0, ZSPAN)],
                         out_hbm.at[w, pl.ds(z0, ZSPAN)], fsem)

        @pl.when(t + 1 < WIN_PER_CORE)
        def _():
            load(t + 1)

    z0 = sid * ZSPAN
    pltpu.make_async_copy(
        acc.at[pl.ds(z0, ZSPAN)],
        out_hbm.at[cid * WIN_PER_CORE + WIN_PER_CORE - 1, pl.ds(z0, ZSPAN)],
        fsem).wait()


_sc_call = pl.kernel(
    _sc_body,
    out_type=jax.ShapeDtypeStruct((NWIN, ACC), jnp.float32),
    mesh=plsc.VectorSubcoreMesh(core_axis_name="c", subcore_axis_name="s"),
    scratch_types=[
        pltpu.VMEM_SHARED((ACC,), jnp.float32),
        pltpu.VMEM((RPS, CW), jnp.float32),
        pltpu.VMEM((RPS, CW), jnp.int32),
        pltpu.VMEM((EPS,), jnp.int32),
        pltpu.VMEM((EPS,), jnp.float32),
        pltpu.VMEM((ZB,), jnp.float32),
        pltpu.SemaphoreType.DMA,
        pltpu.SemaphoreType.DMA,
        pltpu.SemaphoreType.DMA,
        pltpu.SemaphoreType.DMA,
    ],
    compiler_params=pltpu.CompilerParams(
        use_tc_tiling_on_sc=False, needs_layout_passes=False),
)

FR = OHW // NSUB


def _relayout_body(win_hbm, out_hbm, bounce0, bounce1, rsem, wsem):
    cid = lax.axis_index("c")
    sid = lax.axis_index("s")
    r0 = sid * FR
    bufs = (bounce0, bounce1)

    def rd(t):
        w = cid * WIN_PER_CORE + t
        pltpu.async_copy(win_hbm.at[w, pl.ds(r0, FR), :], bufs[t % 2], rsem)

    def rd_wait(t):
        w = cid * WIN_PER_CORE + t
        pltpu.make_async_copy(
            win_hbm.at[w, pl.ds(r0, FR), :], bufs[t % 2], rsem).wait()

    def wr(t):
        w = cid * WIN_PER_CORE + t
        b = w // NQ
        c0 = (w % NQ) * CW
        return pltpu.make_async_copy(
            bufs[t % 2], out_hbm.at[b, pl.ds(r0, FR), pl.ds(c0, CW)], wsem)

    rd(0)
    for t in range(WIN_PER_CORE):
        rd_wait(t)
        pltpu.async_copy(
            bufs[t % 2],
            out_hbm.at[(cid * WIN_PER_CORE + t) // NQ, pl.ds(r0, FR),
                       pl.ds(((cid * WIN_PER_CORE + t) % NQ) * CW, CW)],
            wsem)
        if t > 0:
            wr(t - 1).wait()
        if t + 1 < WIN_PER_CORE:
            rd(t + 1)
    wr(WIN_PER_CORE - 1).wait()


_relayout = pl.kernel(
    _relayout_body,
    out_type=jax.ShapeDtypeStruct((B, OHW, C), jnp.float32),
    mesh=plsc.VectorSubcoreMesh(core_axis_name="c", subcore_axis_name="s"),
    scratch_types=[
        pltpu.VMEM((FR, CW), jnp.float32),
        pltpu.VMEM((FR, CW), jnp.float32),
        pltpu.SemaphoreType.DMA,
        pltpu.SemaphoreType.DMA,
    ],
    compiler_params=pltpu.CompilerParams(
        use_tc_tiling_on_sc=False, needs_layout_passes=False),
)


@jax.jit
def kernel(updates, indices):
    upd = updates.reshape(B, HW, C)
    idx = indices.astype(jnp.int32).reshape(B, HW, C)
    win = _sc_call(upd, idx)
    out = _relayout(win.reshape(NWIN, OHW, CW))
    return out.reshape(B, 2 * H, 2 * W, C)

# --- scband reference (transcript-rebuilt; emitter-appended) ---
"""Pipeline reference for scband-max-unpooling2-d-20993800143428 (READ-ONLY COPY).

The authoritative reference and input builder live on the scoring server;
editing this copy changes nothing except your own understanding.
"""

import jax, jax.numpy as jnp
import numpy as np

SIZE = (2, 2)

def setup_inputs(seed: int = 0) -> dict:
    key = jax.random.key(seed)
    k1, k2 = jax.random.split(key)
    B, H, W, C = 4, 112, 112, 96
    oH, oW = H * SIZE[0], W * SIZE[1]
    updates = jax.random.normal(k1, (B, H, W, C), dtype=jnp.float32)
    # indices emulate tf.nn.max_pool_with_argmax flat indices into [oH, oW, C] space
    indices = jax.random.randint(k2, (B, H, W, C), 0, oH * oW * C, dtype=jnp.int32)
    return {"updates": updates, "indices": indices}

def reference(updates, indices):
    indices = indices.astype(jnp.int32)
    B, H, W, C = updates.shape
    oB, oH, oW, oC = B, H * SIZE[0], W * SIZE[1], C
    one_like_mask = jnp.ones_like(indices, dtype=jnp.int32)
    batch_range = jnp.arange(oB, dtype=jnp.int32).reshape(B, 1, 1, 1)
    b = one_like_mask * batch_range
    y = indices // (oW * oC)
    x = (indices // oC) % oW
    feature_range = jnp.arange(oC, dtype=jnp.int32)
    f = one_like_mask * feature_range
    updates_size = updates.size
    bf = b.reshape(updates_size)
    yf = y.reshape(updates_size)
    xf = x.reshape(updates_size)
    ff = f.reshape(updates_size)
    values = updates.reshape(updates_size)
    # tf.scatter_nd accumulates duplicates -> use .at[...].add
    ret = jnp.zeros((oB, oH, oW, oC), dtype=updates.dtype).at[bf, yf, xf, ff].add(values)
    return ret

if __name__ == "__main__":
    import jax
    _d = setup_inputs()
    print(jax.jit(kernel)(*tuple(_d.values())))

</pallas_src>

<mosaic_0001>
#map = affine_map<(d0, d1) -> (0, 0, 0)>
module attributes {stable_mosaic.version = 14 : i64} {
  func.func @_relayout_body(%arg0: i32, %arg1: i32, %arg2: memref<24x50176x16xf32, #tpu.memory_space<hbm>>, %arg3: memref<4x50176x96xf32, #tpu.memory_space<hbm>>, %arg4: memref<3136x16xf32, #tpu.memory_space<vmem>>, %arg5: memref<3136x16xf32, #tpu.memory_space<vmem>>, %arg6: memref<!tpu.dma_semaphore, #tpu.memory_space<semaphore_mem>>, %arg7: memref<!tpu.dma_semaphore, #tpu.memory_space<semaphore_mem>>) attributes {dimension_semantics = [#tpu.dimension_semantics<core_parallel>, #tpu.dimension_semantics<subcore_parallel>], iteration_bounds = array<i64: 2, 16>, scalar_prefetch = 0 : i64, scratch_operands = 4 : i64, tpu.core_type = #tpu.core_type<sc_vector_subcore>, window_params = [{transform_indices = #map}, {transform_indices = #map}]} {
    %mul3A = arith.constant 3136 : i32
    %mul3A_0 = arith.muli %arg1, %mul3A : i32
    %mul3A_1 = arith.constant 12 : i32
    %mul3A_2 = arith.muli %arg0, %mul3A_1 : i32
    %add3A = arith.constant 0 : i32
    %add3A_3 = arith.addi %mul3A_2, %add3A : i32
    %dma_start3A = arith.constant 0 : i32
    %dma_start3A_4 = tpu.memref_slice %arg2[%add3A_3, %mul3A_0, %dma_start3A] : memref<24x50176x16xf32, #tpu.memory_space<hbm>> -> memref<1x3136x16xf32, #tpu.memory_space<hbm>>
    %dma_start3A_5 = tpu.memref_squeeze %dma_start3A_4 : memref<1x3136x16xf32, #tpu.memory_space<hbm>> -> memref<3136x16xf32, #tpu.memory_space<hbm>>
    %dma_start3A_6 = arith.constant 0 : i32
    %dma_start3A_7 = tpu.memref_slice %arg2[%add3A_3, %mul3A_0, %dma_start3A_6] : memref<24x50176x16xf32, #tpu.memory_space<hbm>> -> memref<1x3136x16xf32, #tpu.memory_space<hbm>>
    %dma_start3A_8 = tpu.memref_squeeze %dma_start3A_7 : memref<1x3136x16xf32, #tpu.memory_space<hbm>> -> memref<3136x16xf32, #tpu.memory_space<hbm>>
    tpu.enqueue_dma source(%dma_start3A_8 : memref<3136x16xf32, #tpu.memory_space<hbm>>) target(%arg4 : memref<3136x16xf32, #tpu.memory_space<vmem>>) target_semaphore(%arg6 : memref<!tpu.dma_semaphore, #tpu.memory_space<semaphore_mem>>)
    %mul3A_9 = arith.constant 12 : i32
    %mul3A_10 = arith.muli %arg0, %mul3A_9 : i32
    %add3A_11 = arith.constant 0 : i32
    %add3A_12 = arith.addi %mul3A_10, %add3A_11 : i32
    %dma_wait3A = arith.constant 0 : i32
    %dma_wait3A_13 = tpu.memref_slice %arg2[%add3A_12, %mul3A_0, %dma_wait3A] : memref<24x50176x16xf32, #tpu.memory_space<hbm>> -> memref<1x3136x16xf32, #tpu.memory_space<hbm>>
    %dma_wait3A_14 = tpu.memref_squeeze %dma_wait3A_13 : memref<1x3136x16xf32, #tpu.memory_space<hbm>> -> memref<3136x16xf32, #tpu.memory_space<hbm>>
    %dma_wait3A_15 = arith.constant 0 : i32
    %dma_wait3A_16 = tpu.memref_slice %arg2[%add3A_12, %mul3A_0, %dma_wait3A_15] : memref<24x50176x16xf32, #tpu.memory_space<hbm>> -> memref<1x3136x16xf32, #tpu.memory_space<hbm>>
    %dma_wait3A_17 = tpu.memref_squeeze %dma_wait3A_16 : memref<1x3136x16xf32, #tpu.memory_space<hbm>> -> memref<3136x16xf32, #tpu.memory_space<hbm>>
    tpu.wait_dma2 semaphore(%arg6 : memref<!tpu.dma_semaphore, #tpu.memory_space<semaphore_mem>>) src(%dma_wait3A_17 : memref<3136x16xf32, #tpu.memory_space<hbm>>) dst(%arg4 : memref<3136x16xf32, #tpu.memory_space<vmem>>)
    %mul3A_18 = arith.constant 12 : i32
    %mul3A_19 = arith.muli %arg0, %mul3A_18 : i32
    %add3A_20 = arith.constant 0 : i32
    %add3A_21 = arith.addi %mul3A_19, %add3A_20 : i32
    %jit3A = arith.constant 6 : i32
    %div3A = arith.divsi %add3A_21, %jit3A : i32
    %sign3A = arith.constant 0 : i32
    %sign3A_22 = arith.cmpi sgt, %add3A_21, %sign3A : i32
    %sign3A_23 = arith.extui %sign3A_22 : i1 to i32
    %sign3A_24 = arith.constant 0 : i32
    %sign3A_25 = arith.cmpi slt, %add3A_21, %sign3A_24 : i32
    %sign3A_26 = arith.extui %sign3A_25 : i1 to i32
    %sign3A_27 = arith.subi %sign3A_23, %sign3A_26 : i32
    %sign3A_28 = arith.constant 0 : i32
    %sign3A_29 = arith.cmpi sgt, %jit3A, %sign3A_28 : i32
    %sign3A_30 = arith.extui %sign3A_29 : i1 to i32
    %sign3A_31 = arith.constant 0 : i32
    %sign3A_32 = arith.cmpi slt, %jit3A, %sign3A_31 : i32
    %sign3A_33 = arith.extui %sign3A_32 : i1 to i32
    %sign3A_34 = arith.subi %sign3A_30, %sign3A_33 : i32
    %ne3A = arith.cmpi ne, %sign3A_27, %sign3A_34 : i32
    %rem3A = arith.remsi %add3A_21, %jit3A : i32
    %ne3A_35 = arith.constant 0 : i32
    %ne3A_36 = arith.cmpi ne, %rem3A, %ne3A_35 : i32
    %and3A = arith.andi %ne3A, %ne3A_36 : i1
    %sub3A = arith.constant 1 : i32
    %sub3A_37 = arith.subi %div3A, %sub3A : i32
    %select_n3A = arith.select %and3A, %sub3A_37, %div3A : i32
    %mul3A_38 = arith.constant 12 : i32
    %mul3A_39 = arith.muli %arg0, %mul3A_38 : i32
    %add3A_40 = arith.constant 0 : i32
    %add3A_41 = arith.addi %mul3A_39, %add3A_40 : i32
    %jit3A_42 = arith.constant 6 : i32
    %eq3A = arith.constant 0 : i32
    %eq3A_43 = arith.cmpi eq, %jit3A_42, %eq3A : i32
    %jit3A_44 = arith.constant 1 : i32
    %select_n3A_45 = arith.select %eq3A_43, %jit3A_44, %jit3A_42 : i32
    %rem3A_46 = arith.remsi %add3A_41, %select_n3A_45 : i32
    %ne3A_47 = arith.constant 0 : i32
    %ne3A_48 = arith.cmpi ne, %rem3A_46, %ne3A_47 : i32
    %lt3A = arith.constant 0 : i32
    %lt3A_49 = arith.cmpi slt, %rem3A_46, %lt3A : i32
    %lt3A_50 = arith.constant 0 : i32
    %lt3A_51 = arith.cmpi slt, %select_n3A_45, %lt3A_50 : i32
    %ne3A_52 = arith.xori %lt3A_49, %lt3A_51 : i1
    %and3A_53 = arith.andi %ne3A_52, %ne3A_48 : i1
    %add3A_54 = arith.addi %rem3A_46, %select_n3A_45 : i32
    %select_n3A_55 = arith.select %and3A_53, %add3A_54, %rem3A_46 : i32
    %mul3A_56 = arith.constant 16 : i32
    %mul3A_57 = arith.muli %select_n3A_55, %mul3A_56 : i32
    %dma_start3A_58 = tpu.memref_slice %arg3[%select_n3A, %mul3A_0, %mul3A_57] : memref<4x50176x96xf32, #tpu.memory_space<hbm>> -> memref<1x3136x16xf32, #tpu.memory_space<hbm>>
    %dma_start3A_59 = tpu.memref_squeeze %dma_start3A_58 : memref<1x3136x16xf32, #tpu.memory_space<hbm>> -> memref<3136x16xf32, #tpu.memory_space<hbm>>
    %dma_start3A_60 = tpu.memref_slice %arg3[%select_n3A, %mul3A_0, %mul3A_57] : memref<4x50176x96xf32, #tpu.memory_space<hbm>> -> memref<1x3136x16xf32, #tpu.memory_space<hbm>>
    %dma_start3A_61 = tpu.memref_squeeze %dma_start3A_60 : memref<1x3136x16xf32, #tpu.memory_space<hbm>> -> memref<3136x16xf32, #tpu.memory_space<hbm>>
    tpu.enqueue_dma source(%arg4 : memref<3136x16xf32, #tpu.memory_space<vmem>>) target(%dma_start3A_61 : memref<3136x16xf32, #tpu.memory_space<hbm>>) target_semaphore(%arg7 : memref<!tpu.dma_semaphore, #tpu.memory_space<semaphore_mem>>)
    %mul3A_62 = arith.constant 12 : i32
    %mul3A_63 = arith.muli %arg0, %mul3A_62 : i32
    %add3A_64 = arith.constant 1 : i32
    %add3A_65 = arith.addi %mul3A_63, %add3A_64 : i32
    %dma_start3A_66 = arith.constant 0 : i32
    %dma_start3A_67 = tpu.memref_slice %arg2[%add3A_65, %mul3A_0, %dma_start3A_66] : memref<24x50176x16xf32, #tpu.memory_space<hbm>> -> memref<1x3136x16xf32, #tpu.memory_space<hbm>>
    %dma_start3A_68 = tpu.memref_squeeze %dma_start3A_67 : memref<1x3136x16xf32, #tpu.memory_space<hbm>> -> memref<3136x16xf32, #tpu.memory_space<hbm>>
    %dma_start3A_69 = arith.constant 0 : i32
    %dma_start3A_70 = tpu.memref_slice %arg2[%add3A_65, %mul3A_0, %dma_start3A_69] : memref<24x50176x16xf32, #tpu.memory_space<hbm>> -> memref<1x3136x16xf32, #tpu.memory_space<hbm>>
    %dma_start3A_71 = tpu.memref_squeeze %dma_start3A_70 : memref<1x3136x16xf32, #tpu.memory_space<hbm>> -> memref<3136x16xf32, #tpu.memory_space<hbm>>
    tpu.enqueue_dma source(%dma_start3A_71 : memref<3136x16xf32, #tpu.memory_space<hbm>>) target(%arg5 : memref<3136x16xf32, #tpu.memory_space<vmem>>) target_semaphore(%arg6 : memref<!tpu.dma_semaphore, #tpu.memory_space<semaphore_mem>>)
    %mul3A_72 = arith.constant 12 : i32
    %mul3A_73 = arith.muli %arg0, %mul3A_72 : i32
    %add3A_74 = arith.constant 1 : i32
    %add3A_75 = arith.addi %mul3A_73, %add3A_74 : i32
    %dma_wait3A_76 = arith.constant 0 : i32
    %dma_wait3A_77 = tpu.memref_slice %arg2[%add3A_75, %mul3A_0, %dma_wait3A_76] : memref<24x50176x16xf32, #tpu.memory_space<hbm>> -> memref<1x3136x16xf32, #tpu.memory_space<hbm>>
    %dma_wait3A_78 = tpu.memref_squeeze %dma_wait3A_77 : memref<1x3136x16xf32, #tpu.memory_space<hbm>> -> memref<3136x16xf32, #tpu.memory_space<hbm>>
    %dma_wait3A_79 = arith.constant 0 : i32
    %dma_wait3A_80 = tpu.memref_slice %arg2[%add3A_75, %mul3A_0, %dma_wait3A_79] : memref<24x50176x16xf32, #tpu.memory_space<hbm>> -> memref<1x3136x16xf32, #tpu.memory_space<hbm>>
    %dma_wait3A_81 = tpu.memref_squeeze %dma_wait3A_80 : memref<1x3136x16xf32, #tpu.memory_space<hbm>> -> memref<3136x16xf32, #tpu.memory_space<hbm>>
    tpu.wait_dma2 semaphore(%arg6 : memref<!tpu.dma_semaphore, #tpu.memory_space<semaphore_mem>>) src(%dma_wait3A_81 : memref<3136x16xf32, #tpu.memory_space<hbm>>) dst(%arg5 : memref<3136x16xf32, #tpu.memory_space<vmem>>)
    %mul3A_82 = arith.constant 12 : i32
    %mul3A_83 = arith.muli %arg0, %mul3A_82 : i32
    %add3A_84 = arith.constant 1 : i32
    %add3A_85 = arith.addi %mul3A_83, %add3A_84 : i32
    %jit3A_86 = arith.constant 6 : i32
    %div3A_87 = arith.divsi %add3A_85, %jit3A_86 : i32
    %sign3A_88 = arith.constant 0 : i32
    %sign3A_89 = arith.cmpi sgt, %add3A_85, %sign3A_88 : i32
    %sign3A_90 = arith.extui %sign3A_89 : i1 to i32
    %sign3A_91 = arith.constant 0 : i32
    %sign3A_92 = arith.cmpi slt, %add3A_85, %sign3A_91 : i32
    %sign3A_93 = arith.extui %sign3A_92 : i1 to i32
    %sign3A_94 = arith.subi %sign3A_90, %sign3A_93 : i32
    %sign3A_95 = arith.constant 0 : i32
    %sign3A_96 = arith.cmpi sgt, %jit3A_86, %sign3A_95 : i32
    %sign3A_97 = arith.extui %sign3A_96 : i1 to i32
    %sign3A_98 = arith.constant 0 : i32
    %sign3A_99 = arith.cmpi slt, %jit3A_86, %sign3A_98 : i32
    %sign3A_100 = arith.extui %sign3A_99 : i1 to i32
    %sign3A_101 = arith.subi %sign3A_97, %sign3A_100 : i32
    %ne3A_102 = arith.cmpi ne, %sign3A_94, %sign3A_101 : i32
    %rem3A_103 = arith.remsi %add3A_85, %jit3A_86 : i32
    %ne3A_104 = arith.constant 0 : i32
    %ne3A_105 = arith.cmpi ne, %rem3A_103, %ne3A_104 : i32
    %and3A_106 = arith.andi %ne3A_102, %ne3A_105 : i1
    %sub3A_107 = arith.constant 1 : i32
    %sub3A_108 = arith.subi %div3A_87, %sub3A_107 : i32
    %select_n3A_109 = arith.select %and3A_106, %sub3A_108, %div3A_87 : i32
    %mul3A_110 = arith.constant 12 : i32
    %mul3A_111 = arith.muli %arg0, %mul3A_110 : i32
    %add3A_112 = arith.constant 1 : i32
    %add3A_113 = arith.addi %mul3A_111, %add3A_112 : i32
    %jit3A_114 = arith.constant 6 : i32
    %eq3A_115 = arith.constant 0 : i32
    %eq3A_116 = arith.cmpi eq, %jit3A_114, %eq3A_115 : i32
    %jit3A_117 = arith.constant 1 : i32
    %select_n3A_118 = arith.select %eq3A_116, %jit3A_117, %jit3A_114 : i32
    %rem3A_119 = arith.remsi %add3A_113, %select_n3A_118 : i32
    %ne3A_120 = arith.constant 0 : i32
    %ne3A_121 = arith.cmpi ne, %rem3A_119, %ne3A_120 : i32
    %lt3A_122 = arith.constant 0 : i32
    %lt3A_123 = arith.cmpi slt, %rem3A_119, %lt3A_122 : i32
    %lt3A_124 = arith.constant 0 : i32
    %lt3A_125 = arith.cmpi slt, %select_n3A_118, %lt3A_124 : i32
    %ne3A_126 = arith.xori %lt3A_123, %lt3A_125 : i1
    %and3A_127 = arith.andi %ne3A_126, %ne3A_121 : i1
    %add3A_128 = arith.addi %rem3A_119, %select_n3A_118 : i32
    %select_n3A_129 = arith.select %and3A_127, %add3A_128, %rem3A_119 : i32
    %mul3A_130 = arith.constant 16 : i32
    %mul3A_131 = arith.muli %select_n3A_129, %mul3A_130 : i32
    %dma_start3A_132 = tpu.memref_slice %arg3[%select_n3A_109, %mul3A_0, %mul3A_131] : memref<4x50176x96xf32, #tpu.memory_space<hbm>> -> memref<1x3136x16xf32, #tpu.memory_space<hbm>>
    %dma_start3A_133 = tpu.memref_squeeze %dma_start3A_132 : memref<1x3136x16xf32, #tpu.memory_space<hbm>> -> memref<3136x16xf32, #tpu.memory_space<hbm>>
    %dma_start3A_134 = tpu.memref_slice %arg3[%select_n3A_109, %mul3A_0, %mul3A_131] : memref<4x50176x96xf32, #tpu.memory_space<hbm>> -> memref<1x3136x16xf32, #tpu.memory_space<hbm>>
    %dma_start3A_135 = tpu.memref_squeeze %dma_start3A_134 : memref<1x3136x16xf32, #tpu.memory_space<hbm>> -> memref<3136x16xf32, #tpu.memory_space<hbm>>
    tpu.enqueue_dma source(%arg5 : memref<3136x16xf32, #tpu.memory_space<vmem>>) target(%dma_start3A_135 : memref<3136x16xf32, #tpu.memory_space<hbm>>) target_semaphore(%arg7 : memref<!tpu.dma_semaphore, #tpu.memory_space<semaphore_mem>>)
    %mul3A_136 = arith.constant 12 : i32
    %mul3A_137 = arith.muli %arg0, %mul3A_136 : i32
    %add3A_138 = arith.constant 0 : i32
    %add3A_139 = arith.addi %mul3A_137, %add3A_138 : i32
    %jit3A_140 = arith.constant 6 : i32
    %div3A_141 = arith.divsi %add3A_139, %jit3A_140 : i32
    %sign3A_142 = arith.constant 0 : i32
    %sign3A_143 = arith.cmpi sgt, %add3A_139, %sign3A_142 : i32
    %sign3A_144 = arith.extui %sign3A_143 : i1 to i32
    %sign3A_145 = arith.constant 0 : i32
    %sign3A_146 = arith.cmpi slt, %add3A_139, %sign3A_145 : i32
    %sign3A_147 = arith.extui %sign3A_146 : i1 to i32
    %sign3A_148 = arith.subi %sign3A_144, %sign3A_147 : i32
    %sign3A_149 = arith.constant 0 : i32
    %sign3A_150 = arith.cmpi sgt, %jit3A_140, %sign3A_149 : i32
    %sign3A_151 = arith.extui %sign3A_150 : i1 to i32
    %sign3A_152 = arith.constant 0 : i32
    %sign3A_153 = arith.cmpi slt, %jit3A_140, %sign3A_152 : i32
    %sign3A_154 = arith.extui %sign3A_153 : i1 to i32
    %sign3A_155 = arith.subi %sign3A_151, %sign3A_154 : i32
    %ne3A_156 = arith.cmpi ne, %sign3A_148, %sign3A_155 : i32
    %rem3A_157 = arith.remsi %add3A_139, %jit3A_140 : i32
    %ne3A_158 = arith.constant 0 : i32
    %ne3A_159 = arith.cmpi ne, %rem3A_157, %ne3A_158 : i32
    %and3A_160 = arith.andi %ne3A_156, %ne3A_159 : i1
    %sub3A_161 = arith.constant 1 : i32
    %sub3A_162 = arith.subi %div3A_141, %sub3A_161 : i32
    %select_n3A_163 = arith.select %and3A_160, %sub3A_162, %div3A_141 : i32
    %jit3A_164 = arith.constant 6 : i32
    %eq3A_165 = arith.constant 0 : i32
    %eq3A_166 = arith.cmpi eq, %jit3A_164, %eq3A_165 : i32
    %jit3A_167 = arith.constant 1 : i32
    %select_n3A_168 = arith.select %eq3A_166, %jit3A_167, %jit3A_164 : i32
    %rem3A_169 = arith.remsi %add3A_139, %select_n3A_168 : i32
    %ne3A_170 = arith.constant 0 : i32
    %ne3A_171 = arith.cmpi ne, %rem3A_169, %ne3A_170 : i32
    %lt3A_172 = arith.constant 0 : i32
    %lt3A_173 = arith.cmpi slt, %rem3A_169, %lt3A_172 : i32
    %lt3A_174 = arith.constant 0 : i32
    %lt3A_175 = arith.cmpi slt, %select_n3A_168, %lt3A_174 : i32
    %ne3A_176 = arith.xori %lt3A_173, %lt3A_175 : i1
    %and3A_177 = arith.andi %ne3A_176, %ne3A_171 : i1
    %add3A_178 = arith.addi %rem3A_169, %select_n3A_168 : i32
    %select_n3A_179 = arith.select %and3A_177, %add3A_178, %rem3A_169 : i32
    %mul3A_180 = arith.constant 16 : i32
    %mul3A_181 = arith.muli %select_n3A_179, %mul3A_180 : i32
    %dma_wait3A_182 = tpu.memref_slice %arg3[%select_n3A_163, %mul3A_0, %mul3A_181] : memref<4x50176x96xf32, #tpu.memory_space<hbm>> -> memref<1x3136x16xf32, #tpu.memory_space<hbm>>
    %dma_wait3A_183 = tpu.memref_squeeze %dma_wait3A_182 : memref<1x3136x16xf32, #tpu.memory_space<hbm>> -> memref<3136x16xf32, #tpu.memory_space<hbm>>
    %dma_wait3A_184 = tpu.memref_slice %arg3[%select_n3A_163, %mul3A_0, %mul3A_181] : memref<4x50176x96xf32, #tpu.memory_space<hbm>> -> memref<1x3136x16xf32, #tpu.memory_space<hbm>>
    %dma_wait3A_185 = tpu.memref_squeeze %dma_wait3A_184 : memref<1x3136x16xf32, #tpu.memory_space<hbm>> -> memref<3136x16xf32, #tpu.memory_space<hbm>>
    tpu.wait_dma2 semaphore(%arg7 : memref<!tpu.dma_semaphore, #tpu.memory_space<semaphore_mem>>) src(%arg4 : memref<3136x16xf32, #tpu.memory_space<vmem>>) dst(%dma_wait3A_185 : memref<3136x16xf32, #tpu.memory_space<hbm>>)
    %mul3A_186 = arith.constant 12 : i32
    %mul3A_187 = arith.muli %arg0, %mul3A_186 : i32
    %add3A_188 = arith.constant 2 : i32
    %add3A_189 = arith.addi %mul3A_187, %add3A_188 : i32
    %dma_start3A_190 = arith.constant 0 : i32
    %dma_start3A_191 = tpu.memref_slice %arg2[%add3A_189, %mul3A_0, %dma_start3A_190] : memref<24x50176x16xf32, #tpu.memory_space<hbm>> -> memref<1x3136x16xf32, #tpu.memory_space<hbm>>
    %dma_start3A_192 = tpu.memref_squeeze %dma_start3A_191 : memref<1x3136x16xf32, #tpu.memory_space<hbm>> -> memref<3136x16xf32, #tpu.memory_space<hbm>>
    %dma_start3A_193 = arith.constant 0 : i32
    %dma_start3A_194 = tpu.memref_slice %arg2[%add3A_189, %mul3A_0, %dma_start3A_193] : memref<24x50176x16xf32, #tpu.memory_space<hbm>> -> memref<1x3136x16xf32, #tpu.memory_space<hbm>>
    %dma_start3A_195 = tpu.memref_squeeze %dma_start3A_194 : memref<1x3136x16xf32, #tpu.memory_space<hbm>> -> memref<3136x16xf32, #tpu.memory_space<hbm>>
    tpu.enqueue_dma source(%dma_start3A_195 : memref<3136x16xf32, #tpu.memory_space<hbm>>) target(%arg4 : memref<3136x16xf32, #tpu.memory_space<vmem>>) target_semaphore(%arg6 : memref<!tpu.dma_semaphore, #tpu.memory_space<semaphore_mem>>)
    %mul3A_196 = arith.constant 12 : i32
    %mul3A_197 = arith.muli %arg0, %mul3A_196 : i32
    %add3A_198 = arith.constant 2 : i32
    %add3A_199 = arith.addi %mul3A_197, %add3A_198 : i32
    %dma_wait3A_200 = arith.constant 0 : i32
    %dma_wait3A_201 = tpu.memref_slice %arg2[%add3A_199, %mul3A_0, %dma_wait3A_200] : memref<24x50176x16xf32, #tpu.memory_space<hbm>> -> memref<1x3136x16xf32, #tpu.memory_space<hbm>>
    %dma_wait3A_202 = tpu.memref_squeeze %dma_wait3A_201 : memref<1x3136x16xf32, #tpu.memory_space<hbm>> -> memref<3136x16xf32, #tpu.memory_space<hbm>>
    %dma_wait3A_203 = arith.constant 0 : i32
    %dma_wait3A_204 = tpu.memref_slice %arg2[%add3A_199, %mul3A_0, %dma_wait3A_203] : memref<24x50176x16xf32, #tpu.memory_space<hbm>> -> memref<1x3136x16xf32, #tpu.memory_space<hbm>>
    %dma_wait3A_205 = tpu.memref_squeeze %dma_wait3A_204 : memref<1x3136x16xf32, #tpu.memory_space<hbm>> -> memref<3136x16xf32, #tpu.memory_space<hbm>>
    tpu.wait_dma2 semaphore(%arg6 : memref<!tpu.dma_semaphore, #tpu.memory_space<semaphore_mem>>) src(%dma_wait3A_205 : memref<3136x16xf32, #tpu.memory_space<hbm>>) dst(%arg4 : memref<3136x16xf32, #tpu.memory_space<vmem>>)
    %mul3A_206 = arith.constant 12 : i32
    %mul3A_207 = arith.muli %arg0, %mul3A_206 : i32
    %add3A_208 = arith.constant 2 : i32
    %add3A_209 = arith.addi %mul3A_207, %add3A_208 : i32
    %jit3A_210 = arith.constant 6 : i32
    %div3A_211 = arith.divsi %add3A_209, %jit3A_210 : i32
    %sign3A_212 = arith.constant 0 : i32
    %sign3A_213 = arith.cmpi sgt, %add3A_209, %sign3A_212 : i32
    %sign3A_214 = arith.extui %sign3A_213 : i1 to i32
    %sign3A_215 = arith.constant 0 : i32
    %sign3A_216 = arith.cmpi slt, %add3A_209, %sign3A_215 : i32
    %sign3A_217 = arith.extui %sign3A_216 : i1 to i32
    %sign3A_218 = arith.subi %sign3A_214, %sign3A_217 : i32
    %sign3A_219 = arith.constant 0 : i32
    %sign3A_220 = arith.cmpi sgt, %jit3A_210, %sign3A_219 : i32
    %sign3A_221 = arith.extui %sign3A_220 : i1 to i32
    %sign3A_222 = arith.constant 0 : i32
    %sign3A_223 = arith.cmpi slt, %jit3A_210, %sign3A_222 : i32
    %sign3A_224 = arith.extui %sign3A_223 : i1 to i32
    %sign3A_225 = arith.subi %sign3A_221, %sign3A_224 : i32
    %ne3A_226 = arith.cmpi ne, %sign3A_218, %sign3A_225 : i32
    %rem3A_227 = arith.remsi %add3A_209, %jit3A_210 : i32
    %ne3A_228 = arith.constant 0 : i32
    %ne3A_229 = arith.cmpi ne, %rem3A_227, %ne3A_228 : i32
    %and3A_230 = arith.andi %ne3A_226, %ne3A_229 : i1
    %sub3A_231 = arith.constant 1 : i32
    %sub3A_232 = arith.subi %div3A_211, %sub3A_231 : i32
    %select_n3A_233 = arith.select %and3A_230, %sub3A_232, %div3A_211 : i32
    %mul3A_234 = arith.constant 12 : i32
    %mul3A_235 = arith.muli %arg0, %mul3A_234 : i32
    %add3A_236 = arith.constant 2 : i32
    %add3A_237 = arith.addi %mul3A_235, %add3A_236 : i32
    %jit3A_238 = arith.constant 6 : i32
    %eq3A_239 = arith.constant 0 : i32
    %eq3A_240 = arith.cmpi eq, %jit3A_238, %eq3A_239 : i32
    %jit3A_241 = arith.constant 1 : i32
    %select_n3A_242 = arith.select %eq3A_240, %jit3A_241, %jit3A_238 : i32
    %rem3A_243 = arith.remsi %add3A_237, %select_n3A_242 : i32
    %ne3A_244 = arith.constant 0 : i32
    %ne3A_245 = arith.cmpi ne, %rem3A_243, %ne3A_244 : i32
    %lt3A_246 = arith.constant 0 : i32
    %lt3A_247 = arith.cmpi slt, %rem3A_243, %lt3A_246 : i32
    %lt3A_248 = arith.constant 0 : i32
    %lt3A_249 = arith.cmpi slt, %select_n3A_242, %lt3A_248 : i32
    %ne3A_250 = arith.xori %lt3A_247, %lt3A_249 : i1
    %and3A_251 = arith.andi %ne3A_250, %ne3A_245 : i1
    %add3A_252 = arith.addi %rem3A_243, %select_n3A_242 : i32
    %select_n3A_253 = arith.select %and3A_251, %add3A_252, %rem3A_243 : i32
    %mul3A_254 = arith.constant 16 : i32
    %mul3A_255 = arith.muli %select_n3A_253, %mul3A_254 : i32
    %dma_start3A_256 = tpu.memref_slice %arg3[%select_n3A_233, %mul3A_0, %mul3A_255] : memref<4x50176x96xf32, #tpu.memory_space<hbm>> -> memref<1x3136x16xf32, #tpu.memory_space<hbm>>
    %dma_start3A_257 = tpu.memref_squeeze %dma_start3A_256 : memref<1x3136x16xf32, #tpu.memory_space<hbm>> -> memref<3136x16xf32, #tpu.memory_space<hbm>>
    %dma_start3A_258 = tpu.memref_slice %arg3[%select_n3A_233, %mul3A_0, %mul3A_255] : memref<4x50176x96xf32, #tpu.memory_space<hbm>> -> memref<1x3136x16xf32, #tpu.memory_space<hbm>>
    %dma_start3A_259 = tpu.memref_squeeze %dma_start3A_258 : memref<1x3136x16xf32, #tpu.memory_space<hbm>> -> memref<3136x16xf32, #tpu.memory_space<hbm>>
    tpu.enqueue_dma source(%arg4 : memref<3136x16xf32, #tpu.memory_space<vmem>>) target(%dma_start3A_259 : memref<3136x16xf32, #tpu.memory_space<hbm>>) target_semaphore(%arg7 : memref<!tpu.dma_semaphore, #tpu.memory_space<semaphore_mem>>)
    %mul3A_260 = arith.constant 12 : i32
    %mul3A_261 = arith.muli %arg0, %mul3A_260 : i32
    %add3A_262 = arith.constant 1 : i32
    %add3A_263 = arith.addi %mul3A_261, %add3A_262 : i32
    %jit3A_264 = arith.constant 6 : i32
    %div3A_265 = arith.divsi %add3A_263, %jit3A_264 : i32
    %sign3A_266 = arith.constant 0 : i32
    %sign3A_267 = arith.cmpi sgt, %add3A_263, %sign3A_266 : i32
    %sign3A_268 = arith.extui %sign3A_267 : i1 to i32
    %sign3A_269 = arith.constant 0 : i32
    %sign3A_270 = arith.cmpi slt, %add3A_263, %sign3A_269 : i32
    %sign3A_271 = arith.extui %sign3A_270 : i1 to i32
    %sign3A_272 = arith.subi %sign3A_268, %sign3A_271 : i32
    %sign3A_273 = arith.constant 0 : i32
    %sign3A_274 = arith.cmpi sgt, %jit3A_264, %sign3A_273 : i32
    %sign3A_275 = arith.extui %sign3A_274 : i1 to i32
    %sign3A_276 = arith.constant 0 : i32
    %sign3A_277 = arith.cmpi slt, %jit3A_264, %sign3A_276 : i32
    %sign3A_278 = arith.extui %sign3A_277 : i1 to i32
    %sign3A_279 = arith.subi %sign3A_275, %sign3A_278 : i32
    %ne3A_280 = arith.cmpi ne, %sign3A_272, %sign3A_279 : i32
    %rem3A_281 = arith.remsi %add3A_263, %jit3A_264 : i32
    %ne3A_282 = arith.constant 0 : i32
    %ne3A_283 = arith.cmpi ne, %rem3A_281, %ne3A_282 : i32
    %and3A_284 = arith.andi %ne3A_280, %ne3A_283 : i1
    %sub3A_285 = arith.constant 1 : i32
    %sub3A_286 = arith.subi %div3A_265, %sub3A_285 : i32
    %select_n3A_287 = arith.select %and3A_284, %sub3A_286, %div3A_265 : i32
    %jit3A_288 = arith.constant 6 : i32
    %eq3A_289 = arith.constant 0 : i32
    %eq3A_290 = arith.cmpi eq, %jit3A_288, %eq3A_289 : i32
    %jit3A_291 = arith.constant 1 : i32
    %select_n3A_292 = arith.select %eq3A_290, %jit3A_291, %jit3A_288 : i32
    %rem3A_293 = arith.remsi %add3A_263, %select_n3A_292 : i32
    %ne3A_294 = arith.constant 0 : i32
    %ne3A_295 = arith.cmpi ne, %rem3A_293, %ne3A_294 : i32
    %lt3A_296 = arith.constant 0 : i32
    %lt3A_297 = arith.cmpi slt, %rem3A_293, %lt3A_296 : i32
    %lt3A_298 = arith.constant 0 : i32
    %lt3A_299 = arith.cmpi slt, %select_n3A_292, %lt3A_298 : i32
    %ne3A_300 = arith.xori %lt3A_297, %lt3A_299 : i1
    %and3A_301 = arith.andi %ne3A_300, %ne3A_295 : i1
    %add3A_302 = arith.addi %rem3A_293, %select_n3A_292 : i32
    %select_n3A_303 = arith.select %and3A_301, %add3A_302, %rem3A_293 : i32
    %mul3A_304 = arith.constant 16 : i32
    %mul3A_305 = arith.muli %select_n3A_303, %mul3A_304 : i32
    %dma_wait3A_306 = tpu.memref_slice %arg3[%select_n3A_287, %mul3A_0, %mul3A_305] : memref<4x50176x96xf32, #tpu.memory_space<hbm>> -> memref<1x3136x16xf32, #tpu.memory_space<hbm>>
    %dma_wait3A_307 = tpu.memref_squeeze %dma_wait3A_306 : memref<1x3136x16xf32, #tpu.memory_space<hbm>> -> memref<3136x16xf32, #tpu.memory_space<hbm>>
    %dma_wait3A_308 = tpu.memref_slice %arg3[%select_n3A_287, %mul3A_0, %mul3A_305] : memref<4x50176x96xf32, #tpu.memory_space<hbm>> -> memref<1x3136x16xf32, #tpu.memory_space<hbm>>
    %dma_wait3A_309 = tpu.memref_squeeze %dma_wait3A_308 : memref<1x3136x16xf32, #tpu.memory_space<hbm>> -> memref<3136x16xf32, #tpu.memory_space<hbm>>
    tpu.wait_dma2 semaphore(%arg7 : memref<!tpu.dma_semaphore, #tpu.memory_space<semaphore_mem>>) src(%arg5 : memref<3136x16xf32, #tpu.memory_space<vmem>>) dst(%dma_wait3A_309 : memref<3136x16xf32, #tpu.memory_space<hbm>>)
    %mul3A_310 = arith.constant 12 : i32
    %mul3A_311 = arith.muli %arg0, %mul3A_310 : i32
    %add3A_312 = arith.constant 3 : i32
    %add3A_313 = arith.addi %mul3A_311, %add3A_312 : i32
    %dma_start3A_314 = arith.constant 0 : i32
    %dma_start3A_315 = tpu.memref_slice %arg2[%add3A_313, %mul3A_0, %dma_start3A_314] : memref<24x50176x16xf32, #tpu.memory_space<hbm>> -> memref<1x3136x16xf32, #tpu.memory_space<hbm>>
    %dma_start3A_316 = tpu.memref_squeeze %dma_start3A_315 : memref<1x3136x16xf32, #tpu.memory_space<hbm>> -> memref<3136x16xf32, #tpu.memory_space<hbm>>
    %dma_start3A_317 = arith.constant 0 : i32
    %dma_start3A_318 = tpu.memref_slice %arg2[%add3A_313, %mul3A_0, %dma_start3A_317] : memref<24x50176x16xf32, #tpu.memory_space<hbm>> -> memref<1x3136x16xf32, #tpu.memory_space<hbm>>
    %dma_start3A_319 = tpu.memref_squeeze %dma_start3A_318 : memref<1x3136x16xf32, #tpu.memory_space<hbm>> -> memref<3136x16xf32, #tpu.memory_space<hbm>>
    tpu.enqueue_dma source(%dma_start3A_319 : memref<3136x16xf32, #tpu.memory_space<hbm>>) target(%arg5 : memref<3136x16xf32, #tpu.memory_space<vmem>>) target_semaphore(%arg6 : memref<!tpu.dma_semaphore, #tpu.memory_space<semaphore_mem>>)
    %mul3A_320 = arith.constant 12 : i32
    %mul3A_321 = arith.muli %arg0, %mul3A_320 : i32
    %add3A_322 = arith.constant 3 : i32
    %add3A_323 = arith.addi %mul3A_321, %add3A_322 : i32
    %dma_wait3A_324 = arith.constant 0 : i32
    %dma_wait3A_325 = tpu.memref_slice %arg2[%add3A_323, %mul3A_0, %dma_wait3A_324] : memref<24x50176x16xf32, #tpu.memory_space<hbm>> -> memref<1x3136x16xf32, #tpu.memory_space<hbm>>
    %dma_wait3A_326 = tpu.memref_squeeze %dma_wait3A_325 : memref<1x3136x16xf32, #tpu.memory_space<hbm>> -> memref<3136x16xf32, #tpu.memory_space<hbm>>
    %dma_wait3A_327 = arith.constant 0 : i32
    %dma_wait3A_328 = tpu.memref_slice %arg2[%add3A_323, %mul3A_0, %dma_wait3A_327] : memref<24x50176x16xf32, #tpu.memory_space<hbm>> -> memref<1x3136x16xf32, #tpu.memory_space<hbm>>
    %dma_wait3A_329 = tpu.memref_squeeze %dma_wait3A_328 : memref<1x3136x16xf32, #tpu.memory_space<hbm>> -> memref<3136x16xf32, #tpu.memory_space<hbm>>
    tpu.wait_dma2 semaphore(%arg6 : memref<!tpu.dma_semaphore, #tpu.memory_space<semaphore_mem>>) src(%dma_wait3A_329 : memref<3136x16xf32, #tpu.memory_space<hbm>>) dst(%arg5 : memref<3136x16xf32, #tpu.memory_space<vmem>>)
    %mul3A_330 = arith.constant 12 : i32
    %mul3A_331 = arith.muli %arg0, %mul3A_330 : i32
    %add3A_332 = arith.constant 3 : i32
    %add3A_333 = arith.addi %mul3A_331, %add3A_332 : i32
    %jit3A_334 = arith.constant 6 : i32
    %div3A_335 = arith.divsi %add3A_333, %jit3A_334 : i32
    %sign3A_336 = arith.constant 0 : i32
    %sign3A_337 = arith.cmpi sgt, %add3A_333, %sign3A_336 : i32
    %sign3A_338 = arith.extui %sign3A_337 : i1 to i32
    %sign3A_339 = arith.constant 0 : i32
    %sign3A_340 = arith.cmpi slt, %add3A_333, %sign3A_339 : i32
    %sign3A_341 = arith.extui %sign3A_340 : i1 to i32
    %sign3A_342 = arith.subi %sign3A_338, %sign3A_341 : i32
    %sign3A_343 = arith.constant 0 : i32
    %sign3A_344 = arith.cmpi sgt, %jit3A_334, %sign3A_343 : i32
    %sign3A_345 = arith.extui %sign3A_344 : i1 to i32
    %sign3A_346 = arith.constant 0 : i32
    %sign3A_347 = arith.cmpi slt, %jit3A_334, %sign3A_346 : i32
    %sign3A_348 = arith.extui %sign3A_347 : i1 to i32
    %sign3A_349 = arith.subi %sign3A_345, %sign3A_348 : i32
    %ne3A_350 = arith.cmpi ne, %sign3A_342, %sign3A_349 : i32
    %rem3A_351 = arith.remsi %add3A_333, %jit3A_334 : i32
    %ne3A_352 = arith.constant 0 : i32
    %ne3A_353 = arith.cmpi ne, %rem3A_351, %ne3A_352 : i32
    %and3A_354 = arith.andi %ne3A_350, %ne3A_353 : i1
    %sub3A_355 = arith.constant 1 : i32
    %sub3A_356 = arith.subi %div3A_335, %sub3A_355 : i32
    %select_n3A_357 = arith.select %and3A_354, %sub3A_356, %div3A_335 : i32
    %mul3A_358 = arith.constant 12 : i32
    %mul3A_359 = arith.muli %arg0, %mul3A_358 : i32
    %add3A_360 = arith.constant 3 : i32
    %add3A_361 = arith.addi %mul3A_359, %add3A_360 : i32
    %jit3A_362 = arith.constant 6 : i32
    %eq3A_363 = arith.constant 0 : i32
    %eq3A_364 = arith.cmpi eq, %jit3A_362, %eq3A_363 : i32
    %jit3A_365 = arith.constant 1 : i32
    %select_n3A_366 = arith.select %eq3A_364, %jit3A_365, %jit3A_362 : i32
    %rem3A_367 = arith.remsi %add3A_361, %select_n3A_366 : i32
    %ne3A_368 = arith.constant 0 : i32
    %ne3A_369 = arith.cmpi ne, %rem3A_367, %ne3A_368 : i32
    %lt3A_370 = arith.constant 0 : i32
    %lt3A_371 = arith.cmpi slt, %rem3A_367, %lt3A_370 : i32
    %lt3A_372 = arith.constant 0 : i32
    %lt3A_373 = arith.cmpi slt, %select_n3A_366, %lt3A_372 : i32
    %ne3A_374 = arith.xori %lt3A_371, %lt3A_373 : i1
    %and3A_375 = arith.andi %ne3A_374, %ne3A_369 : i1
    %add3A_376 = arith.addi %rem3A_367, %select_n3A_366 : i32
    %select_n3A_377 = arith.select %and3A_375, %add3A_376, %rem3A_367 : i32
    %mul3A_378 = arith.constant 16 : i32
    %mul3A_379 = arith.muli %select_n3A_377, %mul3A_378 : i32
    %dma_start3A_380 = tpu.memref_slice %arg3[%select_n3A_357, %mul3A_0, %mul3A_379] : memref<4x50176x96xf32, #tpu.memory_space<hbm>> -> memref<1x3136x16xf32, #tpu.memory_space<hbm>>
    %dma_start3A_381 = tpu.memref_squeeze %dma_start3A_380 : memref<1x3136x16xf32, #tpu.memory_space<hbm>> -> memref<3136x16xf32, #tpu.memory_space<hbm>>
    %dma_start3A_382 = tpu.memref_slice %arg3[%select_n3A_357, %mul3A_0, %mul3A_379] : memref<4x50176x96xf32, #tpu.memory_space<hbm>> -> memref<1x3136x16xf32, #tpu.memory_space<hbm>>
    %dma_start3A_383 = tpu.memref_squeeze %dma_start3A_382 : memref<1x3136x16xf32, #tpu.memory_space<hbm>> -> memref<3136x16xf32, #tpu.memory_space<hbm>>
    tpu.enqueue_dma source(%arg5 : memref<3136x16xf32, #tpu.memory_space<vmem>>) target(%dma_start3A_383 : memref<3136x16xf32, #tpu.memory_space<hbm>>) target_semaphore(%arg7 : memref<!tpu.dma_semaphore, #tpu.memory_space<semaphore_mem>>)
    %mul3A_384 = arith.constant 12 : i32
    %mul3A_385 = arith.muli %arg0, %mul3A_384 : i32
    %add3A_386 = arith.constant 2 : i32
    %add3A_387 = arith.addi %mul3A_385, %add3A_386 : i32
    %jit3A_388 = arith.constant 6 : i32
    %div3A_389 = arith.divsi %add3A_387, %jit3A_388 : i32
    %sign3A_390 = arith.constant 0 : i32
    %sign3A_391 = arith.cmpi sgt, %add3A_387, %sign3A_390 : i32
    %sign3A_392 = arith.extui %sign3A_391 : i1 to i32
    %sign3A_393 = arith.constant 0 : i32
    %sign3A_394 = arith.cmpi slt, %add3A_387, %sign3A_393 : i32
    %sign3A_395 = arith.extui %sign3A_394 : i1 to i32
    %sign3A_396 = arith.subi %sign3A_392, %sign3A_395 : i32
    %sign3A_397 = arith.constant 0 : i32
    %sign3A_398 = arith.cmpi sgt, %jit3A_388, %sign3A_397 : i32
    %sign3A_399 = arith.extui %sign3A_398 : i1 to i32
    %sign3A_400 = arith.constant 0 : i32
    %sign3A_401 = arith.cmpi slt, %jit3A_388, %sign3A_400 : i32
    %sign3A_402 = arith.extui %sign3A_401 : i1 to i32
    %sign3A_403 = arith.subi %sign3A_399, %sign3A_402 : i32
    %ne3A_404 = arith.cmpi ne, %sign3A_396, %sign3A_403 : i32
    %rem3A_405 = arith.remsi %add3A_387, %jit3A_388 : i32
    %ne3A_406 = arith.constant 0 : i32
    %ne3A_407 = arith.cmpi ne, %rem3A_405, %ne3A_406 : i32
    %and3A_408 = arith.andi %ne3A_404, %ne3A_407 : i1
    %sub3A_409 = arith.constant 1 : i32
    %sub3A_410 = arith.subi %div3A_389, %sub3A_409 : i32
    %select_n3A_411 = arith.select %and3A_408, %sub3A_410, %div3A_389 : i32
    %jit3A_412 = arith.constant 6 : i32
    %eq3A_413 = arith.constant 0 : i32
    %eq3A_414 = arith.cmpi eq, %jit3A_412, %eq3A_413 : i32
    %jit3A_415 = arith.constant 1 : i32
    %select_n3A_416 = arith.select %eq3A_414, %jit3A_415, %jit3A_412 : i32
    %rem3A_417 = arith.remsi %add3A_387, %select_n3A_416 : i32
    %ne3A_418 = arith.constant 0 : i32
    %ne3A_419 = arith.cmpi ne, %rem3A_417, %ne3A_418 : i32
    %lt3A_420 = arith.constant 0 : i32
    %lt3A_421 = arith.cmpi slt, %rem3A_417, %lt3A_420 : i32
    %lt3A_422 = arith.constant 0 : i32
    %lt3A_423 = arith.cmpi slt, %select_n3A_416, %lt3A_422 : i32
    %ne3A_424 = arith.xori %lt3A_421, %lt3A_423 : i1
    %and3A_425 = arith.andi %ne3A_424, %ne3A_419 : i1
    %add3A_426 = arith.addi %rem3A_417, %select_n3A_416 : i32
    %select_n3A_427 = arith.select %and3A_425, %add3A_426, %rem3A_417 : i32
    %mul3A_428 = arith.constant 16 : i32
    %mul3A_429 = arith.muli %select_n3A_427, %mul3A_428 : i32
    %dma_wait3A_430 = tpu.memref_slice %arg3[%select_n3A_411, %mul3A_0, %mul3A_429] : memref<4x50176x96xf32, #tpu.memory_space<hbm>> -> memref<1x3136x16xf32, #tpu.memory_space<hbm>>
    %dma_wait3A_431 = tpu.memref_squeeze %dma_wait3A_430 : memref<1x3136x16xf32, #tpu.memory_space<hbm>> -> memref<3136x16xf32, #tpu.memory_space<hbm>>
    %dma_wait3A_432 = tpu.memref_slice %arg3[%select_n3A_411, %mul3A_0, %mul3A_429] : memref<4x50176x96xf32, #tpu.memory_space<hbm>> -> memref<1x3136x16xf32, #tpu.memory_space<hbm>>
    %dma_wait3A_433 = tpu.memref_squeeze %dma_wait3A_432 : memref<1x3136x16xf32, #tpu.memory_space<hbm>> -> memref<3136x16xf32, #tpu.memory_space<hbm>>
    tpu.wait_dma2 semaphore(%arg7 : memref<!tpu.dma_semaphore, #tpu.memory_space<semaphore_mem>>) src(%arg4 : memref<3136x16xf32, #tpu.memory_space<vmem>>) dst(%dma_wait3A_433 : memref<3136x16xf32, #tpu.memory_space<hbm>>)
    %mul3A_434 = arith.constant 12 : i32
    %mul3A_435 = arith.muli %arg0, %mul3A_434 : i32
    %add3A_436 = arith.constant 4 : i32
    %add3A_437 = arith.addi %mul3A_435, %add3A_436 : i32
    %dma_start3A_438 = arith.constant 0 : i32
    %dma_start3A_439 = tpu.memref_slice %arg2[%add3A_437, %mul3A_0, %dma_start3A_438] : memref<24x50176x16xf32, #tpu.memory_space<hbm>> -> memref<1x3136x16xf32, #tpu.memory_space<hbm>>
    %dma_start3A_440 = tpu.memref_squeeze %dma_start3A_439 : memref<1x3136x16xf32, #tpu.memory_space<hbm>> -> memref<3136x16xf32, #tpu.memory_space<hbm>>
    %dma_start3A_441 = arith.constant 0 : i32
    %dma_start3A_442 = tpu.memref_slice %arg2[%add3A_437, %mul3A_0, %dma_start3A_441] : memref<24x50176x16xf32, #tpu.memory_space<hbm>> -> memref<1x3136x16xf32, #tpu.memory_space<hbm>>
    %dma_start3A_443 = tpu.memref_squeeze %dma_start3A_442 : memref<1x3136x16xf32, #tpu.memory_space<hbm>> -> memref<3136x16xf32, #tpu.memory_space<hbm>>
    tpu.enqueue_dma source(%dma_start3A_443 : memref<3136x16xf32, #tpu.memory_space<hbm>>) target(%arg4 : memref<3136x16xf32, #tpu.memory_space<vmem>>) target_semaphore(%arg6 : memref<!tpu.dma_semaphore, #tpu.memory_space<semaphore_mem>>)
    %mul3A_444 = arith.constant 12 : i32
    %mul3A_445 = arith.muli %arg0, %mul3A_444 : i32
    %add3A_446 = arith.constant 4 : i32
    %add3A_447 = arith.addi %mul3A_445, %add3A_446 : i32
    %dma_wait3A_448 = arith.constant 0 : i32
    %dma_wait3A_449 = tpu.memref_slice %arg2[%add3A_447, %mul3A_0, %dma_wait3A_448] : memref<24x50176x16xf32, #tpu.memory_space<hbm>> -> memref<1x3136x16xf32, #tpu.memory_space<hbm>>
    %dma_wait3A_450 = tpu.memref_squeeze %dma_wait3A_449 : memref<1x3136x16xf32, #tpu.memory_space<hbm>> -> memref<3136x16xf32, #tpu.memory_space<hbm>>
    %dma_wait3A_451 = arith.constant 0 : i32
    %dma_wait3A_452 = tpu.memref_slice %arg2[%add3A_447, %mul3A_0, %dma_wait3A_451] : memref<24x50176x16xf32, #tpu.memory_space<hbm>> -> memref<1x3136x16xf32, #tpu.memory_space<hbm>>
    %dma_wait3A_453 = tpu.memref_squeeze %dma_wait3A_452 : memref<1x3136x16xf32, #tpu.memory_space<hbm>> -> memref<3136x16xf32, #tpu.memory_space<hbm>>
    tpu.wait_dma2 semaphore(%arg6 : memref<!tpu.dma_semaphore, #tpu.memory_space<semaphore_mem>>) src(%dma_wait3A_453 : memref<3136x16xf32, #tpu.memory_space<hbm>>) dst(%arg4 : memref<3136x16xf32, #tpu.memory_space<vmem>>)
    %mul3A_454 = arith.constant 12 : i32
    %mul3A_455 = arith.muli %arg0, %mul3A_454 : i32
    %add3A_456 = arith.constant 4 : i32
    %add3A_457 = arith.addi %mul3A_455, %add3A_456 : i32
    %jit3A_458 = arith.constant 6 : i32
    %div3A_459 = arith.divsi %add3A_457, %jit3A_458 : i32
    %sign3A_460 = arith.constant 0 : i32
    %sign3A_461 = arith.cmpi sgt, %add3A_457, %sign3A_460 : i32
    %sign3A_462 = arith.extui %sign3A_461 : i1 to i32
    %sign3A_463 = arith.constant 0 : i32
    %sign3A_464 = arith.cmpi slt, %add3A_457, %sign3A_463 : i32
    %sign3A_465 = arith.extui %sign3A_464 : i1 to i32
    %sign3A_466 = arith.subi %sign3A_462, %sign3A_465 : i32
    %sign3A_467 = arith.constant 0 : i32
    %sign3A_468 = arith.cmpi sgt, %jit3A_458, %sign3A_467 : i32
    %sign3A_469 = arith.extui %sign3A_468 : i1 to i32
    %sign3A_470 = arith.constant 0 : i32
    %sign3A_471 = arith.cmpi slt, %jit3A_458, %sign3A_470 : i32
    %sign3A_472 = arith.extui %sign3A_471 : i1 to i32
    %sign3A_473 = arith.subi %sign3A_469, %sign3A_472 : i32
    %ne3A_474 = arith.cmpi ne, %sign3A_466, %sign3A_473 : i32
    %rem3A_475 = arith.remsi %add3A_457, %jit3A_458 : i32
    %ne3A_476 = arith.constant 0 : i32
    %ne3A_477 = arith.cmpi ne, %rem3A_475, %ne3A_476 : i32
    %and3A_478 = arith.andi %ne3A_474, %ne3A_477 : i1
    %sub3A_479 = arith.constant 1 : i32
    %sub3A_480 = arith.subi %div3A_459, %sub3A_479 : i32
    %select_n3A_481 = arith.select %and3A_478, %sub3A_480, %div3A_459 : i32
    %mul3A_482 = arith.constant 12 : i32
    %mul3A_483 = arith.muli %arg0, %mul3A_482 : i32
    %add3A_484 = arith.constant 4 : i32
    %add3A_485 = arith.addi %mul3A_483, %add3A_484 : i32
    %jit3A_486 = arith.constant 6 : i32
    %eq3A_487 = arith.constant 0 : i32
    %eq3A_488 = arith.cmpi eq, %jit3A_486, %eq3A_487 : i32
    %jit3A_489 = arith.constant 1 : i32
    %select_n3A_490 = arith.select %eq3A_488, %jit3A_489, %jit3A_486 : i32
    %rem3A_491 = arith.remsi %add3A_485, %select_n3A_490 : i32
    %ne3A_492 = arith.constant 0 : i32
    %ne3A_493 = arith.cmpi ne, %rem3A_491, %ne3A_492 : i32
    %lt3A_494 = arith.constant 0 : i32
    %lt3A_495 = arith.cmpi slt, %rem3A_491, %lt3A_494 : i32
    %lt3A_496 = arith.constant 0 : i32
    %lt3A_497 = arith.cmpi slt, %select_n3A_490, %lt3A_496 : i32
    %ne3A_498 = arith.xori %lt3A_495, %lt3A_497 : i1
    %and3A_499 = arith.andi %ne3A_498, %ne3A_493 : i1
    %add3A_500 = arith.addi %rem3A_491, %select_n3A_490 : i32
    %select_n3A_501 = arith.select %and3A_499, %add3A_500, %rem3A_491 : i32
    %mul3A_502 = arith.constant 16 : i32
    %mul3A_503 = arith.muli %select_n3A_501, %mul3A_502 : i32
    %dma_start3A_504 = tpu.memref_slice %arg3[%select_n3A_481, %mul3A_0, %mul3A_503] : memref<4x50176x96xf32, #tpu.memory_space<hbm>> -> memref<1x3136x16xf32, #tpu.memory_space<hbm>>
    %dma_start3A_505 = tpu.memref_squeeze %dma_start3A_504 : memref<1x3136x16xf32, #tpu.memory_space<hbm>> -> memref<3136x16xf32, #tpu.memory_space<hbm>>
    %dma_start3A_506 = tpu.memref_slice %arg3[%select_n3A_481, %mul3A_0, %mul3A_503] : memref<4x50176x96xf32, #tpu.memory_space<hbm>> -> memref<1x3136x16xf32, #tpu.memory_space<hbm>>
    %dma_start3A_507 = tpu.memref_squeeze %dma_start3A_506 : memref<1x3136x16xf32, #tpu.memory_space<hbm>> -> memref<3136x16xf32, #tpu.memory_space<hbm>>
    tpu.enqueue_dma source(%arg4 : memref<3136x16xf32, #tpu.memory_space<vmem>>) target(%dma_start3A_507 : memref<3136x16xf32, #tpu.memory_space<hbm>>) target_semaphore(%arg7 : memref<!tpu.dma_semaphore, #tpu.memory_space<semaphore_mem>>)
    %mul3A_508 = arith.constant 12 : i32
    %mul3A_509 = arith.muli %arg0, %mul3A_508 : i32
    %add3A_510 = arith.constant 3 : i32
    %add3A_511 = arith.addi %mul3A_509, %add3A_510 : i32
    %jit3A_512 = arith.constant 6 : i32
    %div3A_513 = arith.divsi %add3A_511, %jit3A_512 : i32
    %sign3A_514 = arith.constant 0 : i32
    %sign3A_515 = arith.cmpi sgt, %add3A_511, %sign3A_514 : i32
    %sign3A_516 = arith.extui %sign3A_515 : i1 to i32
    %sign3A_517 = arith.constant 0 : i32
    %sign3A_518 = arith.cmpi slt, %add3A_511, %sign3A_517 : i32
    %sign3A_519 = arith.extui %sign3A_518 : i1 to i32
    %sign3A_520 = arith.subi %sign3A_516, %sign3A_519 : i32
    %sign3A_521 = arith.constant 0 : i32
    %sign3A_522 = arith.cmpi sgt, %jit3A_512, %sign3A_521 : i32
    %sign3A_523 = arith.extui %sign3A_522 : i1 to i32
    %sign3A_524 = arith.constant 0 : i32
    %sign3A_525 = arith.cmpi slt, %jit3A_512, %sign3A_524 : i32
    %sign3A_526 = arith.extui %sign3A_525 : i1 to i32
    %sign3A_527 = arith.subi %sign3A_523, %sign3A_526 : i32
    %ne3A_528 = arith.cmpi ne, %sign3A_520, %sign3A_527 : i32
    %rem3A_529 = arith.remsi %add3A_511, %jit3A_512 : i32
    %ne3A_530 = arith.constant 0 : i32
    %ne3A_531 = arith.cmpi ne, %rem3A_529, %ne3A_530 : i32
    %and3A_532 = arith.andi %ne3A_528, %ne3A_531 : i1
    %sub3A_533 = arith.constant 1 : i32
    %sub3A_534 = arith.subi %div3A_513, %sub3A_533 : i32
    %select_n3A_535 = arith.select %and3A_532, %sub3A_534, %div3A_513 : i32
    %jit3A_536 = arith.constant 6 : i32
    %eq3A_537 = arith.constant 0 : i32
    %eq3A_538 = arith.cmpi eq, %jit3A_536, %eq3A_537 : i32
    %jit3A_539 = arith.constant 1 : i32
    %select_n3A_540 = arith.select %eq3A_538, %jit3A_539, %jit3A_536 : i32
    %rem3A_541 = arith.remsi %add3A_511, %select_n3A_540 : i32
    %ne3A_542 = arith.constant 0 : i32
    %ne3A_543 = arith.cmpi ne, %rem3A_541, %ne3A_542 : i32
    %lt3A_544 = arith.constant 0 : i32
    %lt3A_545 = arith.cmpi slt, %rem3A_541, %lt3A_544 : i32
    %lt3A_546 = arith.constant 0 : i32
    %lt3A_547 = arith.cmpi slt, %select_n3A_540, %lt3A_546 : i32
    %ne3A_548 = arith.xori %lt3A_545, %lt3A_547 : i1
    %and3A_549 = arith.andi %ne3A_548, %ne3A_543 : i1
    %add3A_550 = arith.addi %rem3A_541, %select_n3A_540 : i32
    %select_n3A_551 = arith.select %and3A_549, %add3A_550, %rem3A_541 : i32
    %mul3A_552 = arith.constant 16 : i32
    %mul3A_553 = arith.muli %select_n3A_551, %mul3A_552 : i32
    %dma_wait3A_554 = tpu.memref_slice %arg3[%select_n3A_535, %mul3A_0, %mul3A_553] : memref<4x50176x96xf32, #tpu.memory_space<hbm>> -> memref<1x3136x16xf32, #tpu.memory_space<hbm>>
    %dma_wait3A_555 = tpu.memref_squeeze %dma_wait3A_554 : memref<1x3136x16xf32, #tpu.memory_space<hbm>> -> memref<3136x16xf32, #tpu.memory_space<hbm>>
    %dma_wait3A_556 = tpu.memref_slice %arg3[%select_n3A_535, %mul3A_0, %mul3A_553] : memref<4x50176x96xf32, #tpu.memory_space<hbm>> -> memref<1x3136x16xf32, #tpu.memory_space<hbm>>
    %dma_wait3A_557 = tpu.memref_squeeze %dma_wait3A_556 : memref<1x3136x16xf32, #tpu.memory_space<hbm>> -> memref<3136x16xf32, #tpu.memory_space<hbm>>
    tpu.wait_dma2 semaphore(%arg7 : memref<!tpu.dma_semaphore, #tpu.memory_space<semaphore_mem>>) src(%arg5 : memref<3136x16xf32, #tpu.memory_space<vmem>>) dst(%dma_wait3A_557 : memref<3136x16xf32, #tpu.memory_space<hbm>>)
    %mul3A_558 = arith.constant 12 : i32
    %mul3A_559 = arith.muli %arg0, %mul3A_558 : i32
    %add3A_560 = arith.constant 5 : i32
    %add3A_561 = arith.addi %mul3A_559, %add3A_560 : i32
    %dma_start3A_562 = arith.constant 0 : i32
    %dma_start3A_563 = tpu.memref_slice %arg2[%add3A_561, %mul3A_0, %dma_start3A_562] : memref<24x50176x16xf32, #tpu.memory_space<hbm>> -> memref<1x3136x16xf32, #tpu.memory_space<hbm>>
    %dma_start3A_564 = tpu.memref_squeeze %dma_start3A_563 : memref<1x3136x16xf32, #tpu.memory_space<hbm>> -> memref<3136x16xf32, #tpu.memory_space<hbm>>
    %dma_start3A_565 = arith.constant 0 : i32
    %dma_start3A_566 = tpu.memref_slice %arg2[%add3A_561, %mul3A_0, %dma_start3A_565] : memref<24x50176x16xf32, #tpu.memory_space<hbm>> -> memref<1x3136x16xf32, #tpu.memory_space<hbm>>
    %dma_start3A_567 = tpu.memref_squeeze %dma_start3A_566 : memref<1x3136x16xf32, #tpu.memory_space<hbm>> -> memref<3136x16xf32, #tpu.memory_space<hbm>>
    tpu.enqueue_dma source(%dma_start3A_567 : memref<3136x16xf32, #tpu.memory_space<hbm>>) target(%arg5 : memref<3136x16xf32, #tpu.memory_space<vmem>>) target_semaphore(%arg6 : memref<!tpu.dma_semaphore, #tpu.memory_space<semaphore_mem>>)
    %mul3A_568 = arith.constant 12 : i32
    %mul3A_569 = arith.muli %arg0, %mul3A_568 : i32
    %add3A_570 = arith.constant 5 : i32
    %add3A_571 = arith.addi %mul3A_569, %add3A_570 : i32
    %dma_wait3A_572 = arith.constant 0 : i32
    %dma_wait3A_573 = tpu.memref_slice %arg2[%add3A_571, %mul3A_0, %dma_wait3A_572] : memref<24x50176x16xf32, #tpu.memory_space<hbm>> -> memref<1x3136x16xf32, #tpu.memory_space<hbm>>
    %dma_wait3A_574 = tpu.memref_squeeze %dma_wait3A_573 : memref<1x3136x16xf32, #tpu.memory_space<hbm>> -> memref<3136x16xf32, #tpu.memory_space<hbm>>
    %dma_wait3A_575 = arith.constant 0 : i32
    %dma_wait3A_576 = tpu.memref_slice %arg2[%add3A_571, %mul3A_0, %dma_wait3A_575] : memref<24x50176x16xf32, #tpu.memory_space<hbm>> -> memref<1x3136x16xf32, #tpu.memory_space<hbm>>
    %dma_wait3A_577 = tpu.memref_squeeze %dma_wait3A_576 : memref<1x3136x16xf32, #tpu.memory_space<hbm>> -> memref<3136x16xf32, #tpu.memory_space<hbm>>
    tpu.wait_dma2 semaphore(%arg6 : memref<!tpu.dma_semaphore, #tpu.memory_space<semaphore_mem>>) src(%dma_wait3A_577 : memref<3136x16xf32, #tpu.memory_space<hbm>>) dst(%arg5 : memref<3136x16xf32, #tpu.memory_space<vmem>>)
    %mul3A_578 = arith.constant 12 : i32
    %mul3A_579 = arith.muli %arg0, %mul3A_578 : i32
    %add3A_580 = arith.constant 5 : i32
    %add3A_581 = arith.addi %mul3A_579, %add3A_580 : i32
    %jit3A_582 = arith.constant 6 : i32
    %div3A_583 = arith.divsi %add3A_581, %jit3A_582 : i32
    %sign3A_584 = arith.constant 0 : i32
    %sign3A_585 = arith.cmpi sgt, %add3A_581, %sign3A_584 : i32
    %sign3A_586 = arith.extui %sign3A_585 : i1 to i32
    %sign3A_587 = arith.constant 0 : i32
    %sign3A_588 = arith.cmpi slt, %add3A_581, %sign3A_587 : i32
    %sign3A_589 = arith.extui %sign3A_588 : i1 to i32
    %sign3A_590 = arith.subi %sign3A_586, %sign3A_589 : i32
    %sign3A_591 = arith.constant 0 : i32
    %sign3A_592 = arith.cmpi sgt, %jit3A_582, %sign3A_591 : i32
    %sign3A_593 = arith.extui %sign3A_592 : i1 to i32
    %sign3A_594 = arith.constant 0 : i32
    %sign3A_595 = arith.cmpi slt, %jit3A_582, %sign3A_594 : i32
    %sign3A_596 = arith.extui %sign3A_595 : i1 to i32
    %sign3A_597 = arith.subi %sign3A_593, %sign3A_596 : i32
    %ne3A_598 = arith.cmpi ne, %sign3A_590, %sign3A_597 : i32
    %rem3A_599 = arith.remsi %add3A_581, %jit3A_582 : i32
    %ne3A_600 = arith.constant 0 : i32
    %ne3A_601 = arith.cmpi ne, %rem3A_599, %ne3A_600 : i32
    %and3A_602 = arith.andi %ne3A_598, %ne3A_601 : i1
    %sub3A_603 = arith.constant 1 : i32
    %sub3A_604 = arith.subi %div3A_583, %sub3A_603 : i32
    %select_n3A_605 = arith.select %and3A_602, %sub3A_604, %div3A_583 : i32
    %mul3A_606 = arith.constant 12 : i32
    %mul3A_607 = arith.muli %arg0, %mul3A_606 : i32
    %add3A_608 = arith.constant 5 : i32
    %add3A_609 = arith.addi %mul3A_607, %add3A_608 : i32
    %jit3A_610 = arith.constant 6 : i32
    %eq3A_611 = arith.constant 0 : i32
    %eq3A_612 = arith.cmpi eq, %jit3A_610, %eq3A_611 : i32
    %jit3A_613 = arith.constant 1 : i32
    %select_n3A_614 = arith.select %eq3A_612, %jit3A_613, %jit3A_610 : i32
    %rem3A_615 = arith.remsi %add3A_609, %select_n3A_614 : i32
    %ne3A_616 = arith.constant 0 : i32
    %ne3A_617 = arith.cmpi ne, %rem3A_615, %ne3A_616 : i32
    %lt3A_618 = arith.constant 0 : i32
    %lt3A_619 = arith.cmpi slt, %rem3A_615, %lt3A_618 : i32
    %lt3A_620 = arith.constant 0 : i32
    %lt3A_621 = arith.cmpi slt, %select_n3A_614, %lt3A_620 : i32
    %ne3A_622 = arith.xori %lt3A_619, %lt3A_621 : i1
    %and3A_623 = arith.andi %ne3A_622, %ne3A_617 : i1
    %add3A_624 = arith.addi %rem3A_615, %select_n3A_614 : i32
    %select_n3A_625 = arith.select %and3A_623, %add3A_624, %rem3A_615 : i32
    %mul3A_626 = arith.constant 16 : i32
    %mul3A_627 = arith.muli %select_n3A_625, %mul3A_626 : i32
    %dma_start3A_628 = tpu.memref_slice %arg3[%select_n3A_605, %mul3A_0, %mul3A_627] : memref<4x50176x96xf32, #tpu.memory_space<hbm>> -> memref<1x3136x16xf32, #tpu.memory_space<hbm>>
    %dma_start3A_629 = tpu.memref_squeeze %dma_start3A_628 : memref<1x3136x16xf32, #tpu.memory_space<hbm>> -> memref<3136x16xf32, #tpu.memory_space<hbm>>
    %dma_start3A_630 = tpu.memref_slice %arg3[%select_n3A_605, %mul3A_0, %mul3A_627] : memref<4x50176x96xf32, #tpu.memory_space<hbm>> -> memref<1x3136x16xf32, #tpu.memory_space<hbm>>
    %dma_start3A_631 = tpu.memref_squeeze %dma_start3A_630 : memref<1x3136x16xf32, #tpu.memory_space<hbm>> -> memref<3136x16xf32, #tpu.memory_space<hbm>>
    tpu.enqueue_dma source(%arg5 : memref<3136x16xf32, #tpu.memory_space<vmem>>) target(%dma_start3A_631 : memref<3136x16xf32, #tpu.memory_space<hbm>>) target_semaphore(%arg7 : memref<!tpu.dma_semaphore, #tpu.memory_space<semaphore_mem>>)
    %mul3A_632 = arith.constant 12 : i32
    %mul3A_633 = arith.muli %arg0, %mul3A_632 : i32
    %add3A_634 = arith.constant 4 : i32
    %add3A_635 = arith.addi %mul3A_633, %add3A_634 : i32
    %jit3A_636 = arith.constant 6 : i32
    %div3A_637 = arith.divsi %add3A_635, %jit3A_636 : i32
    %sign3A_638 = arith.constant 0 : i32
    %sign3A_639 = arith.cmpi sgt, %add3A_635, %sign3A_638 : i32
    %sign3A_640 = arith.extui %sign3A_639 : i1 to i32
    %sign3A_641 = arith.constant 0 : i32
    %sign3A_642 = arith.cmpi slt, %add3A_635, %sign3A_641 : i32
    %sign3A_643 = arith.extui %sign3A_642 : i1 to i32
    %sign3A_644 = arith.subi %sign3A_640, %sign3A_643 : i32
    %sign3A_645 = arith.constant 0 : i32
    %sign3A_646 = arith.cmpi sgt, %jit3A_636, %sign3A_645 : i32
    %sign3A_647 = arith.extui %sign3A_646 : i1 to i32
    %sign3A_648 = arith.constant 0 : i32
    %sign3A_649 = arith.cmpi slt, %jit3A_636, %sign3A_648 : i32
    %sign3A_650 = arith.extui %sign3A_649 : i1 to i32
    %sign3A_651 = arith.subi %sign3A_647, %sign3A_650 : i32
    %ne3A_652 = arith.cmpi ne, %sign3A_644, %sign3A_651 : i32
    %rem3A_653 = arith.remsi %add3A_635, %jit3A_636 : i32
    %ne3A_654 = arith.constant 0 : i32
    %ne3A_655 = arith.cmpi ne, %rem3A_653, %ne3A_654 : i32
    %and3A_656 = arith.andi %ne3A_652, %ne3A_655 : i1
    %sub3A_657 = arith.constant 1 : i32
    %sub3A_658 = arith.subi %div3A_637, %sub3A_657 : i32
    %select_n3A_659 = arith.select %and3A_656, %sub3A_658, %div3A_637 : i32
    %jit3A_660 = arith.constant 6 : i32
    %eq3A_661 = arith.constant 0 : i32
    %eq3A_662 = arith.cmpi eq, %jit3A_660, %eq3A_661 : i32
    %jit3A_663 = arith.constant 1 : i32
    %select_n3A_664 = arith.select %eq3A_662, %jit3A_663, %jit3A_660 : i32
    %rem3A_665 = arith.remsi %add3A_635, %select_n3A_664 : i32
    %ne3A_666 = arith.constant 0 : i32
    %ne3A_667 = arith.cmpi ne, %rem3A_665, %ne3A_666 : i32
    %lt3A_668 = arith.constant 0 : i32
    %lt3A_669 = arith.cmpi slt, %rem3A_665, %lt3A_668 : i32
    %lt3A_670 = arith.constant 0 : i32
    %lt3A_671 = arith.cmpi slt, %select_n3A_664, %lt3A_670 : i32
    %ne3A_672 = arith.xori %lt3A_669, %lt3A_671 : i1
    %and3A_673 = arith.andi %ne3A_672, %ne3A_667 : i1
    %add3A_674 = arith.addi %rem3A_665, %select_n3A_664 : i32
    %select_n3A_675 = arith.select %and3A_673, %add3A_674, %rem3A_665 : i32
    %mul3A_676 = arith.constant 16 : i32
    %mul3A_677 = arith.muli %select_n3A_675, %mul3A_676 : i32
    %dma_wait3A_678 = tpu.memref_slice %arg3[%select_n3A_659, %mul3A_0, %mul3A_677] : memref<4x50176x96xf32, #tpu.memory_space<hbm>> -> memref<1x3136x16xf32, #tpu.memory_space<hbm>>
    %dma_wait3A_679 = tpu.memref_squeeze %dma_wait3A_678 : memref<1x3136x16xf32, #tpu.memory_space<hbm>> -> memref<3136x16xf32, #tpu.memory_space<hbm>>
    %dma_wait3A_680 = tpu.memref_slice %arg3[%select_n3A_659, %mul3A_0, %mul3A_677] : memref<4x50176x96xf32, #tpu.memory_space<hbm>> -> memref<1x3136x16xf32, #tpu.memory_space<hbm>>
    %dma_wait3A_681 = tpu.memref_squeeze %dma_wait3A_680 : memref<1x3136x16xf32, #tpu.memory_space<hbm>> -> memref<3136x16xf32, #tpu.memory_space<hbm>>
    tpu.wait_dma2 semaphore(%arg7 : memref<!tpu.dma_semaphore, #tpu.memory_space<semaphore_mem>>) src(%arg4 : memref<3136x16xf32, #tpu.memory_space<vmem>>) dst(%dma_wait3A_681 : memref<3136x16xf32, #tpu.memory_space<hbm>>)
    %mul3A_682 = arith.constant 12 : i32
    %mul3A_683 = arith.muli %arg0, %mul3A_682 : i32
    %add3A_684 = arith.constant 6 : i32
    %add3A_685 = arith.addi %mul3A_683, %add3A_684 : i32
    %dma_start3A_686 = arith.constant 0 : i32
    %dma_start3A_687 = tpu.memref_slice %arg2[%add3A_685, %mul3A_0, %dma_start3A_686] : memref<24x50176x16xf32, #tpu.memory_space<hbm>> -> memref<1x3136x16xf32, #tpu.memory_space<hbm>>
    %dma_start3A_688 = tpu.memref_squeeze %dma_start3A_687 : memref<1x3136x16xf32, #tpu.memory_space<hbm>> -> memref<3136x16xf32, #tpu.memory_space<hbm>>
    %dma_start3A_689 = arith.constant 0 : i32
    %dma_start3A_690 = tpu.memref_slice %arg2[%add3A_685, %mul3A_0, %dma_start3A_689] : memref<24x50176x16xf32, #tpu.memory_space<hbm>> -> memref<1x3136x16xf32, #tpu.memory_space<hbm>>
    %dma_start3A_691 = tpu.memref_squeeze %dma_start3A_690 : memref<1x3136x16xf32, #tpu.memory_space<hbm>> -> memref<3136x16xf32, #tpu.memory_space<hbm>>
    tpu.enqueue_dma source(%dma_start3A_691 : memref<3136x16xf32, #tpu.memory_space<hbm>>) target(%arg4 : memref<3136x16xf32, #tpu.memory_space<vmem>>) target_semaphore(%arg6 : memref<!tpu.dma_semaphore, #tpu.memory_space<semaphore_mem>>)
    %mul3A_692 = arith.constant 12 : i32
    %mul3A_693 = arith.muli %arg0, %mul3A_692 : i32
    %add3A_694 = arith.constant 6 : i32
    %add3A_695 = arith.addi %mul3A_693, %add3A_694 : i32
    %dma_wait3A_696 = arith.constant 0 : i32
    %dma_wait3A_697 = tpu.memref_slice %arg2[%add3A_695, %mul3A_0, %dma_wait3A_696] : memref<24x50176x16xf32, #tpu.memory_space<hbm>> -> memref<1x3136x16xf32, #tpu.memory_space<hbm>>
    %dma_wait3A_698 = tpu.memref_squeeze %dma_wait3A_697 : memref<1x3136x16xf32, #tpu.memory_space<hbm>> -> memref<3136x16xf32, #tpu.memory_space<hbm>>
    %dma_wait3A_699 = arith.constant 0 : i32
    %dma_wait3A_700 = tpu.memref_slice %arg2[%add3A_695, %mul3A_0, %dma_wait3A_699] : memref<24x50176x16xf32, #tpu.memory_space<hbm>> -> memref<1x3136x16xf32, #tpu.memory_space<hbm>>
    %dma_wait3A_701 = tpu.memref_squeeze %dma_wait3A_700 : memref<1x3136x16xf32, #tpu.memory_space<hbm>> -> memref<3136x16xf32, #tpu.memory_space<hbm>>
    tpu.wait_dma2 semaphore(%arg6 : memref<!tpu.dma_semaphore, #tpu.memory_space<semaphore_mem>>) src(%dma_wait3A_701 : memref<3136x16xf32, #tpu.memory_space<hbm>>) dst(%arg4 : memref<3136x16xf32, #tpu.memory_space<vmem>>)
    %mul3A_702 = arith.constant 12 : i32
    %mul3A_703 = arith.muli %arg0, %mul3A_702 : i32
    %add3A_704 = arith.constant 6 : i32
    %add3A_705 = arith.addi %mul3A_703, %add3A_704 : i32
    %jit3A_706 = arith.constant 6 : i32
    %div3A_707 = arith.divsi %add3A_705, %jit3A_706 : i32
    %sign3A_708 = arith.constant 0 : i32
    %sign3A_709 = arith.cmpi sgt, %add3A_705, %sign3A_708 : i32
    %sign3A_710 = arith.extui %sign3A_709 : i1 to i32
    %sign3A_711 = arith.constant 0 : i32
    %sign3A_712 = arith.cmpi slt, %add3A_705, %sign3A_711 : i32
    %sign3A_713 = arith.extui %sign3A_712 : i1 to i32
    %sign3A_714 = arith.subi %sign3A_710, %sign3A_713 : i32
    %sign3A_715 = arith.constant 0 : i32
    %sign3A_716 = arith.cmpi sgt, %jit3A_706, %sign3A_715 : i32
    %sign3A_717 = arith.extui %sign3A_716 : i1 to i32
    %sign3A_718 = arith.constant 0 : i32
    %sign3A_719 = arith.cmpi slt, %jit3A_706, %sign3A_718 : i32
    %sign3A_720 = arith.extui %sign3A_719 : i1 to i32
    %sign3A_721 = arith.subi %sign3A_717, %sign3A_720 : i32
    %ne3A_722 = arith.cmpi ne, %sign3A_714, %sign3A_721 : i32
    %rem3A_723 = arith.remsi %add3A_705, %jit3A_706 : i32
    %ne3A_724 = arith.constant 0 : i32
    %ne3A_725 = arith.cmpi ne, %rem3A_723, %ne3A_724 : i32
    %and3A_726 = arith.andi %ne3A_722, %ne3A_725 : i1
    %sub3A_727 = arith.constant 1 : i32
    %sub3A_728 = arith.subi %div3A_707, %sub3A_727 : i32
    %select_n3A_729 = arith.select %and3A_726, %sub3A_728, %div3A_707 : i32
    %mul3A_730 = arith.constant 12 : i32
    %mul3A_731 = arith.muli %arg0, %mul3A_730 : i32
    %add3A_732 = arith.constant 6 : i32
    %add3A_733 = arith.addi %mul3A_731, %add3A_732 : i32
    %jit3A_734 = arith.constant 6 : i32
    %eq3A_735 = arith.constant 0 : i32
    %eq3A_736 = arith.cmpi eq, %jit3A_734, %eq3A_735 : i32
    %jit3A_737 = arith.constant 1 : i32
    %select_n3A_738 = arith.select %eq3A_736, %jit3A_737, %jit3A_734 : i32
    %rem3A_739 = arith.remsi %add3A_733, %select_n3A_738 : i32
    %ne3A_740 = arith.constant 0 : i32
    %ne3A_741 = arith.cmpi ne, %rem3A_739, %ne3A_740 : i32
    %lt3A_742 = arith.constant 0 : i32
    %lt3A_743 = arith.cmpi slt, %rem3A_739, %lt3A_742 : i32
    %lt3A_744 = arith.constant 0 : i32
    %lt3A_745 = arith.cmpi slt, %select_n3A_738, %lt3A_744 : i32
    %ne3A_746 = arith.xori %lt3A_743, %lt3A_745 : i1
    %and3A_747 = arith.andi %ne3A_746, %ne3A_741 : i1
    %add3A_748 = arith.addi %rem3A_739, %select_n3A_738 : i32
    %select_n3A_749 = arith.select %and3A_747, %add3A_748, %rem3A_739 : i32
    %mul3A_750 = arith.constant 16 : i32
    %mul3A_751 = arith.muli %select_n3A_749, %mul3A_750 : i32
    %dma_start3A_752 = tpu.memref_slice %arg3[%select_n3A_729, %mul3A_0, %mul3A_751] : memref<4x50176x96xf32, #tpu.memory_space<hbm>> -> memref<1x3136x16xf32, #tpu.memory_space<hbm>>
    %dma_start3A_753 = tpu.memref_squeeze %dma_start3A_752 : memref<1x3136x16xf32, #tpu.memory_space<hbm>> -> memref<3136x16xf32, #tpu.memory_space<hbm>>
    %dma_start3A_754 = tpu.memref_slice %arg3[%select_n3A_729, %mul3A_0, %mul3A_751] : memref<4x50176x96xf32, #tpu.memory_space<hbm>> -> memref<1x3136x16xf32, #tpu.memory_space<hbm>>
    %dma_start3A_755 = tpu.memref_squeeze %dma_start3A_754 : memref<1x3136x16xf32, #tpu.memory_space<hbm>> -> memref<3136x16xf32, #tpu.memory_space<hbm>>
    tpu.enqueue_dma source(%arg4 : memref<3136x16xf32, #tpu.memory_space<vmem>>) target(%dma_start3A_755 : memref<3136x16xf32, #tpu.memory_space<hbm>>) target_semaphore(%arg7 : memref<!tpu.dma_semaphore, #tpu.memory_space<semaphore_mem>>)
    %mul3A_756 = arith.constant 12 : i32
    %mul3A_757 = arith.muli %arg0, %mul3A_756 : i32
    %add3A_758 = arith.constant 5 : i32
    %add3A_759 = arith.addi %mul3A_757, %add3A_758 : i32
    %jit3A_760 = arith.constant 6 : i32
    %div3A_761 = arith.divsi %add3A_759, %jit3A_760 : i32
    %sign3A_762 = arith.constant 0 : i32
    %sign3A_763 = arith.cmpi sgt, %add3A_759, %sign3A_762 : i32
    %sign3A_764 = arith.extui %sign3A_763 : i1 to i32
    %sign3A_765 = arith.constant 0 : i32
    %sign3A_766 = arith.cmpi slt, %add3A_759, %sign3A_765 : i32
    %sign3A_767 = arith.extui %sign3A_766 : i1 to i32
    %sign3A_768 = arith.subi %sign3A_764, %sign3A_767 : i32
    %sign3A_769 = arith.constant 0 : i32
    %sign3A_770 = arith.cmpi sgt, %jit3A_760, %sign3A_769 : i32
    %sign3A_771 = arith.extui %sign3A_770 : i1 to i32
    %sign3A_772 = arith.constant 0 : i32
    %sign3A_773 = arith.cmpi slt, %jit3A_760, %sign3A_772 : i32
    %sign3A_774 = arith.extui %sign3A_773 : i1 to i32
    %sign3A_775 = arith.subi %sign3A_771, %sign3A_774 : i32
    %ne3A_776 = arith.cmpi ne, %sign3A_768, %sign3A_775 : i32
    %rem3A_777 = arith.remsi %add3A_759, %jit3A_760 : i32
    %ne3A_778 = arith.constant 0 : i32
    %ne3A_779 = arith.cmpi ne, %rem3A_777, %ne3A_778 : i32
    %and3A_780 = arith.andi %ne3A_776, %ne3A_779 : i1
    %sub3A_781 = arith.constant 1 : i32
    %sub3A_782 = arith.subi %div3A_761, %sub3A_781 : i32
    %select_n3A_783 = arith.select %and3A_780, %sub3A_782, %div3A_761 : i32
    %jit3A_784 = arith.constant 6 : i32
    %eq3A_785 = arith.constant 0 : i32
    %eq3A_786 = arith.cmpi eq, %jit3A_784, %eq3A_785 : i32
    %jit3A_787 = arith.constant 1 : i32
    %select_n3A_788 = arith.select %eq3A_786, %jit3A_787, %jit3A_784 : i32
    %rem3A_789 = arith.remsi %add3A_759, %select_n3A_788 : i32
    %ne3A_790 = arith.constant 0 : i32
    %ne3A_791 = arith.cmpi ne, %rem3A_789, %ne3A_790 : i32
    %lt3A_792 = arith.constant 0 : i32
    %lt3A_793 = arith.cmpi slt, %rem3A_789, %lt3A_792 : i32
    %lt3A_794 = arith.constant 0 : i32
    %lt3A_795 = arith.cmpi slt, %select_n3A_788, %lt3A_794 : i32
    %ne3A_796 = arith.xori %lt3A_793, %lt3A_795 : i1
    %and3A_797 = arith.andi %ne3A_796, %ne3A_791 : i1
    %add3A_798 = arith.addi %rem3A_789, %select_n3A_788 : i32
    %select_n3A_799 = arith.select %and3A_797, %add3A_798, %rem3A_789 : i32
    %mul3A_800 = arith.constant 16 : i32
    %mul3A_801 = arith.muli %select_n3A_799, %mul3A_800 : i32
    %dma_wait3A_802 = tpu.memref_slice %arg3[%select_n3A_783, %mul3A_0, %mul3A_801] : memref<4x50176x96xf32, #tpu.memory_space<hbm>> -> memref<1x3136x16xf32, #tpu.memory_space<hbm>>
    %dma_wait3A_803 = tpu.memref_squeeze %dma_wait3A_802 : memref<1x3136x16xf32, #tpu.memory_space<hbm>> -> memref<3136x16xf32, #tpu.memory_space<hbm>>
    %dma_wait3A_804 = tpu.memref_slice %arg3[%select_n3A_783, %mul3A_0, %mul3A_801] : memref<4x50176x96xf32, #tpu.memory_space<hbm>> -> memref<1x3136x16xf32, #tpu.memory_space<hbm>>
    %dma_wait3A_805 = tpu.memref_squeeze %dma_wait3A_804 : memref<1x3136x16xf32, #tpu.memory_space<hbm>> -> memref<3136x16xf32, #tpu.memory_space<hbm>>
    tpu.wait_dma2 semaphore(%arg7 : memref<!tpu.dma_semaphore, #tpu.memory_space<semaphore_mem>>) src(%arg5 : memref<3136x16xf32, #tpu.memory_space<vmem>>) dst(%dma_wait3A_805 : memref<3136x16xf32, #tpu.memory_space<hbm>>)
    %mul3A_806 = arith.constant 12 : i32
    %mul3A_807 = arith.muli %arg0, %mul3A_806 : i32
    %add3A_808 = arith.constant 7 : i32
    %add3A_809 = arith.addi %mul3A_807, %add3A_808 : i32
    %dma_start3A_810 = arith.constant 0 : i32
    %dma_start3A_811 = tpu.memref_slice %arg2[%add3A_809, %mul3A_0, %dma_start3A_810] : memref<24x50176x16xf32, #tpu.memory_space<hbm>> -> memref<1x3136x16xf32, #tpu.memory_space<hbm>>
    %dma_start3A_812 = tpu.memref_squeeze %dma_start3A_811 : memref<1x3136x16xf32, #tpu.memory_space<hbm>> -> memref<3136x16xf32, #tpu.memory_space<hbm>>
    %dma_start3A_813 = arith.constant 0 : i32
    %dma_start3A_814 = tpu.memref_slice %arg2[%add3A_809, %mul3A_0, %dma_start3A_813] : memref<24x50176x16xf32, #tpu.memory_space<hbm>> -> memref<1x3136x16xf32, #tpu.memory_space<hbm>>
    %dma_start3A_815 = tpu.memref_squeeze %dma_start3A_814 : memref<1x3136x16xf32, #tpu.memory_space<hbm>> -> memref<3136x16xf32, #tpu.memory_space<hbm>>
    tpu.enqueue_dma source(%dma_start3A_815 : memref<3136x16xf32, #tpu.memory_space<hbm>>) target(%arg5 : memref<3136x16xf32, #tpu.memory_space<vmem>>) target_semaphore(%arg6 : memref<!tpu.dma_semaphore, #tpu.memory_space<semaphore_mem>>)
    %mul3A_816 = arith.constant 12 : i32
    %mul3A_817 = arith.muli %arg0, %mul3A_816 : i32
    %add3A_818 = arith.constant 7 : i32
    %add3A_819 = arith.addi %mul3A_817, %add3A_818 : i32
    %dma_wait3A_820 = arith.constant 0 : i32
    %dma_wait3A_821 = tpu.memref_slice %arg2[%add3A_819, %mul3A_0, %dma_wait3A_820] : memref<24x50176x16xf32, #tpu.memory_space<hbm>> -> memref<1x3136x16xf32, #tpu.memory_space<hbm>>
    %dma_wait3A_822 = tpu.memref_squeeze %dma_wait3A_821 : memref<1x3136x16xf32, #tpu.memory_space<hbm>> -> memref<3136x16xf32, #tpu.memory_space<hbm>>
    %dma_wait3A_823 = arith.constant 0 : i32
    %dma_wait3A_824 = tpu.memref_slice %arg2[%add3A_819, %mul3A_0, %dma_wait3A_823] : memref<24x50176x16xf32, #tpu.memory_space<hbm>> -> memref<1x3136x16xf32, #tpu.memory_space<hbm>>
    %dma_wait3A_825 = tpu.memref_squeeze %dma_wait3A_824 : memref<1x3136x16xf32, #tpu.memory_space<hbm>> -> memref<3136x16xf32, #tpu.memory_space<hbm>>
    tpu.wait_dma2 semaphore(%arg6 : memref<!tpu.dma_semaphore, #tpu.memory_space<semaphore_mem>>) src(%dma_wait3A_825 : memref<3136x16xf32, #tpu.memory_space<hbm>>) dst(%arg5 : memref<3136x16xf32, #tpu.memory_space<vmem>>)
    %mul3A_826 = arith.constant 12 : i32
    %mul3A_827 = arith.muli %arg0, %mul3A_826 : i32
    %add3A_828 = arith.constant 7 : i32
    %add3A_829 = arith.addi %mul3A_827, %add3A_828 : i32
    %jit3A_830 = arith.constant 6 : i32
    %div3A_831 = arith.divsi %add3A_829, %jit3A_830 : i32
    %sign3A_832 = arith.constant 0 : i32
    %sign3A_833 = arith.cmpi sgt, %add3A_829, %sign3A_832 : i32
    %sign3A_834 = arith.extui %sign3A_833 : i1 to i32
    %sign3A_835 = arith.constant 0 : i32
    %sign3A_836 = arith.cmpi slt, %add3A_829, %sign3A_835 : i32
    %sign3A_837 = arith.extui %sign3A_836 : i1 to i32
    %sign3A_838 = arith.subi %sign3A_834, %sign3A_837 : i32
    %sign3A_839 = arith.constant 0 : i32
    %sign3A_840 = arith.cmpi sgt, %jit3A_830, %sign3A_839 : i32
    %sign3A_841 = arith.extui %sign3A_840 : i1 to i32
    %sign3A_842 = arith.constant 0 : i32
    %sign3A_843 = arith.cmpi slt, %jit3A_830, %sign3A_842 : i32
    %sign3A_844 = arith.extui %sign3A_843 : i1 to i32
    %sign3A_845 = arith.subi %sign3A_841, %sign3A_844 : i32
    %ne3A_846 = arith.cmpi ne, %sign3A_838, %sign3A_845 : i32
    %rem3A_847 = arith.remsi %add3A_829, %jit3A_830 : i32
    %ne3A_848 = arith.constant 0 : i32
    %ne3A_849 = arith.cmpi ne, %rem3A_847, %ne3A_848 : i32
    %and3A_850 = arith.andi %ne3A_846, %ne3A_849 : i1
    %sub3A_851 = arith.constant 1 : i32
    %sub3A_852 = arith.subi %div3A_831, %sub3A_851 : i32
    %select_n3A_853 = arith.select %and3A_850, %sub3A_852, %div3A_831 : i32
    %mul3A_854 = arith.constant 12 : i32
    %mul3A_855 = arith.muli %arg0, %mul3A_854 : i32
    %add3A_856 = arith.constant 7 : i32
    %add3A_857 = arith.addi %mul3A_855, %add3A_856 : i32
    %jit3A_858 = arith.constant 6 : i32
    %eq3A_859 = arith.constant 0 : i32
    %eq3A_860 = arith.cmpi eq, %jit3A_858, %eq3A_859 : i32
    %jit3A_861 = arith.constant 1 : i32
    %select_n3A_862 = arith.select %eq3A_860, %jit3A_861, %jit3A_858 : i32
    %rem3A_863 = arith.remsi %add3A_857, %select_n3A_862 : i32
    %ne3A_864 = arith.constant 0 : i32
    %ne3A_865 = arith.cmpi ne, %rem3A_863, %ne3A_864 : i32
    %lt3A_866 = arith.constant 0 : i32
    %lt3A_867 = arith.cmpi slt, %rem3A_863, %lt3A_866 : i32
    %lt3A_868 = arith.constant 0 : i32
    %lt3A_869 = arith.cmpi slt, %select_n3A_862, %lt3A_868 : i32
    %ne3A_870 = arith.xori %lt3A_867, %lt3A_869 : i1
    %and3A_871 = arith.andi %ne3A_870, %ne3A_865 : i1
    %add3A_872 = arith.addi %rem3A_863, %select_n3A_862 : i32
    %select_n3A_873 = arith.select %and3A_871, %add3A_872, %rem3A_863 : i32
    %mul3A_874 = arith.constant 16 : i32
    %mul3A_875 = arith.muli %select_n3A_873, %mul3A_874 : i32
    %dma_start3A_876 = tpu.memref_slice %arg3[%select_n3A_853, %mul3A_0, %mul3A_875] : memref<4x50176x96xf32, #tpu.memory_space<hbm>> -> memref<1x3136x16xf32, #tpu.memory_space<hbm>>
    %dma_start3A_877 = tpu.memref_squeeze %dma_start3A_876 : memref<1x3136x16xf32, #tpu.memory_space<hbm>> -> memref<3136x16xf32, #tpu.memory_space<hbm>>
    %dma_start3A_878 = tpu.memref_slice %arg3[%select_n3A_853, %mul3A_0, %mul3A_875] : memref<4x50176x96xf32, #tpu.memory_space<hbm>> -> memref<1x3136x16xf32, #tpu.memory_space<hbm>>
    %dma_start3A_879 = tpu.memref_squeeze %dma_start3A_878 : memref<1x3136x16xf32, #tpu.memory_space<hbm>> -> memref<3136x16xf32, #tpu.memory_space<hbm>>
    tpu.enqueue_dma source(%arg5 : memref<3136x16xf32, #tpu.memory_space<vmem>>) target(%dma_start3A_879 : memref<3136x16xf32, #tpu.memory_space<hbm>>) target_semaphore(%arg7 : memref<!tpu.dma_semaphore, #tpu.memory_space<semaphore_mem>>)
    %mul3A_880 = arith.constant 12 : i32
    %mul3A_881 = arith.muli %arg0, %mul3A_880 : i32
    %add3A_882 = arith.constant 6 : i32
    %add3A_883 = arith.addi %mul3A_881, %add3A_882 : i32
    %jit3A_884 = arith.constant 6 : i32
    %div3A_885 = arith.divsi %add3A_883, %jit3A_884 : i32
    %sign3A_886 = arith.constant 0 : i32
    %sign3A_887 = arith.cmpi sgt, %add3A_883, %sign3A_886 : i32
    %sign3A_888 = arith.extui %sign3A_887 : i1 to i32
    %sign3A_889 = arith.constant 0 : i32
    %sign3A_890 = arith.cmpi slt, %add3A_883, %sign3A_889 : i32
    %sign3A_891 = arith.extui %sign3A_890 : i1 to i32
    %sign3A_892 = arith.subi %sign3A_888, %sign3A_891 : i32
    %sign3A_893 = arith.constant 0 : i32
    %sign3A_894 = arith.cmpi sgt, %jit3A_884, %sign3A_893 : i32
    %sign3A_895 = arith.extui %sign3A_894 : i1 to i32
    %sign3A_896 = arith.constant 0 : i32
    %sign3A_897 = arith.cmpi slt, %jit3A_884, %sign3A_896 : i32
    %sign3A_898 = arith.extui %sign3A_897 : i1 to i32
    %sign3A_899 = arith.subi %sign3A_895, %sign3A_898 : i32
    %ne3A_900 = arith.cmpi ne, %sign3A_892, %sign3A_899 : i32
    %rem3A_901 = arith.remsi %add3A_883, %jit3A_884 : i32
    %ne3A_902 = arith.constant 0 : i32
    %ne3A_903 = arith.cmpi ne, %rem3A_901, %ne3A_902 : i32
    %and3A_904 = arith.andi %ne3A_900, %ne3A_903 : i1
    %sub3A_905 = arith.constant 1 : i32
    %sub3A_906 = arith.subi %div3A_885, %sub3A_905 : i32
    %select_n3A_907 = arith.select %and3A_904, %sub3A_906, %div3A_885 : i32
    %jit3A_908 = arith.constant 6 : i32
    %eq3A_909 = arith.constant 0 : i32
    %eq3A_910 = arith.cmpi eq, %jit3A_908, %eq3A_909 : i32
    %jit3A_911 = arith.constant 1 : i32
    %select_n3A_912 = arith.select %eq3A_910, %jit3A_911, %jit3A_908 : i32
    %rem3A_913 = arith.remsi %add3A_883, %select_n3A_912 : i32
    %ne3A_914 = arith.constant 0 : i32
    %ne3A_915 = arith.cmpi ne, %rem3A_913, %ne3A_914 : i32
    %lt3A_916 = arith.constant 0 : i32
    %lt3A_917 = arith.cmpi slt, %rem3A_913, %lt3A_916 : i32
    %lt3A_918 = arith.constant 0 : i32
    %lt3A_919 = arith.cmpi slt, %select_n3A_912, %lt3A_918 : i32
    %ne3A_920 = arith.xori %lt3A_917, %lt3A_919 : i1
    %and3A_921 = arith.andi %ne3A_920, %ne3A_915 : i1
    %add3A_922 = arith.addi %rem3A_913, %select_n3A_912 : i32
    %select_n3A_923 = arith.select %and3A_921, %add3A_922, %rem3A_913 : i32
    %mul3A_924 = arith.constant 16 : i32
    %mul3A_925 = arith.muli %select_n3A_923, %mul3A_924 : i32
    %dma_wait3A_926 = tpu.memref_slice %arg3[%select_n3A_907, %mul3A_0, %mul3A_925] : memref<4x50176x96xf32, #tpu.memory_space<hbm>> -> memref<1x3136x16xf32, #tpu.memory_space<hbm>>
    %dma_wait3A_927 = tpu.memref_squeeze %dma_wait3A_926 : memref<1x3136x16xf32, #tpu.memory_space<hbm>> -> memref<3136x16xf32, #tpu.memory_space<hbm>>
    %dma_wait3A_928 = tpu.memref_slice %arg3[%select_n3A_907, %mul3A_0, %mul3A_925] : memref<4x50176x96xf32, #tpu.memory_space<hbm>> -> memref<1x3136x16xf32, #tpu.memory_space<hbm>>
    %dma_wait3A_929 = tpu.memref_squeeze %dma_wait3A_928 : memref<1x3136x16xf32, #tpu.memory_space<hbm>> -> memref<3136x16xf32, #tpu.memory_space<hbm>>
    tpu.wait_dma2 semaphore(%arg7 : memref<!tpu.dma_semaphore, #tpu.memory_space<semaphore_mem>>) src(%arg4 : memref<3136x16xf32, #tpu.memory_space<vmem>>) dst(%dma_wait3A_929 : memref<3136x16xf32, #tpu.memory_space<hbm>>)
    %mul3A_930 = arith.constant 12 : i32
    %mul3A_931 = arith.muli %arg0, %mul3A_930 : i32
    %add3A_932 = arith.constant 8 : i32
    %add3A_933 = arith.addi %mul3A_931, %add3A_932 : i32
    %dma_start3A_934 = arith.constant 0 : i32
    %dma_start3A_935 = tpu.memref_slice %arg2[%add3A_933, %mul3A_0, %dma_start3A_934] : memref<24x50176x16xf32, #tpu.memory_space<hbm>> -> memref<1x3136x16xf32, #tpu.memory_space<hbm>>
    %dma_start3A_936 = tpu.memref_squeeze %dma_start3A_935 : memref<1x3136x16xf32, #tpu.memory_space<hbm>> -> memref<3136x16xf32, #tpu.memory_space<hbm>>
    %dma_start3A_937 = arith.constant 0 : i32
    %dma_start3A_938 = tpu.memref_slice %arg2[%add3A_933, %mul3A_0, %dma_start3A_937] : memref<24x50176x16xf32, #tpu.memory_space<hbm>> -> memref<1x3136x16xf32, #tpu.memory_space<hbm>>
    %dma_start3A_939 = tpu.memref_squeeze %dma_start3A_938 : memref<1x3136x16xf32, #tpu.memory_space<hbm>> -> memref<3136x16xf32, #tpu.memory_space<hbm>>
    tpu.enqueue_dma source(%dma_start3A_939 : memref<3136x16xf32, #tpu.memory_space<hbm>>) target(%arg4 : memref<3136x16xf32, #tpu.memory_space<vmem>>) target_semaphore(%arg6 : memref<!tpu.dma_semaphore, #tpu.memory_space<semaphore_mem>>)
    %mul3A_940 = arith.constant 12 : i32
    %mul3A_941 = arith.muli %arg0, %mul3A_940 : i32
    %add3A_942 = arith.constant 8 : i32
    %add3A_943 = arith.addi %mul3A_941, %add3A_942 : i32
    %dma_wait3A_944 = arith.constant 0 : i32
    %dma_wait3A_945 = tpu.memref_slice %arg2[%add3A_943, %mul3A_0, %dma_wait3A_944] : memref<24x50176x16xf32, #tpu.memory_space<hbm>> -> memref<1x3136x16xf32, #tpu.memory_space<hbm>>
    %dma_wait3A_946 = tpu.memref_squeeze %dma_wait3A_945 : memref<1x3136x16xf32, #tpu.memory_space<hbm>> -> memref<3136x16xf32, #tpu.memory_space<hbm>>
    %dma_wait3A_947 = arith.constant 0 : i32
    %dma_wait3A_948 = tpu.memref_slice %arg2[%add3A_943, %mul3A_0, %dma_wait3A_947] : memref<24x50176x16xf32, #tpu.memory_space<hbm>> -> memref<1x3136x16xf32, #tpu.memory_space<hbm>>
    %dma_wait3A_949 = tpu.memref_squeeze %dma_wait3A_948 : memref<1x3136x16xf32, #tpu.memory_space<hbm>> -> memref<3136x16xf32, #tpu.memory_space<hbm>>
    tpu.wait_dma2 semaphore(%arg6 : memref<!tpu.dma_semaphore, #tpu.memory_space<semaphore_mem>>) src(%dma_wait3A_949 : memref<3136x16xf32, #tpu.memory_space<hbm>>) dst(%arg4 : memref<3136x16xf32, #tpu.memory_space<vmem>>)
    %mul3A_950 = arith.constant 12 : i32
    %mul3A_951 = arith.muli %arg0, %mul3A_950 : i32
    %add3A_952 = arith.constant 8 : i32
    %add3A_953 = arith.addi %mul3A_951, %add3A_952 : i32
    %jit3A_954 = arith.constant 6 : i32
    %div3A_955 = arith.divsi %add3A_953, %jit3A_954 : i32
    %sign3A_956 = arith.constant 0 : i32
    %sign3A_957 = arith.cmpi sgt, %add3A_953, %sign3A_956 : i32
    %sign3A_958 = arith.extui %sign3A_957 : i1 to i32
    %sign3A_959 = arith.constant 0 : i32
    %sign3A_960 = arith.cmpi slt, %add3A_953, %sign3A_959 : i32
    %sign3A_961 = arith.extui %sign3A_960 : i1 to i32
    %sign3A_962 = arith.subi %sign3A_958, %sign3A_961 : i32
    %sign3A_963 = arith.constant 0 : i32
    %sign3A_964 = arith.cmpi sgt, %jit3A_954, %sign3A_963 : i32
    %sign3A_965 = arith.extui %sign3A_964 : i1 to i32
    %sign3A_966 = arith.constant 0 : i32
    %sign3A_967 = arith.cmpi slt, %jit3A_954, %sign3A_966 : i32
    %sign3A_968 = arith.extui %sign3A_967 : i1 to i32
    %sign3A_969 = arith.subi %sign3A_965, %sign3A_968 : i32
    %ne3A_970 = arith.cmpi ne, %sign3A_962, %sign3A_969 : i32
    %rem3A_971 = arith.remsi %add3A_953, %jit3A_954 : i32
    %ne3A_972 = arith.constant 0 : i32
    %ne3A_973 = arith.cmpi ne, %rem3A_971, %ne3A_972 : i32
    %and3A_974 = arith.andi %ne3A_970, %ne3A_973 : i1
    %sub3A_975 = arith.constant 1 : i32
    %sub3A_976 = arith.subi %div3A_955, %sub3A_975 : i32
    %select_n3A_977 = arith.select %and3A_974, %sub3A_976, %div3A_955 : i32
    %mul3A_978 = arith.constant 12 : i32
    %mul3A_979 = arith.muli %arg0, %mul3A_978 : i32
    %add3A_980 = arith.constant 8 : i32
    %add3A_981 = arith.addi %mul3A_979, %add3A_980 : i32
    %jit3A_982 = arith.constant 6 : i32
    %eq3A_983 = arith.constant 0 : i32
    %eq3A_984 = arith.cmpi eq, %jit3A_982, %eq3A_983 : i32
    %jit3A_985 = arith.constant 1 : i32
    %select_n3A_986 = arith.select %eq3A_984, %jit3A_985, %jit3A_982 : i32
    %rem3A_987 = arith.remsi %add3A_981, %select_n3A_986 : i32
    %ne3A_988 = arith.constant 0 : i32
    %ne3A_989 = arith.cmpi ne, %rem3A_987, %ne3A_988 : i32
    %lt3A_990 = arith.constant 0 : i32
    %lt3A_991 = arith.cmpi slt, %rem3A_987, %lt3A_990 : i32
    %lt3A_992 = arith.constant 0 : i32
    %lt3A_993 = arith.cmpi slt, %select_n3A_986, %lt3A_992 : i32
    %ne3A_994 = arith.xori %lt3A_991, %lt3A_993 : i1
    %and3A_995 = arith.andi %ne3A_994, %ne3A_989 : i1
    %add3A_996 = arith.addi %rem3A_987, %select_n3A_986 : i32
    %select_n3A_997 = arith.select %and3A_995, %add3A_996, %rem3A_987 : i32
    %mul3A_998 = arith.constant 16 : i32
    %mul3A_999 = arith.muli %select_n3A_997, %mul3A_998 : i32
    %dma_start3A_1000 = tpu.memref_slice %arg3[%select_n3A_977, %mul3A_0, %mul3A_999] : memref<4x50176x96xf32, #tpu.memory_space<hbm>> -> memref<1x3136x16xf32, #tpu.memory_space<hbm>>
    %dma_start3A_1001 = tpu.memref_squeeze %dma_start3A_1000 : memref<1x3136x16xf32, #tpu.memory_space<hbm>> -> memref<3136x16xf32, #tpu.memory_space<hbm>>
    %dma_start3A_1002 = tpu.memref_slice %arg3[%select_n3A_977, %mul3A_0, %mul3A_999] : memref<4x50176x96xf32, #tpu.memory_space<hbm>> -> memref<1x3136x16xf32, #tpu.memory_space<hbm>>
    %dma_start3A_1003 = tpu.memref_squeeze %dma_start3A_1002 : memref<1x3136x16xf32, #tpu.memory_space<hbm>> -> memref<3136x16xf32, #tpu.memory_space<hbm>>
    tpu.enqueue_dma source(%arg4 : memref<3136x16xf32, #tpu.memory_space<vmem>>) target(%dma_start3A_1003 : memref<3136x16xf32, #tpu.memory_space<hbm>>) target_semaphore(%arg7 : memref<!tpu.dma_semaphore, #tpu.memory_space<semaphore_mem>>)
    %mul3A_1004 = arith.constant 12 : i32
    %mul3A_1005 = arith.muli %arg0, %mul3A_1004 : i32
    %add3A_1006 = arith.constant 7 : i32
    %add3A_1007 = arith.addi %mul3A_1005, %add3A_1006 : i32
    %jit3A_1008 = arith.constant 6 : i32
    %div3A_1009 = arith.divsi %add3A_1007, %jit3A_1008 : i32
    %sign3A_1010 = arith.constant 0 : i32
    %sign3A_1011 = arith.cmpi sgt, %add3A_1007, %sign3A_1010 : i32
    %sign3A_1012 = arith.extui %sign3A_1011 : i1 to i32
    %sign3A_1013 = arith.constant 0 : i32
    %sign3A_1014 = arith.cmpi slt, %add3A_1007, %sign3A_1013 : i32
    %sign3A_1015 = arith.extui %sign3A_1014 : i1 to i32
    %sign3A_1016 = arith.subi %sign3A_1012, %sign3A_1015 : i32
    %sign3A_1017 = arith.constant 0 : i32
    %sign3A_1018 = arith.cmpi sgt, %jit3A_1008, %sign3A_1017 : i32
    %sign3A_1019 = arith.extui %sign3A_1018 : i1 to i32
    %sign3A_1020 = arith.constant 0 : i32
    %sign3A_1021 = arith.cmpi slt, %jit3A_1008, %sign3A_1020 : i32
    %sign3A_1022 = arith.extui %sign3A_1021 : i1 to i32
    %sign3A_1023 = arith.subi %sign3A_1019, %sign3A_1022 : i32
    %ne3A_1024 = arith.cmpi ne, %sign3A_1016, %sign3A_1023 : i32
    %rem3A_1025 = arith.remsi %add3A_1007, %jit3A_1008 : i32
    %ne3A_1026 = arith.constant 0 : i32
    %ne3A_1027 = arith.cmpi ne, %rem3A_1025, %ne3A_1026 : i32
    %and3A_1028 = arith.andi %ne3A_1024, %ne3A_1027 : i1
    %sub3A_1029 = arith.constant 1 : i32
    %sub3A_1030 = arith.subi %div3A_1009, %sub3A_1029 : i32
    %select_n3A_1031 = arith.select %and3A_1028, %sub3A_1030, %div3A_1009 : i32
    %jit3A_1032 = arith.constant 6 : i32
    %eq3A_1033 = arith.constant 0 : i32
    %eq3A_1034 = arith.cmpi eq, %jit3A_1032, %eq3A_1033 : i32
    %jit3A_1035 = arith.constant 1 : i32
    %select_n3A_1036 = arith.select %eq3A_1034, %jit3A_1035, %jit3A_1032 : i32
    %rem3A_1037 = arith.remsi %add3A_1007, %select_n3A_1036 : i32
    %ne3A_1038 = arith.constant 0 : i32
    %ne3A_1039 = arith.cmpi ne, %rem3A_1037, %ne3A_1038 : i32
    %lt3A_1040 = arith.constant 0 : i32
    %lt3A_1041 = arith.cmpi slt, %rem3A_1037, %lt3A_1040 : i32
    %lt3A_1042 = arith.constant 0 : i32
    %lt3A_1043 = arith.cmpi slt, %select_n3A_1036, %lt3A_1042 : i32
    %ne3A_1044 = arith.xori %lt3A_1041, %lt3A_1043 : i1
    %and3A_1045 = arith.andi %ne3A_1044, %ne3A_1039 : i1
    %add3A_1046 = arith.addi %rem3A_1037, %select_n3A_1036 : i32
    %select_n3A_1047 = arith.select %and3A_1045, %add3A_1046, %rem3A_1037 : i32
    %mul3A_1048 = arith.constant 16 : i32
    %mul3A_1049 = arith.muli %select_n3A_1047, %mul3A_1048 : i32
    %dma_wait3A_1050 = tpu.memref_slice %arg3[%select_n3A_1031, %mul3A_0, %mul3A_1049] : memref<4x50176x96xf32, #tpu.memory_space<hbm>> -> memref<1x3136x16xf32, #tpu.memory_space<hbm>>
    %dma_wait3A_1051 = tpu.memref_squeeze %dma_wait3A_1050 : memref<1x3136x16xf32, #tpu.memory_space<hbm>> -> memref<3136x16xf32, #tpu.memory_space<hbm>>
    %dma_wait3A_1052 = tpu.memref_slice %arg3[%select_n3A_1031, %mul3A_0, %mul3A_1049] : memref<4x50176x96xf32, #tpu.memory_space<hbm>> -> memref<1x3136x16xf32, #tpu.memory_space<hbm>>
    %dma_wait3A_1053 = tpu.memref_squeeze %dma_wait3A_1052 : memref<1x3136x16xf32, #tpu.memory_space<hbm>> -> memref<3136x16xf32, #tpu.memory_space<hbm>>
    tpu.wait_dma2 semaphore(%arg7 : memref<!tpu.dma_semaphore, #tpu.memory_space<semaphore_mem>>) src(%arg5 : memref<3136x16xf32, #tpu.memory_space<vmem>>) dst(%dma_wait3A_1053 : memref<3136x16xf32, #tpu.memory_space<hbm>>)
    %mul3A_1054 = arith.constant 12 : i32
    %mul3A_1055 = arith.muli %arg0, %mul3A_1054 : i32
    %add3A_1056 = arith.constant 9 : i32
    %add3A_1057 = arith.addi %mul3A_1055, %add3A_1056 : i32
    %dma_start3A_1058 = arith.constant 0 : i32
    %dma_start3A_1059 = tpu.memref_slice %arg2[%add3A_1057, %mul3A_0, %dma_start3A_1058] : memref<24x50176x16xf32, #tpu.memory_space<hbm>> -> memref<1x3136x16xf32, #tpu.memory_space<hbm>>
    %dma_start3A_1060 = tpu.memref_squeeze %dma_start3A_1059 : memref<1x3136x16xf32, #tpu.memory_space<hbm>> -> memref<3136x16xf32, #tpu.memory_space<hbm>>
    %dma_start3A_1061 = arith.constant 0 : i32
    %dma_start3A_1062 = tpu.memref_slice %arg2[%add3A_1057, %mul3A_0, %dma_start3A_1061] : memref<24x50176x16xf32, #tpu.memory_space<hbm>> -> memref<1x3136x16xf32, #tpu.memory_space<hbm>>
    %dma_start3A_1063 = tpu.memref_squeeze %dma_start3A_1062 : memref<1x3136x16xf32, #tpu.memory_space<hbm>> -> memref<3136x16xf32, #tpu.memory_space<hbm>>
    tpu.enqueue_dma source(%dma_start3A_1063 : memref<3136x16xf32, #tpu.memory_space<hbm>>) target(%arg5 : memref<3136x16xf32, #tpu.memory_space<vmem>>) target_semaphore(%arg6 : memref<!tpu.dma_semaphore, #tpu.memory_space<semaphore_mem>>)
    %mul3A_1064 = arith.constant 12 : i32
    %mul3A_1065 = arith.muli %arg0, %mul3A_1064 : i32
    %add3A_1066 = arith.constant 9 : i32
    %add3A_1067 = arith.addi %mul3A_1065, %add3A_1066 : i32
    %dma_wait3A_1068 = arith.constant 0 : i32
    %dma_wait3A_1069 = tpu.memref_slice %arg2[%add3A_1067, %mul3A_0, %dma_wait3A_1068] : memref<24x50176x16xf32, #tpu.memory_space<hbm>> -> memref<1x3136x16xf32, #tpu.memory_space<hbm>>
    %dma_wait3A_1070 = tpu.memref_squeeze %dma_wait3A_1069 : memref<1x3136x16xf32, #tpu.memory_space<hbm>> -> memref<3136x16xf32, #tpu.memory_space<hbm>>
    %dma_wait3A_1071 = arith.constant 0 : i32
    %dma_wait3A_1072 = tpu.memref_slice %arg2[%add3A_1067, %mul3A_0, %dma_wait3A_1071] : memref<24x50176x16xf32, #tpu.memory_space<hbm>> -> memref<1x3136x16xf32, #tpu.memory_space<hbm>>
    %dma_wait3A_1073 = tpu.memref_squeeze %dma_wait3A_1072 : memref<1x3136x16xf32, #tpu.memory_space<hbm>> -> memref<3136x16xf32, #tpu.memory_space<hbm>>
    tpu.wait_dma2 semaphore(%arg6 : memref<!tpu.dma_semaphore, #tpu.memory_space<semaphore_mem>>) src(%dma_wait3A_1073 : memref<3136x16xf32, #tpu.memory_space<hbm>>) dst(%arg5 : memref<3136x16xf32, #tpu.memory_space<vmem>>)
    %mul3A_1074 = arith.constant 12 : i32
    %mul3A_1075 = arith.muli %arg0, %mul3A_1074 : i32
    %add3A_1076 = arith.constant 9 : i32
    %add3A_1077 = arith.addi %mul3A_1075, %add3A_1076 : i32
    %jit3A_1078 = arith.constant 6 : i32
    %div3A_1079 = arith.divsi %add3A_1077, %jit3A_1078 : i32
    %sign3A_1080 = arith.constant 0 : i32
    %sign3A_1081 = arith.cmpi sgt, %add3A_1077, %sign3A_1080 : i32
    %sign3A_1082 = arith.extui %sign3A_1081 : i1 to i32
    %sign3A_1083 = arith.constant 0 : i32
    %sign3A_1084 = arith.cmpi slt, %add3A_1077, %sign3A_1083 : i32
    %sign3A_1085 = arith.extui %sign3A_1084 : i1 to i32
    %sign3A_1086 = arith.subi %sign3A_1082, %sign3A_1085 : i32
    %sign3A_1087 = arith.constant 0 : i32
    %sign3A_1088 = arith.cmpi sgt, %jit3A_1078, %sign3A_1087 : i32
    %sign3A_1089 = arith.extui %sign3A_1088 : i1 to i32
    %sign3A_1090 = arith.constant 0 : i32
    %sign3A_1091 = arith.cmpi slt, %jit3A_1078, %sign3A_1090 : i32
    %sign3A_1092 = arith.extui %sign3A_1091 : i1 to i32
    %sign3A_1093 = arith.subi %sign3A_1089, %sign3A_1092 : i32
    %ne3A_1094 = arith.cmpi ne, %sign3A_1086, %sign3A_1093 : i32
    %rem3A_1095 = arith.remsi %add3A_1077, %jit3A_1078 : i32
    %ne3A_1096 = arith.constant 0 : i32
    %ne3A_1097 = arith.cmpi ne, %rem3A_1095, %ne3A_1096 : i32
    %and3A_1098 = arith.andi %ne3A_1094, %ne3A_1097 : i1
    %sub3A_1099 = arith.constant 1 : i32
    %sub3A_1100 = arith.subi %div3A_1079, %sub3A_1099 : i32
    %select_n3A_1101 = arith.select %and3A_1098, %sub3A_1100, %div3A_1079 : i32
    %mul3A_1102 = arith.constant 12 : i32
    %mul3A_1103 = arith.muli %arg0, %mul3A_1102 : i32
    %add3A_1104 = arith.constant 9 : i32
    %add3A_1105 = arith.addi %mul3A_1103, %add3A_1104 : i32
    %jit3A_1106 = arith.constant 6 : i32
    %eq3A_1107 = arith.constant 0 : i32
    %eq3A_1108 = arith.cmpi eq, %jit3A_1106, %eq3A_1107 : i32
    %jit3A_1109 = arith.constant 1 : i32
    %select_n3A_1110 = arith.select %eq3A_1108, %jit3A_1109, %jit3A_1106 : i32
    %rem3A_1111 = arith.remsi %add3A_1105, %select_n3A_1110 : i32
    %ne3A_1112 = arith.constant 0 : i32
    %ne3A_1113 = arith.cmpi ne, %rem3A_1111, %ne3A_1112 : i32
    %lt3A_1114 = arith.constant 0 : i32
    %lt3A_1115 = arith.cmpi slt, %rem3A_1111, %lt3A_1114 : i32
    %lt3A_1116 = arith.constant 0 : i32
    %lt3A_1117 = arith.cmpi slt, %select_n3A_1110, %lt3A_1116 : i32
    %ne3A_1118 = arith.xori %lt3A_1115, %lt3A_1117 : i1
    %and3A_1119 = arith.andi %ne3A_1118, %ne3A_1113 : i1
    %add3A_1120 = arith.addi %rem3A_1111, %select_n3A_1110 : i32
    %select_n3A_1121 = arith.select %and3A_1119, %add3A_1120, %rem3A_1111 : i32
    %mul3A_1122 = arith.constant 16 : i32
    %mul3A_1123 = arith.muli %select_n3A_1121, %mul3A_1122 : i32
    %dma_start3A_1124 = tpu.memref_slice %arg3[%select_n3A_1101, %mul3A_0, %mul3A_1123] : memref<4x50176x96xf32, #tpu.memory_space<hbm>> -> memref<1x3136x16xf32, #tpu.memory_space<hbm>>
    %dma_start3A_1125 = tpu.memref_squeeze %dma_start3A_1124 : memref<1x3136x16xf32, #tpu.memory_space<hbm>> -> memref<3136x16xf32, #tpu.memory_space<hbm>>
    %dma_start3A_1126 = tpu.memref_slice %arg3[%select_n3A_1101, %mul3A_0, %mul3A_1123] : memref<4x50176x96xf32, #tpu.memory_space<hbm>> -> memref<1x3136x16xf32, #tpu.memory_space<hbm>>
    %dma_start3A_1127 = tpu.memref_squeeze %dma_start3A_1126 : memref<1x3136x16xf32, #tpu.memory_space<hbm>> -> memref<3136x16xf32, #tpu.memory_space<hbm>>
    tpu.enqueue_dma source(%arg5 : memref<3136x16xf32, #tpu.memory_space<vmem>>) target(%dma_start3A_1127 : memref<3136x16xf32, #tpu.memory_space<hbm>>) target_semaphore(%arg7 : memref<!tpu.dma_semaphore, #tpu.memory_space<semaphore_mem>>)
    %mul3A_1128 = arith.constant 12 : i32
    %mul3A_1129 = arith.muli %arg0, %mul3A_1128 : i32
    %add3A_1130 = arith.constant 8 : i32
    %add3A_1131 = arith.addi %mul3A_1129, %add3A_1130 : i32
    %jit3A_1132 = arith.constant 6 : i32
    %div3A_1133 = arith.divsi %add3A_1131, %jit3A_1132 : i32
    %sign3A_1134 = arith.constant 0 : i32
    %sign3A_1135 = arith.cmpi sgt, %add3A_1131, %sign3A_1134 : i32
    %sign3A_1136 = arith.extui %sign3A_1135 : i1 to i32
    %sign3A_1137 = arith.constant 0 : i32
    %sign3A_1138 = arith.cmpi slt, %add3A_1131, %sign3A_1137 : i32
    %sign3A_1139 = arith.extui %sign3A_1138 : i1 to i32
    %sign3A_1140 = arith.subi %sign3A_1136, %sign3A_1139 : i32
    %sign3A_1141 = arith.constant 0 : i32
    %sign3A_1142 = arith.cmpi sgt, %jit3A_1132, %sign3A_1141 : i32
    %sign3A_1143 = arith.extui %sign3A_1142 : i1 to i32
    %sign3A_1144 = arith.constant 0 : i32
    %sign3A_1145 = arith.cmpi slt, %jit3A_1132, %sign3A_1144 : i32
    %sign3A_1146 = arith.extui %sign3A_1145 : i1 to i32
    %sign3A_1147 = arith.subi %sign3A_1143, %sign3A_1146 : i32
    %ne3A_1148 = arith.cmpi ne, %sign3A_1140, %sign3A_1147 : i32
    %rem3A_1149 = arith.remsi %add3A_1131, %jit3A_1132 : i32
    %ne3A_1150 = arith.constant 0 : i32
    %ne3A_1151 = arith.cmpi ne, %rem3A_1149, %ne3A_1150 : i32
    %and3A_1152 = arith.andi %ne3A_1148, %ne3A_1151 : i1
    %sub3A_1153 = arith.constant 1 : i32
    %sub3A_1154 = arith.subi %div3A_1133, %sub3A_1153 : i32
    %select_n3A_1155 = arith.select %and3A_1152, %sub3A_1154, %div3A_1133 : i32
    %jit3A_1156 = arith.constant 6 : i32
    %eq3A_1157 = arith.constant 0 : i32
    %eq3A_1158 = arith.cmpi eq, %jit3A_1156, %eq3A_1157 : i32
    %jit3A_1159 = arith.constant 1 : i32
    %select_n3A_1160 = arith.select %eq3A_1158, %jit3A_1159, %jit3A_1156 : i32
    %rem3A_1161 = arith.remsi %add3A_1131, %select_n3A_1160 : i32
    %ne3A_1162 = arith.constant 0 : i32
    %ne3A_1163 = arith.cmpi ne, %rem3A_1161, %ne3A_1162 : i32
    %lt3A_1164 = arith.constant 0 : i32
    %lt3A_1165 = arith.cmpi slt, %rem3A_1161, %lt3A_1164 : i32
    %lt3A_1166 = arith.constant 0 : i32
    %lt3A_1167 = arith.cmpi slt, %select_n3A_1160, %lt3A_1166 : i32
    %ne3A_1168 = arith.xori %lt3A_1165, %lt3A_1167 : i1
    %and3A_1169 = arith.andi %ne3A_1168, %ne3A_1163 : i1
    %add3A_1170 = arith.addi %rem3A_1161, %select_n3A_1160 : i32
    %select_n3A_1171 = arith.select %and3A_1169, %add3A_1170, %rem3A_1161 : i32
    %mul3A_1172 = arith.constant 16 : i32
    %mul3A_1173 = arith.muli %select_n3A_1171, %mul3A_1172 : i32
    %dma_wait3A_1174 = tpu.memref_slice %arg3[%select_n3A_1155, %mul3A_0, %mul3A_1173] : memref<4x50176x96xf32, #tpu.memory_space<hbm>> -> memref<1x3136x16xf32, #tpu.memory_space<hbm>>
    %dma_wait3A_1175 = tpu.memref_squeeze %dma_wait3A_1174 : memref<1x3136x16xf32, #tpu.memory_space<hbm>> -> memref<3136x16xf32, #tpu.memory_space<hbm>>
    %dma_wait3A_1176 = tpu.memref_slice %arg3[%select_n3A_1155, %mul3A_0, %mul3A_1173] : memref<4x50176x96xf32, #tpu.memory_space<hbm>> -> memref<1x3136x16xf32, #tpu.memory_space<hbm>>
    %dma_wait3A_1177 = tpu.memref_squeeze %dma_wait3A_1176 : memref<1x3136x16xf32, #tpu.memory_space<hbm>> -> memref<3136x16xf32, #tpu.memory_space<hbm>>
    tpu.wait_dma2 semaphore(%arg7 : memref<!tpu.dma_semaphore, #tpu.memory_space<semaphore_mem>>) src(%arg4 : memref<3136x16xf32, #tpu.memory_space<vmem>>) dst(%dma_wait3A_1177 : memref<3136x16xf32, #tpu.memory_space<hbm>>)
    %mul3A_1178 = arith.constant 12 : i32
    %mul3A_1179 = arith.muli %arg0, %mul3A_1178 : i32
    %add3A_1180 = arith.constant 10 : i32
    %add3A_1181 = arith.addi %mul3A_1179, %add3A_1180 : i32
    %dma_start3A_1182 = arith.constant 0 : i32
    %dma_start3A_1183 = tpu.memref_slice %arg2[%add3A_1181, %mul3A_0, %dma_start3A_1182] : memref<24x50176x16xf32, #tpu.memory_space<hbm>> -> memref<1x3136x16xf32, #tpu.memory_space<hbm>>
    %dma_start3A_1184 = tpu.memref_squeeze %dma_start3A_1183 : memref<1x3136x16xf32, #tpu.memory_space<hbm>> -> memref<3136x16xf32, #tpu.memory_space<hbm>>
    %dma_start3A_1185 = arith.constant 0 : i32
    %dma_start3A_1186 = tpu.memref_slice %arg2[%add3A_1181, %mul3A_0, %dma_start3A_1185] : memref<24x50176x16xf32, #tpu.memory_space<hbm>> -> memref<1x3136x16xf32, #tpu.memory_space<hbm>>
    %dma_start3A_1187 = tpu.memref_squeeze %dma_start3A_1186 : memref<1x3136x16xf32, #tpu.memory_space<hbm>> -> memref<3136x16xf32, #tpu.memory_space<hbm>>
    tpu.enqueue_dma source(%dma_start3A_1187 : memref<3136x16xf32, #tpu.memory_space<hbm>>) target(%arg4 : memref<3136x16xf32, #tpu.memory_space<vmem>>) target_semaphore(%arg6 : memref<!tpu.dma_semaphore, #tpu.memory_space<semaphore_mem>>)
    %mul3A_1188 = arith.constant 12 : i32
    %mul3A_1189 = arith.muli %arg0, %mul3A_1188 : i32
    %add3A_1190 = arith.constant 10 : i32
    %add3A_1191 = arith.addi %mul3A_1189, %add3A_1190 : i32
    %dma_wait3A_1192 = arith.constant 0 : i32
    %dma_wait3A_1193 = tpu.memref_slice %arg2[%add3A_1191, %mul3A_0, %dma_wait3A_1192] : memref<24x50176x16xf32, #tpu.memory_space<hbm>> -> memref<1x3136x16xf32, #tpu.memory_space<hbm>>
    %dma_wait3A_1194 = tpu.memref_squeeze %dma_wait3A_1193 : memref<1x3136x16xf32, #tpu.memory_space<hbm>> -> memref<3136x16xf32, #tpu.memory_space<hbm>>
    %dma_wait3A_1195 = arith.constant 0 : i32
    %dma_wait3A_1196 = tpu.memref_slice %arg2[%add3A_1191, %mul3A_0, %dma_wait3A_1195] : memref<24x50176x16xf32, #tpu.memory_space<hbm>> -> memref<1x3136x16xf32, #tpu.memory_space<hbm>>
    %dma_wait3A_1197 = tpu.memref_squeeze %dma_wait3A_1196 : memref<1x3136x16xf32, #tpu.memory_space<hbm>> -> memref<3136x16xf32, #tpu.memory_space<hbm>>
    tpu.wait_dma2 semaphore(%arg6 : memref<!tpu.dma_semaphore, #tpu.memory_space<semaphore_mem>>) src(%dma_wait3A_1197 : memref<3136x16xf32, #tpu.memory_space<hbm>>) dst(%arg4 : memref<3136x16xf32, #tpu.memory_space<vmem>>)
    %mul3A_1198 = arith.constant 12 : i32
    %mul3A_1199 = arith.muli %arg0, %mul3A_1198 : i32
    %add3A_1200 = arith.constant 10 : i32
    %add3A_1201 = arith.addi %mul3A_1199, %add3A_1200 : i32
    %jit3A_1202 = arith.constant 6 : i32
    %div3A_1203 = arith.divsi %add3A_1201, %jit3A_1202 : i32
    %sign3A_1204 = arith.constant 0 : i32
    %sign3A_1205 = arith.cmpi sgt, %add3A_1201, %sign3A_1204 : i32
    %sign3A_1206 = arith.extui %sign3A_1205 : i1 to i32
    %sign3A_1207 = arith.constant 0 : i32
    %sign3A_1208 = arith.cmpi slt, %add3A_1201, %sign3A_1207 : i32
    %sign3A_1209 = arith.extui %sign3A_1208 : i1 to i32
    %sign3A_1210 = arith.subi %sign3A_1206, %sign3A_1209 : i32
    %sign3A_1211 = arith.constant 0 : i32
    %sign3A_1212 = arith.cmpi sgt, %jit3A_1202, %sign3A_1211 : i32
    %sign3A_1213 = arith.extui %sign3A_1212 : i1 to i32
    %sign3A_1214 = arith.constant 0 : i32
    %sign3A_1215 = arith.cmpi slt, %jit3A_1202, %sign3A_1214 : i32
    %sign3A_1216 = arith.extui %sign3A_1215 : i1 to i32
    %sign3A_1217 = arith.subi %sign3A_1213, %sign3A_1216 : i32
    %ne3A_1218 = arith.cmpi ne, %sign3A_1210, %sign3A_1217 : i32
    %rem3A_1219 = arith.remsi %add3A_1201, %jit3A_1202 : i32
    %ne3A_1220 = arith.constant 0 : i32
    %ne3A_1221 = arith.cmpi ne, %rem3A_1219, %ne3A_1220 : i32
    %and3A_1222 = arith.andi %ne3A_1218, %ne3A_1221 : i1
    %sub3A_1223 = arith.constant 1 : i32
    %sub3A_1224 = arith.subi %div3A_1203, %sub3A_1223 : i32
    %select_n3A_1225 = arith.select %and3A_1222, %sub3A_1224, %div3A_1203 : i32
    %mul3A_1226 = arith.constant 12 : i32
    %mul3A_1227 = arith.muli %arg0, %mul3A_1226 : i32
    %add3A_1228 = arith.constant 10 : i32
    %add3A_1229 = arith.addi %mul3A_1227, %add3A_1228 : i32
    %jit3A_1230 = arith.constant 6 : i32
    %eq3A_1231 = arith.constant 0 : i32
    %eq3A_1232 = arith.cmpi eq, %jit3A_1230, %eq3A_1231 : i32
    %jit3A_1233 = arith.constant 1 : i32
    %select_n3A_1234 = arith.select %eq3A_1232, %jit3A_1233, %jit3A_1230 : i32
    %rem3A_1235 = arith.remsi %add3A_1229, %select_n3A_1234 : i32
    %ne3A_1236 = arith.constant 0 : i32
    %ne3A_1237 = arith.cmpi ne, %rem3A_1235, %ne3A_1236 : i32
    %lt3A_1238 = arith.constant 0 : i32
    %lt3A_1239 = arith.cmpi slt, %rem3A_1235, %lt3A_1238 : i32
    %lt3A_1240 = arith.constant 0 : i32
    %lt3A_1241 = arith.cmpi slt, %select_n3A_1234, %lt3A_1240 : i32
    %ne3A_1242 = arith.xori %lt3A_1239, %lt3A_1241 : i1
    %and3A_1243 = arith.andi %ne3A_1242, %ne3A_1237 : i1
    %add3A_1244 = arith.addi %rem3A_1235, %select_n3A_1234 : i32
    %select_n3A_1245 = arith.select %and3A_1243, %add3A_1244, %rem3A_1235 : i32
    %mul3A_1246 = arith.constant 16 : i32
    %mul3A_1247 = arith.muli %select_n3A_1245, %mul3A_1246 : i32
    %dma_start3A_1248 = tpu.memref_slice %arg3[%select_n3A_1225, %mul3A_0, %mul3A_1247] : memref<4x50176x96xf32, #tpu.memory_space<hbm>> -> memref<1x3136x16xf32, #tpu.memory_space<hbm>>
    %dma_start3A_1249 = tpu.memref_squeeze %dma_start3A_1248 : memref<1x3136x16xf32, #tpu.memory_space<hbm>> -> memref<3136x16xf32, #tpu.memory_space<hbm>>
    %dma_start3A_1250 = tpu.memref_slice %arg3[%select_n3A_1225, %mul3A_0, %mul3A_1247] : memref<4x50176x96xf32, #tpu.memory_space<hbm>> -> memref<1x3136x16xf32, #tpu.memory_space<hbm>>
    %dma_start3A_1251 = tpu.memref_squeeze %dma_start3A_1250 : memref<1x3136x16xf32, #tpu.memory_space<hbm>> -> memref<3136x16xf32, #tpu.memory_space<hbm>>
    tpu.enqueue_dma source(%arg4 : memref<3136x16xf32, #tpu.memory_space<vmem>>) target(%dma_start3A_1251 : memref<3136x16xf32, #tpu.memory_space<hbm>>) target_semaphore(%arg7 : memref<!tpu.dma_semaphore, #tpu.memory_space<semaphore_mem>>)
    %mul3A_1252 = arith.constant 12 : i32
    %mul3A_1253 = arith.muli %arg0, %mul3A_1252 : i32
    %add3A_1254 = arith.constant 9 : i32
    %add3A_1255 = arith.addi %mul3A_1253, %add3A_1254 : i32
    %jit3A_1256 = arith.constant 6 : i32
    %div3A_1257 = arith.divsi %add3A_1255, %jit3A_1256 : i32
    %sign3A_1258 = arith.constant 0 : i32
    %sign3A_1259 = arith.cmpi sgt, %add3A_1255, %sign3A_1258 : i32
    %sign3A_1260 = arith.extui %sign3A_1259 : i1 to i32
    %sign3A_1261 = arith.constant 0 : i32
    %sign3A_1262 = arith.cmpi slt, %add3A_1255, %sign3A_1261 : i32
    %sign3A_1263 = arith.extui %sign3A_1262 : i1 to i32
    %sign3A_1264 = arith.subi %sign3A_1260, %sign3A_1263 : i32
    %sign3A_1265 = arith.constant 0 : i32
    %sign3A_1266 = arith.cmpi sgt, %jit3A_1256, %sign3A_1265 : i32
    %sign3A_1267 = arith.extui %sign3A_1266 : i1 to i32
    %sign3A_1268 = arith.constant 0 : i32
    %sign3A_1269 = arith.cmpi slt, %jit3A_1256, %sign3A_1268 : i32
    %sign3A_1270 = arith.extui %sign3A_1269 : i1 to i32
    %sign3A_1271 = arith.subi %sign3A_1267, %sign3A_1270 : i32
    %ne3A_1272 = arith.cmpi ne, %sign3A_1264, %sign3A_1271 : i32
    %rem3A_1273 = arith.remsi %add3A_1255, %jit3A_1256 : i32
    %ne3A_1274 = arith.constant 0 : i32
    %ne3A_1275 = arith.cmpi ne, %rem3A_1273, %ne3A_1274 : i32
    %and3A_1276 = arith.andi %ne3A_1272, %ne3A_1275 : i1
    %sub3A_1277 = arith.constant 1 : i32
    %sub3A_1278 = arith.subi %div3A_1257, %sub3A_1277 : i32
    %select_n3A_1279 = arith.select %and3A_1276, %sub3A_1278, %div3A_1257 : i32
    %jit3A_1280 = arith.constant 6 : i32
    %eq3A_1281 = arith.constant 0 : i32
    %eq3A_1282 = arith.cmpi eq, %jit3A_1280, %eq3A_1281 : i32
    %jit3A_1283 = arith.constant 1 : i32
    %select_n3A_1284 = arith.select %eq3A_1282, %jit3A_1283, %jit3A_1280 : i32
    %rem3A_1285 = arith.remsi %add3A_1255, %select_n3A_1284 : i32
    %ne3A_1286 = arith.constant 0 : i32
    %ne3A_1287 = arith.cmpi ne, %rem3A_1285, %ne3A_1286 : i32
    %lt3A_1288 = arith.constant 0 : i32
    %lt3A_1289 = arith.cmpi slt, %rem3A_1285, %lt3A_1288 : i32
    %lt3A_1290 = arith.constant 0 : i32
    %lt3A_1291 = arith.cmpi slt, %select_n3A_1284, %lt3A_1290 : i32
    %ne3A_1292 = arith.xori %lt3A_1289, %lt3A_1291 : i1
    %and3A_1293 = arith.andi %ne3A_1292, %ne3A_1287 : i1
    %add3A_1294 = arith.addi %rem3A_1285, %select_n3A_1284 : i32
    %select_n3A_1295 = arith.select %and3A_1293, %add3A_1294, %rem3A_1285 : i32
    %mul3A_1296 = arith.constant 16 : i32
    %mul3A_1297 = arith.muli %select_n3A_1295, %mul3A_1296 : i32
    %dma_wait3A_1298 = tpu.memref_slice %arg3[%select_n3A_1279, %mul3A_0, %mul3A_1297] : memref<4x50176x96xf32, #tpu.memory_space<hbm>> -> memref<1x3136x16xf32, #tpu.memory_space<hbm>>
    %dma_wait3A_1299 = tpu.memref_squeeze %dma_wait3A_1298 : memref<1x3136x16xf32, #tpu.memory_space<hbm>> -> memref<3136x16xf32, #tpu.memory_space<hbm>>
    %dma_wait3A_1300 = tpu.memref_slice %arg3[%select_n3A_1279, %mul3A_0, %mul3A_1297] : memref<4x50176x96xf32, #tpu.memory_space<hbm>> -> memref<1x3136x16xf32, #tpu.memory_space<hbm>>
    %dma_wait3A_1301 = tpu.memref_squeeze %dma_wait3A_1300 : memref<1x3136x16xf32, #tpu.memory_space<hbm>> -> memref<3136x16xf32, #tpu.memory_space<hbm>>
    tpu.wait_dma2 semaphore(%arg7 : memref<!tpu.dma_semaphore, #tpu.memory_space<semaphore_mem>>) src(%arg5 : memref<3136x16xf32, #tpu.memory_space<vmem>>) dst(%dma_wait3A_1301 : memref<3136x16xf32, #tpu.memory_space<hbm>>)
    %mul3A_1302 = arith.constant 12 : i32
    %mul3A_1303 = arith.muli %arg0, %mul3A_1302 : i32
    %add3A_1304 = arith.constant 11 : i32
    %add3A_1305 = arith.addi %mul3A_1303, %add3A_1304 : i32
    %dma_start3A_1306 = arith.constant 0 : i32
    %dma_start3A_1307 = tpu.memref_slice %arg2[%add3A_1305, %mul3A_0, %dma_start3A_1306] : memref<24x50176x16xf32, #tpu.memory_space<hbm>> -> memref<1x3136x16xf32, #tpu.memory_space<hbm>>
    %dma_start3A_1308 = tpu.memref_squeeze %dma_start3A_1307 : memref<1x3136x16xf32, #tpu.memory_space<hbm>> -> memref<3136x16xf32, #tpu.memory_space<hbm>>
    %dma_start3A_1309 = arith.constant 0 : i32
    %dma_start3A_1310 = tpu.memref_slice %arg2[%add3A_1305, %mul3A_0, %dma_start3A_1309] : memref<24x50176x16xf32, #tpu.memory_space<hbm>> -> memref<1x3136x16xf32, #tpu.memory_space<hbm>>
    %dma_start3A_1311 = tpu.memref_squeeze %dma_start3A_1310 : memref<1x3136x16xf32, #tpu.memory_space<hbm>> -> memref<3136x16xf32, #tpu.memory_space<hbm>>
    tpu.enqueue_dma source(%dma_start3A_1311 : memref<3136x16xf32, #tpu.memory_space<hbm>>) target(%arg5 : memref<3136x16xf32, #tpu.memory_space<vmem>>) target_semaphore(%arg6 : memref<!tpu.dma_semaphore, #tpu.memory_space<semaphore_mem>>)
    %mul3A_1312 = arith.constant 12 : i32
    %mul3A_1313 = arith.muli %arg0, %mul3A_1312 : i32
    %add3A_1314 = arith.constant 11 : i32
    %add3A_1315 = arith.addi %mul3A_1313, %add3A_1314 : i32
    %dma_wait3A_1316 = arith.constant 0 : i32
    %dma_wait3A_1317 = tpu.memref_slice %arg2[%add3A_1315, %mul3A_0, %dma_wait3A_1316] : memref<24x50176x16xf32, #tpu.memory_space<hbm>> -> memref<1x3136x16xf32, #tpu.memory_space<hbm>>
    %dma_wait3A_1318 = tpu.memref_squeeze %dma_wait3A_1317 : memref<1x3136x16xf32, #tpu.memory_space<hbm>> -> memref<3136x16xf32, #tpu.memory_space<hbm>>
    %dma_wait3A_1319 = arith.constant 0 : i32
    %dma_wait3A_1320 = tpu.memref_slice %arg2[%add3A_1315, %mul3A_0, %dma_wait3A_1319] : memref<24x50176x16xf32, #tpu.memory_space<hbm>> -> memref<1x3136x16xf32, #tpu.memory_space<hbm>>
    %dma_wait3A_1321 = tpu.memref_squeeze %dma_wait3A_1320 : memref<1x3136x16xf32, #tpu.memory_space<hbm>> -> memref<3136x16xf32, #tpu.memory_space<hbm>>
    tpu.wait_dma2 semaphore(%arg6 : memref<!tpu.dma_semaphore, #tpu.memory_space<semaphore_mem>>) src(%dma_wait3A_1321 : memref<3136x16xf32, #tpu.memory_space<hbm>>) dst(%arg5 : memref<3136x16xf32, #tpu.memory_space<vmem>>)
    %mul3A_1322 = arith.constant 12 : i32
    %mul3A_1323 = arith.muli %arg0, %mul3A_1322 : i32
    %add3A_1324 = arith.constant 11 : i32
    %add3A_1325 = arith.addi %mul3A_1323, %add3A_1324 : i32
    %jit3A_1326 = arith.constant 6 : i32
    %div3A_1327 = arith.divsi %add3A_1325, %jit3A_1326 : i32
    %sign3A_1328 = arith.constant 0 : i32
    %sign3A_1329 = arith.cmpi sgt, %add3A_1325, %sign3A_1328 : i32
    %sign3A_1330 = arith.extui %sign3A_1329 : i1 to i32
    %sign3A_1331 = arith.constant 0 : i32
    %sign3A_1332 = arith.cmpi slt, %add3A_1325, %sign3A_1331 : i32
    %sign3A_1333 = arith.extui %sign3A_1332 : i1 to i32
    %sign3A_1334 = arith.subi %sign3A_1330, %sign3A_1333 : i32
    %sign3A_1335 = arith.constant 0 : i32
    %sign3A_1336 = arith.cmpi sgt, %jit3A_1326, %sign3A_1335 : i32
    %sign3A_1337 = arith.extui %sign3A_1336 : i1 to i32
    %sign3A_1338 = arith.constant 0 : i32
    %sign3A_1339 = arith.cmpi slt, %jit3A_1326, %sign3A_1338 : i32
    %sign3A_1340 = arith.extui %sign3A_1339 : i1 to i32
    %sign3A_1341 = arith.subi %sign3A_1337, %sign3A_1340 : i32
    %ne3A_1342 = arith.cmpi ne, %sign3A_1334, %sign3A_1341 : i32
    %rem3A_1343 = arith.remsi %add3A_1325, %jit3A_1326 : i32
    %ne3A_1344 = arith.constant 0 : i32
    %ne3A_1345 = arith.cmpi ne, %rem3A_1343, %ne3A_1344 : i32
    %and3A_1346 = arith.andi %ne3A_1342, %ne3A_1345 : i1
    %sub3A_1347 = arith.constant 1 : i32
    %sub3A_1348 = arith.subi %div3A_1327, %sub3A_1347 : i32
    %select_n3A_1349 = arith.select %and3A_1346, %sub3A_1348, %div3A_1327 : i32
    %mul3A_1350 = arith.constant 12 : i32
    %mul3A_1351 = arith.muli %arg0, %mul3A_1350 : i32
    %add3A_1352 = arith.constant 11 : i32
    %add3A_1353 = arith.addi %mul3A_1351, %add3A_1352 : i32
    %jit3A_1354 = arith.constant 6 : i32
    %eq3A_1355 = arith.constant 0 : i32
    %eq3A_1356 = arith.cmpi eq, %jit3A_1354, %eq3A_1355 : i32
    %jit3A_1357 = arith.constant 1 : i32
    %select_n3A_1358 = arith.select %eq3A_1356, %jit3A_1357, %jit3A_1354 : i32
    %rem3A_1359 = arith.remsi %add3A_1353, %select_n3A_1358 : i32
    %ne3A_1360 = arith.constant 0 : i32
    %ne3A_1361 = arith.cmpi ne, %rem3A_1359, %ne3A_1360 : i32
    %lt3A_1362 = arith.constant 0 : i32
    %lt3A_1363 = arith.cmpi slt, %rem3A_1359, %lt3A_1362 : i32
    %lt3A_1364 = arith.constant 0 : i32
    %lt3A_1365 = arith.cmpi slt, %select_n3A_1358, %lt3A_1364 : i32
    %ne3A_1366 = arith.xori %lt3A_1363, %lt3A_1365 : i1
    %and3A_1367 = arith.andi %ne3A_1366, %ne3A_1361 : i1
    %add3A_1368 = arith.addi %rem3A_1359, %select_n3A_1358 : i32
    %select_n3A_1369 = arith.select %and3A_1367, %add3A_1368, %rem3A_1359 : i32
    %mul3A_1370 = arith.constant 16 : i32
    %mul3A_1371 = arith.muli %select_n3A_1369, %mul3A_1370 : i32
    %dma_start3A_1372 = tpu.memref_slice %arg3[%select_n3A_1349, %mul3A_0, %mul3A_1371] : memref<4x50176x96xf32, #tpu.memory_space<hbm>> -> memref<1x3136x16xf32, #tpu.memory_space<hbm>>
    %dma_start3A_1373 = tpu.memref_squeeze %dma_start3A_1372 : memref<1x3136x16xf32, #tpu.memory_space<hbm>> -> memref<3136x16xf32, #tpu.memory_space<hbm>>
    %dma_start3A_1374 = tpu.memref_slice %arg3[%select_n3A_1349, %mul3A_0, %mul3A_1371] : memref<4x50176x96xf32, #tpu.memory_space<hbm>> -> memref<1x3136x16xf32, #tpu.memory_space<hbm>>
    %dma_start3A_1375 = tpu.memref_squeeze %dma_start3A_1374 : memref<1x3136x16xf32, #tpu.memory_space<hbm>> -> memref<3136x16xf32, #tpu.memory_space<hbm>>
    tpu.enqueue_dma source(%arg5 : memref<3136x16xf32, #tpu.memory_space<vmem>>) target(%dma_start3A_1375 : memref<3136x16xf32, #tpu.memory_space<hbm>>) target_semaphore(%arg7 : memref<!tpu.dma_semaphore, #tpu.memory_space<semaphore_mem>>)
    %mul3A_1376 = arith.constant 12 : i32
    %mul3A_1377 = arith.muli %arg0, %mul3A_1376 : i32
    %add3A_1378 = arith.constant 10 : i32
    %add3A_1379 = arith.addi %mul3A_1377, %add3A_1378 : i32
    %jit3A_1380 = arith.constant 6 : i32
    %div3A_1381 = arith.divsi %add3A_1379, %jit3A_1380 : i32
    %sign3A_1382 = arith.constant 0 : i32
    %sign3A_1383 = arith.cmpi sgt, %add3A_1379, %sign3A_1382 : i32
    %sign3A_1384 = arith.extui %sign3A_1383 : i1 to i32
    %sign3A_1385 = arith.constant 0 : i32
    %sign3A_1386 = arith.cmpi slt, %add3A_1379, %sign3A_1385 : i32
    %sign3A_1387 = arith.extui %sign3A_1386 : i1 to i32
    %sign3A_1388 = arith.subi %sign3A_1384, %sign3A_1387 : i32
    %sign3A_1389 = arith.constant 0 : i32
    %sign3A_1390 = arith.cmpi sgt, %jit3A_1380, %sign3A_1389 : i32
    %sign3A_1391 = arith.extui %sign3A_1390 : i1 to i32
    %sign3A_1392 = arith.constant 0 : i32
    %sign3A_1393 = arith.cmpi slt, %jit3A_1380, %sign3A_1392 : i32
    %sign3A_1394 = arith.extui %sign3A_1393 : i1 to i32
    %sign3A_1395 = arith.subi %sign3A_1391, %sign3A_1394 : i32
    %ne3A_1396 = arith.cmpi ne, %sign3A_1388, %sign3A_1395 : i32
    %rem3A_1397 = arith.remsi %add3A_1379, %jit3A_1380 : i32
    %ne3A_1398 = arith.constant 0 : i32
    %ne3A_1399 = arith.cmpi ne, %rem3A_1397, %ne3A_1398 : i32
    %and3A_1400 = arith.andi %ne3A_1396, %ne3A_1399 : i1
    %sub3A_1401 = arith.constant 1 : i32
    %sub3A_1402 = arith.subi %div3A_1381, %sub3A_1401 : i32
    %select_n3A_1403 = arith.select %and3A_1400, %sub3A_1402, %div3A_1381 : i32
    %jit3A_1404 = arith.constant 6 : i32
    %eq3A_1405 = arith.constant 0 : i32
    %eq3A_1406 = arith.cmpi eq, %jit3A_1404, %eq3A_1405 : i32
    %jit3A_1407 = arith.constant 1 : i32
    %select_n3A_1408 = arith.select %eq3A_1406, %jit3A_1407, %jit3A_1404 : i32
    %rem3A_1409 = arith.remsi %add3A_1379, %select_n3A_1408 : i32
    %ne3A_1410 = arith.constant 0 : i32
    %ne3A_1411 = arith.cmpi ne, %rem3A_1409, %ne3A_1410 : i32
    %lt3A_1412 = arith.constant 0 : i32
    %lt3A_1413 = arith.cmpi slt, %rem3A_1409, %lt3A_1412 : i32
    %lt3A_1414 = arith.constant 0 : i32
    %lt3A_1415 = arith.cmpi slt, %select_n3A_1408, %lt3A_1414 : i32
    %ne3A_1416 = arith.xori %lt3A_1413, %lt3A_1415 : i1
    %and3A_1417 = arith.andi %ne3A_1416, %ne3A_1411 : i1
    %add3A_1418 = arith.addi %rem3A_1409, %select_n3A_1408 : i32
    %select_n3A_1419 = arith.select %and3A_1417, %add3A_1418, %rem3A_1409 : i32
    %mul3A_1420 = arith.constant 16 : i32
    %mul3A_1421 = arith.muli %select_n3A_1419, %mul3A_1420 : i32
    %dma_wait3A_1422 = tpu.memref_slice %arg3[%select_n3A_1403, %mul3A_0, %mul3A_1421] : memref<4x50176x96xf32, #tpu.memory_space<hbm>> -> memref<1x3136x16xf32, #tpu.memory_space<hbm>>
    %dma_wait3A_1423 = tpu.memref_squeeze %dma_wait3A_1422 : memref<1x3136x16xf32, #tpu.memory_space<hbm>> -> memref<3136x16xf32, #tpu.memory_space<hbm>>
    %dma_wait3A_1424 = tpu.memref_slice %arg3[%select_n3A_1403, %mul3A_0, %mul3A_1421] : memref<4x50176x96xf32, #tpu.memory_space<hbm>> -> memref<1x3136x16xf32, #tpu.memory_space<hbm>>
    %dma_wait3A_1425 = tpu.memref_squeeze %dma_wait3A_1424 : memref<1x3136x16xf32, #tpu.memory_space<hbm>> -> memref<3136x16xf32, #tpu.memory_space<hbm>>
    tpu.wait_dma2 semaphore(%arg7 : memref<!tpu.dma_semaphore, #tpu.memory_space<semaphore_mem>>) src(%arg4 : memref<3136x16xf32, #tpu.memory_space<vmem>>) dst(%dma_wait3A_1425 : memref<3136x16xf32, #tpu.memory_space<hbm>>)
    %mul3A_1426 = arith.constant 12 : i32
    %mul3A_1427 = arith.muli %arg0, %mul3A_1426 : i32
    %add3A_1428 = arith.constant 11 : i32
    %add3A_1429 = arith.addi %mul3A_1427, %add3A_1428 : i32
    %jit3A_1430 = arith.constant 6 : i32
    %div3A_1431 = arith.divsi %add3A_1429, %jit3A_1430 : i32
    %sign3A_1432 = arith.constant 0 : i32
    %sign3A_1433 = arith.cmpi sgt, %add3A_1429, %sign3A_1432 : i32
    %sign3A_1434 = arith.extui %sign3A_1433 : i1 to i32
    %sign3A_1435 = arith.constant 0 : i32
    %sign3A_1436 = arith.cmpi slt, %add3A_1429, %sign3A_1435 : i32
    %sign3A_1437 = arith.extui %sign3A_1436 : i1 to i32
    %sign3A_1438 = arith.subi %sign3A_1434, %sign3A_1437 : i32
    %sign3A_1439 = arith.constant 0 : i32
    %sign3A_1440 = arith.cmpi sgt, %jit3A_1430, %sign3A_1439 : i32
    %sign3A_1441 = arith.extui %sign3A_1440 : i1 to i32
    %sign3A_1442 = arith.constant 0 : i32
    %sign3A_1443 = arith.cmpi slt, %jit3A_1430, %sign3A_1442 : i32
    %sign3A_1444 = arith.extui %sign3A_1443 : i1 to i32
    %sign3A_1445 = arith.subi %sign3A_1441, %sign3A_1444 : i32
    %ne3A_1446 = arith.cmpi ne, %sign3A_1438, %sign3A_1445 : i32
    %rem3A_1447 = arith.remsi %add3A_1429, %jit3A_1430 : i32
    %ne3A_1448 = arith.constant 0 : i32
    %ne3A_1449 = arith.cmpi ne, %rem3A_1447, %ne3A_1448 : i32
    %and3A_1450 = arith.andi %ne3A_1446, %ne3A_1449 : i1
    %sub3A_1451 = arith.constant 1 : i32
    %sub3A_1452 = arith.subi %div3A_1431, %sub3A_1451 : i32
    %select_n3A_1453 = arith.select %and3A_1450, %sub3A_1452, %div3A_1431 : i32
    %jit3A_1454 = arith.constant 6 : i32
    %eq3A_1455 = arith.constant 0 : i32
    %eq3A_1456 = arith.cmpi eq, %jit3A_1454, %eq3A_1455 : i32
    %jit3A_1457 = arith.constant 1 : i32
    %select_n3A_1458 = arith.select %eq3A_1456, %jit3A_1457, %jit3A_1454 : i32
    %rem3A_1459 = arith.remsi %add3A_1429, %select_n3A_1458 : i32
    %ne3A_1460 = arith.constant 0 : i32
    %ne3A_1461 = arith.cmpi ne, %rem3A_1459, %ne3A_1460 : i32
    %lt3A_1462 = arith.constant 0 : i32
    %lt3A_1463 = arith.cmpi slt, %rem3A_1459, %lt3A_1462 : i32
    %lt3A_1464 = arith.constant 0 : i32
    %lt3A_1465 = arith.cmpi slt, %select_n3A_1458, %lt3A_1464 : i32
    %ne3A_1466 = arith.xori %lt3A_1463, %lt3A_1465 : i1
    %and3A_1467 = arith.andi %ne3A_1466, %ne3A_1461 : i1
    %add3A_1468 = arith.addi %rem3A_1459, %select_n3A_1458 : i32
    %select_n3A_1469 = arith.select %and3A_1467, %add3A_1468, %rem3A_1459 : i32
    %mul3A_1470 = arith.constant 16 : i32
    %mul3A_1471 = arith.muli %select_n3A_1469, %mul3A_1470 : i32
    %dma_wait3A_1472 = tpu.memref_slice %arg3[%select_n3A_1453, %mul3A_0, %mul3A_1471] : memref<4x50176x96xf32, #tpu.memory_space<hbm>> -> memref<1x3136x16xf32, #tpu.memory_space<hbm>>
    %dma_wait3A_1473 = tpu.memref_squeeze %dma_wait3A_1472 : memref<1x3136x16xf32, #tpu.memory_space<hbm>> -> memref<3136x16xf32, #tpu.memory_space<hbm>>
    %dma_wait3A_1474 = tpu.memref_slice %arg3[%select_n3A_1453, %mul3A_0, %mul3A_1471] : memref<4x50176x96xf32, #tpu.memory_space<hbm>> -> memref<1x3136x16xf32, #tpu.memory_space<hbm>>
    %dma_wait3A_1475 = tpu.memref_squeeze %dma_wait3A_1474 : memref<1x3136x16xf32, #tpu.memory_space<hbm>> -> memref<3136x16xf32, #tpu.memory_space<hbm>>
    tpu.wait_dma2 semaphore(%arg7 : memref<!tpu.dma_semaphore, #tpu.memory_space<semaphore_mem>>) src(%arg5 : memref<3136x16xf32, #tpu.memory_space<vmem>>) dst(%dma_wait3A_1475 : memref<3136x16xf32, #tpu.memory_space<hbm>>)
    return
  }
}

#map = affine_map<(d0, d1) -> (0, 0, 0)>
#map1 = affine_map<(d0, d1) -> (0, 0)>
module attributes {stable_mosaic.version = 14 : i64} {
  func.func @_sc_body(%arg0: i32, %arg1: i32, %arg2: memref<4x12544x96xf32, #tpu.memory_space<hbm>>, %arg3: memref<4x12544x96xi32, #tpu.memory_space<hbm>>, %arg4: memref<24x802816xf32, #tpu.memory_space<hbm>>, %arg5: memref<802816xf32, #tpu.memory_space<vmem_shared>>, %arg6: memref<784x16xf32, #tpu.memory_space<vmem>>, %arg7: memref<784x16xi32, #tpu.memory_space<vmem>>, %arg8: memref<12544xi32, #tpu.memory_space<vmem>>, %arg9: memref<12544xf32, #tpu.memory_space<vmem>>, %arg10: memref<12544xf32, #tpu.memory_space<vmem>>, %arg11: memref<!tpu.dma_semaphore, #tpu.memory_space<semaphore_mem>>, %arg12: memref<!tpu.dma_semaphore, #tpu.memory_space<semaphore_mem>>, %arg13: memref<!tpu.dma_semaphore, #tpu.memory_space<semaphore_mem>>, %arg14: memref<!tpu.dma_semaphore, #tpu.memory_space<semaphore_mem>>) attributes {dimension_semantics = [#tpu.dimension_semantics<core_parallel>, #tpu.dimension_semantics<subcore_parallel>], iteration_bounds = array<i64: 2, 16>, scalar_prefetch = 0 : i64, scratch_operands = 10 : i64, tpu.core_type = #tpu.core_type<sc_vector_subcore>, window_params = [{transform_indices = #map}, {transform_indices = #map}, {transform_indices = #map1}]} {
    %iota3A = tpu.iota {dimensions = array<i32: 0>} : vector<16xi32>
    %scan3A = arith.constant 0 : i32
    %scan3A_0 = arith.constant 784 : i32
    %scan3A_1 = arith.addi %scan3A, %scan3A_0 : i32
    %scan3A_2 = arith.constant 1 : i32
    scf.for %scan3A_62 = %scan3A to %scan3A_1 step %scan3A_2  : i32 {
      %mul3A_63 = arith.constant 1 : i32
      %mul3A_64 = arith.muli %scan3A_62, %mul3A_63 : i32
      %add3A_65 = arith.constant 0 : i32
      %add3A_66 = arith.addi %add3A_65, %mul3A_64 : i32
      %broadcast_in_dim3A = arith.constant 0.000000e+00 : f32
      %broadcast_in_dim3A_67 = vector.broadcast %broadcast_in_dim3A : f32 to vector<16xf32>
      %mul3A_68 = arith.constant 16 : i32
      %mul3A_69 = arith.muli %add3A_66, %mul3A_68 : i32
      %swap3A = arith.index_cast %mul3A_69 : i32 to index
      %swap3A_70 = tpu.vector_load %arg10[%swap3A] {strides = array<i32>} : memref<12544xf32, #tpu.memory_space<vmem>>, vector<16xf32>,
      tpu.vector_store %arg10[%swap3A], %broadcast_in_dim3A_67 {strides = array<i32>} : memref<12544xf32, #tpu.memory_space<vmem>>, vector<16xf32>,
    }
    %scan3A_3 = arith.constant 784 : i32
    %mul3A = arith.constant 12 : i32
    %mul3A_4 = arith.muli %arg0, %mul3A : i32
    %add3A = arith.constant 0 : i32
    %add3A_5 = arith.addi %mul3A_4, %add3A : i32
    %jit3A = arith.constant 6 : i32
    %div3A = arith.divsi %add3A_5, %jit3A : i32
    %sign3A = arith.constant 0 : i32
    %sign3A_6 = arith.cmpi sgt, %add3A_5, %sign3A : i32
    %sign3A_7 = arith.extui %sign3A_6 : i1 to i32
    %sign3A_8 = arith.constant 0 : i32
    %sign3A_9 = arith.cmpi slt, %add3A_5, %sign3A_8 : i32
    %sign3A_10 = arith.extui %sign3A_9 : i1 to i32
    %sign3A_11 = arith.subi %sign3A_7, %sign3A_10 : i32
    %sign3A_12 = arith.constant 0 : i32
    %sign3A_13 = arith.cmpi sgt, %jit3A, %sign3A_12 : i32
    %sign3A_14 = arith.extui %sign3A_13 : i1 to i32
    %sign3A_15 = arith.constant 0 : i32
    %sign3A_16 = arith.cmpi slt, %jit3A, %sign3A_15 : i32
    %sign3A_17 = arith.extui %sign3A_16 : i1 to i32
    %sign3A_18 = arith.subi %sign3A_14, %sign3A_17 : i32
    %ne3A = arith.cmpi ne, %sign3A_11, %sign3A_18 : i32
    %rem3A = arith.remsi %add3A_5, %jit3A : i32
    %ne3A_19 = arith.constant 0 : i32
    %ne3A_20 = arith.cmpi ne, %rem3A, %ne3A_19 : i32
    %and3A = arith.andi %ne3A, %ne3A_20 : i1
    %sub3A = arith.constant 1 : i32
    %sub3A_21 = arith.subi %div3A, %sub3A : i32
    %select_n3A = arith.select %and3A, %sub3A_21, %div3A : i32
    %jit3A_22 = arith.constant 6 : i32
    %eq3A = arith.constant 0 : i32
    %eq3A_23 = arith.cmpi eq, %jit3A_22, %eq3A : i32
    %jit3A_24 = arith.constant 1 : i32
    %select_n3A_25 = arith.select %eq3A_23, %jit3A_24, %jit3A_22 : i32
    %rem3A_26 = arith.remsi %add3A_5, %select_n3A_25 : i32
    %ne3A_27 = arith.constant 0 : i32
    %ne3A_28 = arith.cmpi ne, %rem3A_26, %ne3A_27 : i32
    %lt3A = arith.constant 0 : i32
    %lt3A_29 = arith.cmpi slt, %rem3A_26, %lt3A : i32
    %lt3A_30 = arith.constant 0 : i32
    %lt3A_31 = arith.cmpi slt, %select_n3A_25, %lt3A_30 : i32
    %ne3A_32 = arith.xori %lt3A_29, %lt3A_31 : i1
    %and3A_33 = arith.andi %ne3A_32, %ne3A_28 : i1
    %add3A_34 = arith.addi %rem3A_26, %select_n3A_25 : i32
    %select_n3A_35 = arith.select %and3A_33, %add3A_34, %rem3A_26 : i32
    %mul3A_36 = arith.constant 16 : i32
    %mul3A_37 = arith.muli %select_n3A_35, %mul3A_36 : i32
    %mul3A_38 = arith.constant 784 : i32
    %mul3A_39 = arith.muli %arg1, %mul3A_38 : i32
    %dma_start3A = tpu.memref_slice %arg3[%select_n3A, %mul3A_39, %mul3A_37] : memref<4x12544x96xi32, #tpu.memory_space<hbm>> -> memref<1x784x16xi32, #tpu.memory_space<hbm>>
    %dma_start3A_40 = tpu.memref_squeeze %dma_start3A : memref<1x784x16xi32, #tpu.memory_space<hbm>> -> memref<784x16xi32, #tpu.memory_space<hbm>>
    %dma_start3A_41 = tpu.memref_slice %arg3[%select_n3A, %mul3A_39, %mul3A_37] : memref<4x12544x96xi32, #tpu.memory_space<hbm>> -> memref<1x784x16xi32, #tpu.memory_space<hbm>>
    %dma_start3A_42 = tpu.memref_squeeze %dma_start3A_41 : memref<1x784x16xi32, #tpu.memory_space<hbm>> -> memref<784x16xi32, #tpu.memory_space<hbm>>
    tpu.enqueue_dma source(%dma_start3A_42 : memref<784x16xi32, #tpu.memory_space<hbm>>) target(%arg7 : memref<784x16xi32, #tpu.memory_space<vmem>>) target_semaphore(%arg12 : memref<!tpu.dma_semaphore, #tpu.memory_space<semaphore_mem>>)
    %dma_start3A_43 = tpu.memref_slice %arg2[%select_n3A, %mul3A_39, %mul3A_37] : memref<4x12544x96xf32, #tpu.memory_space<hbm>> -> memref<1x784x16xf32, #tpu.memory_space<hbm>>
    %dma_start3A_44 = tpu.memref_squeeze %dma_start3A_43 : memref<1x784x16xf32, #tpu.memory_space<hbm>> -> memref<784x16xf32, #tpu.memory_space<hbm>>
    %dma_start3A_45 = tpu.memref_slice %arg2[%select_n3A, %mul3A_39, %mul3A_37] : memref<4x12544x96xf32, #tpu.memory_space<hbm>> -> memref<1x784x16xf32, #tpu.memory_space<hbm>>
    %dma_start3A_46 = tpu.memref_squeeze %dma_start3A_45 : memref<1x784x16xf32, #tpu.memory_space<hbm>> -> memref<784x16xf32, #tpu.memory_space<hbm>>
    tpu.enqueue_dma source(%dma_start3A_46 : memref<784x16xf32, #tpu.memory_space<hbm>>) target(%arg6 : memref<784x16xf32, #tpu.memory_space<vmem>>) target_semaphore(%arg12 : memref<!tpu.dma_semaphore, #tpu.memory_space<semaphore_mem>>)
    %scan3A_47 = arith.constant 0 : i32
    %scan3A_48 = arith.constant 12 : i32
    %scan3A_49 = arith.addi %scan3A_47, %scan3A_48 : i32
    %scan3A_50 = arith.constant 1 : i32
    scf.for %scan3A_62 = %scan3A_47 to %scan3A_49 step %scan3A_50  : i32 {
      %mul3A_63 = arith.constant 1 : i32
      %mul3A_64 = arith.muli %scan3A_62, %mul3A_63 : i32
      %add3A_65 = arith.constant 0 : i32
      %add3A_66 = arith.addi %add3A_65, %mul3A_64 : i32
      %mul3A_67 = arith.constant 12 : i32
      %mul3A_68 = arith.muli %arg0, %mul3A_67 : i32
      %add3A_69 = arith.addi %mul3A_68, %add3A_66 : i32
      %mul3A_70 = arith.constant 50176 : i32
      %mul3A_71 = arith.muli %arg1, %mul3A_70 : i32
      %gt3A = arith.constant 0 : i32
      %gt3A_72 = arith.cmpi sgt, %add3A_66, %gt3A : i32
      %convert_element_type3A = arith.extui %gt3A_72 : i1 to i32
      %cond3A = arith.constant 0 : i32
      %cond3A_73 = arith.cmpi ne, %convert_element_type3A, %cond3A : i32
      scf.if %cond3A_73 {
        %sub3A_162 = arith.constant 1 : i32
        %sub3A_163 = arith.subi %add3A_69, %sub3A_162 : i32
        %dma_wait3A_164 = tpu.memref_slice %arg4[%sub3A_163, %mul3A_71] : memref<24x802816xf32, #tpu.memory_space<hbm>> -> memref<1x50176xf32, #tpu.memory_space<hbm>>
        %dma_wait3A_165 = tpu.memref_squeeze %dma_wait3A_164 : memref<1x50176xf32, #tpu.memory_space<hbm>> -> memref<50176xf32, #tpu.memory_space<hbm>>
        %dma_wait3A_166 = tpu.memref_slice %arg5[%mul3A_71] : memref<802816xf32, #tpu.memory_space<vmem_shared>> -> memref<50176xf32, #tpu.memory_space<vmem_shared>>
        tpu.wait_dma2 semaphore(%arg13 : memref<!tpu.dma_semaphore, #tpu.memory_space<semaphore_mem>>) src(%dma_wait3A_166 : memref<50176xf32, #tpu.memory_space<vmem_shared>>) dst(%dma_wait3A_165 : memref<50176xf32, #tpu.memory_space<hbm>>)
      } else {
      }
      %scan3A_74 = arith.constant 0 : i32
      %scan3A_75 = arith.constant 4 : i32
      %scan3A_76 = arith.addi %scan3A_74, %scan3A_75 : i32
      %scan3A_77 = arith.constant 1 : i32
      scf.for %scan3A_162 = %scan3A_74 to %scan3A_76 step %scan3A_77  : i32 {
        %mul3A_163 = arith.constant 1 : i32
        %mul3A_164 = arith.muli %scan3A_162, %mul3A_163 : i32
        %add3A_165 = arith.constant 0 : i32
        %add3A_166 = arith.addi %add3A_165, %mul3A_164 : i32
        %mul3A_167 = arith.constant 12544 : i32
        %mul3A_168 = arith.muli %add3A_166, %mul3A_167 : i32
        %add3A_169 = arith.addi %mul3A_71, %mul3A_168 : i32
        %dma_start3A_170 = tpu.memref_slice %arg5[%add3A_169] : memref<802816xf32, #tpu.memory_space<vmem_shared>> -> memref<12544xf32, #tpu.memory_space<vmem_shared>>
        %dma_start3A_171 = tpu.memref_slice %arg5[%add3A_169] : memref<802816xf32, #tpu.memory_space<vmem_shared>> -> memref<12544xf32, #tpu.memory_space<vmem_shared>>
        tpu.enqueue_dma source(%arg10 : memref<12544xf32, #tpu.memory_space<vmem>>) target(%dma_start3A_171 : memref<12544xf32, #tpu.memory_space<vmem_shared>>) target_semaphore(%arg14 : memref<!tpu.dma_semaphore, #tpu.memory_space<semaphore_mem>>)
      }
      %scan3A_78 = arith.constant 4 : i32
      %scan3A_79 = arith.constant 0 : i32
      %scan3A_80 = arith.constant 4 : i32
      %scan3A_81 = arith.addi %scan3A_79, %scan3A_80 : i32
      %scan3A_82 = arith.constant 1 : i32
      scf.for %scan3A_162 = %scan3A_79 to %scan3A_81 step %scan3A_82  : i32 {
        %mul3A_163 = arith.constant 1 : i32
        %mul3A_164 = arith.muli %scan3A_162, %mul3A_163 : i32
        %add3A_165 = arith.constant 0 : i32
        %add3A_166 = arith.addi %add3A_165, %mul3A_164 : i32
        %mul3A_167 = arith.constant 12544 : i32
        %mul3A_168 = arith.muli %add3A_166, %mul3A_167 : i32
        %add3A_169 = arith.addi %mul3A_71, %mul3A_168 : i32
        %dma_wait3A_170 = tpu.memref_slice %arg5[%add3A_169] : memref<802816xf32, #tpu.memory_space<vmem_shared>> -> memref<12544xf32, #tpu.memory_space<vmem_shared>>
        %dma_wait3A_171 = tpu.memref_slice %arg5[%add3A_169] : memref<802816xf32, #tpu.memory_space<vmem_shared>> -> memref<12544xf32, #tpu.memory_space<vmem_shared>>
        tpu.wait_dma2 semaphore(%arg14 : memref<!tpu.dma_semaphore, #tpu.memory_space<semaphore_mem>>) src(%arg10 : memref<12544xf32, #tpu.memory_space<vmem>>) dst(%dma_wait3A_171 : memref<12544xf32, #tpu.memory_space<vmem_shared>>)
      }
      %scan3A_83 = arith.constant 4 : i32
      %barrier3A = arith.constant 0 : index
      tpu.barrier barrier_id(%barrier3A)
      %mul3A_84 = arith.constant 784 : i32
      %mul3A_85 = arith.muli %arg1, %mul3A_84 : i32
      %jit3A_86 = arith.constant 6 : i32
      %div3A_87 = arith.divsi %add3A_69, %jit3A_86 : i32
      %sign3A_88 = arith.constant 0 : i32
      %sign3A_89 = arith.cmpi sgt, %add3A_69, %sign3A_88 : i32
      %sign3A_90 = arith.extui %sign3A_89 : i1 to i32
      %sign3A_91 = arith.constant 0 : i32
      %sign3A_92 = arith.cmpi slt, %add3A_69, %sign3A_91 : i32
      %sign3A_93 = arith.extui %sign3A_92 : i1 to i32
      %sign3A_94 = arith.subi %sign3A_90, %sign3A_93 : i32
      %sign3A_95 = arith.constant 0 : i32
      %sign3A_96 = arith.cmpi sgt, %jit3A_86, %sign3A_95 : i32
      %sign3A_97 = arith.extui %sign3A_96 : i1 to i32
      %sign3A_98 = arith.constant 0 : i32
      %sign3A_99 = arith.cmpi slt, %jit3A_86, %sign3A_98 : i32
      %sign3A_100 = arith.extui %sign3A_99 : i1 to i32
      %sign3A_101 = arith.subi %sign3A_97, %sign3A_100 : i32
      %ne3A_102 = arith.cmpi ne, %sign3A_94, %sign3A_101 : i32
      %rem3A_103 = arith.remsi %add3A_69, %jit3A_86 : i32
      %ne3A_104 = arith.constant 0 : i32
      %ne3A_105 = arith.cmpi ne, %rem3A_103, %ne3A_104 : i32
      %and3A_106 = arith.andi %ne3A_102, %ne3A_105 : i1
      %sub3A_107 = arith.constant 1 : i32
      %sub3A_108 = arith.subi %div3A_87, %sub3A_107 : i32
      %select_n3A_109 = arith.select %and3A_106, %sub3A_108, %div3A_87 : i32
      %jit3A_110 = arith.constant 6 : i32
      %eq3A_111 = arith.constant 0 : i32
      %eq3A_112 = arith.cmpi eq, %jit3A_110, %eq3A_111 : i32
      %jit3A_113 = arith.constant 1 : i32
      %select_n3A_114 = arith.select %eq3A_112, %jit3A_113, %jit3A_110 : i32
      %rem3A_115 = arith.remsi %add3A_69, %select_n3A_114 : i32
      %ne3A_116 = arith.constant 0 : i32
      %ne3A_117 = arith.cmpi ne, %rem3A_115, %ne3A_116 : i32
      %lt3A_118 = arith.constant 0 : i32
      %lt3A_119 = arith.cmpi slt, %rem3A_115, %lt3A_118 : i32
      %lt3A_120 = arith.constant 0 : i32
      %lt3A_121 = arith.cmpi slt, %select_n3A_114, %lt3A_120 : i32
      %ne3A_122 = arith.xori %lt3A_119, %lt3A_121 : i1
      %and3A_123 = arith.andi %ne3A_122, %ne3A_117 : i1
      %add3A_124 = arith.addi %rem3A_115, %select_n3A_114 : i32
      %select_n3A_125 = arith.select %and3A_123, %add3A_124, %rem3A_115 : i32
      %mul3A_126 = arith.constant 16 : i32
      %mul3A_127 = arith.muli %select_n3A_125, %mul3A_126 : i32
      %dma_wait3A_128 = tpu.memref_slice %arg3[%select_n3A_109, %mul3A_85, %mul3A_127] : memref<4x12544x96xi32, #tpu.memory_space<hbm>> -> memref<1x784x16xi32, #tpu.memory_space<hbm>>
      %dma_wait3A_129 = tpu.memref_squeeze %dma_wait3A_128 : memref<1x784x16xi32, #tpu.memory_space<hbm>> -> memref<784x16xi32, #tpu.memory_space<hbm>>
      %dma_wait3A_130 = tpu.memref_slice %arg3[%select_n3A_109, %mul3A_85, %mul3A_127] : memref<4x12544x96xi32, #tpu.memory_space<hbm>> -> memref<1x784x16xi32, #tpu.memory_space<hbm>>
      %dma_wait3A_131 = tpu.memref_squeeze %dma_wait3A_130 : memref<1x784x16xi32, #tpu.memory_space<hbm>> -> memref<784x16xi32, #tpu.memory_space<hbm>>
      tpu.wait_dma2 semaphore(%arg12 : memref<!tpu.dma_semaphore, #tpu.memory_space<semaphore_mem>>) src(%dma_wait3A_131 : memref<784x16xi32, #tpu.memory_space<hbm>>) dst(%arg7 : memref<784x16xi32, #tpu.memory_space<vmem>>)
      %dma_wait3A_132 = tpu.memref_slice %arg2[%select_n3A_109, %mul3A_85, %mul3A_127] : memref<4x12544x96xf32, #tpu.memory_space<hbm>> -> memref<1x784x16xf32, #tpu.memory_space<hbm>>
      %dma_wait3A_133 = tpu.memref_squeeze %dma_wait3A_132 : memref<1x784x16xf32, #tpu.memory_space<hbm>> -> memref<784x16xf32, #tpu.memory_space<hbm>>
      %dma_wait3A_134 = tpu.memref_slice %arg2[%select_n3A_109, %mul3A_85, %mul3A_127] : memref<4x12544x96xf32, #tpu.memory_space<hbm>> -> memref<1x784x16xf32, #tpu.memory_space<hbm>>
      %dma_wait3A_135 = tpu.memref_squeeze %dma_wait3A_134 : memref<1x784x16xf32, #tpu.memory_space<hbm>> -> memref<784x16xf32, #tpu.memory_space<hbm>>
      tpu.wait_dma2 semaphore(%arg12 : memref<!tpu.dma_semaphore, #tpu.memory_space<semaphore_mem>>) src(%dma_wait3A_135 : memref<784x16xf32, #tpu.memory_space<hbm>>) dst(%arg6 : memref<784x16xf32, #tpu.memory_space<vmem>>)
      %scan3A_136 = arith.constant 0 : i32
      %scan3A_137 = arith.constant 784 : i32
      %scan3A_138 = arith.addi %scan3A_136, %scan3A_137 : i32
      %scan3A_139 = arith.constant 4 : i32
      scf.for %scan3A_162 = %scan3A_136 to %scan3A_138 step %scan3A_139  : i32 {
        %mul3A_163 = arith.constant 1 : i32
        %mul3A_164 = arith.muli %scan3A_162, %mul3A_163 : i32
        %add3A_165 = arith.constant 0 : i32
        %add3A_166 = arith.addi %add3A_165, %mul3A_164 : i32
        %get3A = arith.index_cast %add3A_166 : i32 to index
        %get3A_167 = arith.constant 0 : index
        %get3A_168 = tpu.vector_load %arg7[%get3A, %get3A_167] {strides = array<i32>} : memref<784x16xi32, #tpu.memory_space<vmem>>, vector<16xi32>,
        %shift_right_logical3A = arith.constant 5 : i32
        %shift_right_logical3A_169 = vector.broadcast %shift_right_logical3A : i32 to vector<16xi32>
        %shift_right_logical3A_170 = arith.shrui %get3A_168, %shift_right_logical3A_169 : vector<16xi32>
        %convert_element_type3A_171 = arith.sitofp %shift_right_logical3A_170 : vector<16xi32> to vector<16xf32>
        %mul3A_172 = arith.constant 0.333333343 : f32
        %mul3A_173 = vector.broadcast %mul3A_172 : f32 to vector<16xf32>
        %mul3A_174 = arith.mulf %convert_element_type3A_171, %mul3A_173 : vector<16xf32>
        %convert_element_type3A_175 = arith.fptosi %mul3A_174 : vector<16xf32> to vector<16xi32>
        %mul3A_176 = arith.constant 16 : i32
        %mul3A_177 = vector.broadcast %mul3A_176 : i32 to vector<16xi32>
        %mul3A_178 = arith.muli %convert_element_type3A_175, %mul3A_177 : vector<16xi32>
        %add3A_179 = arith.addi %mul3A_178, %iota3A : vector<16xi32>
        %mul3A_180 = arith.constant 16 : i32
        %mul3A_181 = arith.muli %add3A_166, %mul3A_180 : i32
        %swap3A = arith.index_cast %mul3A_181 : i32 to index
        %swap3A_182 = tpu.vector_load %arg8[%swap3A] {strides = array<i32>} : memref<12544xi32, #tpu.memory_space<vmem>>, vector<16xi32>,
        tpu.vector_store %arg8[%swap3A], %add3A_179 {strides = array<i32>} : memref<12544xi32, #tpu.memory_space<vmem>>, vector<16xi32>,
        %get3A_183 = arith.index_cast %add3A_166 : i32 to index
        %get3A_184 = arith.constant 0 : index
        %get3A_185 = tpu.vector_load %arg6[%get3A_183, %get3A_184] {strides = array<i32>} : memref<784x16xf32, #tpu.memory_space<vmem>>, vector<16xf32>,
        %mul3A_186 = arith.constant 16 : i32
        %mul3A_187 = arith.muli %add3A_166, %mul3A_186 : i32
        %swap3A_188 = arith.index_cast %mul3A_187 : i32 to index
        %swap3A_189 = tpu.vector_load %arg9[%swap3A_188] {strides = array<i32>} : memref<12544xf32, #tpu.memory_space<vmem>>, vector<16xf32>,
        tpu.vector_store %arg9[%swap3A_188], %get3A_185 {strides = array<i32>} : memref<12544xf32, #tpu.memory_space<vmem>>, vector<16xf32>,
        %scan3A_190 = arith.constant 1 : i32
        %scan3A_191 = arith.addi %scan3A_162, %scan3A_190 : i32
        %mul3A_192 = arith.constant 1 : i32
        %mul3A_193 = arith.muli %scan3A_191, %mul3A_192 : i32
        %add3A_194 = arith.constant 0 : i32
        %add3A_195 = arith.addi %add3A_194, %mul3A_193 : i32
        %get3A_196 = arith.index_cast %add3A_195 : i32 to index
        %get3A_197 = arith.constant 0 : index
        %get3A_198 = tpu.vector_load %arg7[%get3A_196, %get3A_197] {strides = array<i32>} : memref<784x16xi32, #tpu.memory_space<vmem>>, vector<16xi32>,
        %shift_right_logical3A_199 = arith.constant 5 : i32
        %shift_right_logical3A_200 = vector.broadcast %shift_right_logical3A_199 : i32 to vector<16xi32>
        %shift_right_logical3A_201 = arith.shrui %get3A_198, %shift_right_logical3A_200 : vector<16xi32>
        %convert_element_type3A_202 = arith.sitofp %shift_right_logical3A_201 : vector<16xi32> to vector<16xf32>
        %mul3A_203 = arith.constant 0.333333343 : f32
        %mul3A_204 = vector.broadcast %mul3A_203 : f32 to vector<16xf32>
        %mul3A_205 = arith.mulf %convert_element_type3A_202, %mul3A_204 : vector<16xf32>
        %convert_element_type3A_206 = arith.fptosi %mul3A_205 : vector<16xf32> to vector<16xi32>
        %mul3A_207 = arith.constant 16 : i32
        %mul3A_208 = vector.broadcast %mul3A_207 : i32 to vector<16xi32>
        %mul3A_209 = arith.muli %convert_element_type3A_206, %mul3A_208 : vector<16xi32>
        %add3A_210 = arith.addi %mul3A_209, %iota3A : vector<16xi32>
        %mul3A_211 = arith.constant 16 : i32
        %mul3A_212 = arith.muli %add3A_195, %mul3A_211 : i32
        %swap3A_213 = arith.index_cast %mul3A_212 : i32 to index
        %swap3A_214 = tpu.vector_load %arg8[%swap3A_213] {strides = array<i32>} : memref<12544xi32, #tpu.memory_space<vmem>>, vector<16xi32>,
        tpu.vector_store %arg8[%swap3A_213], %add3A_210 {strides = array<i32>} : memref<12544xi32, #tpu.memory_space<vmem>>, vector<16xi32>,
        %get3A_215 = arith.index_cast %add3A_195 : i32 to index
        %get3A_216 = arith.constant 0 : index
        %get3A_217 = tpu.vector_load %arg6[%get3A_215, %get3A_216] {strides = array<i32>} : memref<784x16xf32, #tpu.memory_space<vmem>>, vector<16xf32>,
        %mul3A_218 = arith.constant 16 : i32
        %mul3A_219 = arith.muli %add3A_195, %mul3A_218 : i32
        %swap3A_220 = arith.index_cast %mul3A_219 : i32 to index
        %swap3A_221 = tpu.vector_load %arg9[%swap3A_220] {strides = array<i32>} : memref<12544xf32, #tpu.memory_space<vmem>>, vector<16xf32>,
        tpu.vector_store %arg9[%swap3A_220], %get3A_217 {strides = array<i32>} : memref<12544xf32, #tpu.memory_space<vmem>>, vector<16xf32>,
        %scan3A_222 = arith.constant 2 : i32
        %scan3A_223 = arith.addi %scan3A_162, %scan3A_222 : i32
        %mul3A_224 = arith.constant 1 : i32
        %mul3A_225 = arith.muli %scan3A_223, %mul3A_224 : i32
        %add3A_226 = arith.constant 0 : i32
        %add3A_227 = arith.addi %add3A_226, %mul3A_225 : i32
        %get3A_228 = arith.index_cast %add3A_227 : i32 to index
        %get3A_229 = arith.constant 0 : index
        %get3A_230 = tpu.vector_load %arg7[%get3A_228, %get3A_229] {strides = array<i32>} : memref<784x16xi32, #tpu.memory_space<vmem>>, vector<16xi32>,
        %shift_right_logical3A_231 = arith.constant 5 : i32
        %shift_right_logical3A_232 = vector.broadcast %shift_right_logical3A_231 : i32 to vector<16xi32>
        %shift_right_logical3A_233 = arith.shrui %get3A_230, %shift_right_logical3A_232 : vector<16xi32>
        %convert_element_type3A_234 = arith.sitofp %shift_right_logical3A_233 : vector<16xi32> to vector<16xf32>
        %mul3A_235 = arith.constant 0.333333343 : f32
        %mul3A_236 = vector.broadcast %mul3A_235 : f32 to vector<16xf32>
        %mul3A_237 = arith.mulf %convert_element_type3A_234, %mul3A_236 : vector<16xf32>
        %convert_element_type3A_238 = arith.fptosi %mul3A_237 : vector<16xf32> to vector<16xi32>
        %mul3A_239 = arith.constant 16 : i32
        %mul3A_240 = vector.broadcast %mul3A_239 : i32 to vector<16xi32>
        %mul3A_241 = arith.muli %convert_element_type3A_238, %mul3A_240 : vector<16xi32>
        %add3A_242 = arith.addi %mul3A_241, %iota3A : vector<16xi32>
        %mul3A_243 = arith.constant 16 : i32
        %mul3A_244 = arith.muli %add3A_227, %mul3A_243 : i32
        %swap3A_245 = arith.index_cast %mul3A_244 : i32 to index
        %swap3A_246 = tpu.vector_load %arg8[%swap3A_245] {strides = array<i32>} : memref<12544xi32, #tpu.memory_space<vmem>>, vector<16xi32>,
        tpu.vector_store %arg8[%swap3A_245], %add3A_242 {strides = array<i32>} : memref<12544xi32, #tpu.memory_space<vmem>>, vector<16xi32>,
        %get3A_247 = arith.index_cast %add3A_227 : i32 to index
        %get3A_248 = arith.constant 0 : index
        %get3A_249 = tpu.vector_load %arg6[%get3A_247, %get3A_248] {strides = array<i32>} : memref<784x16xf32, #tpu.memory_space<vmem>>, vector<16xf32>,
        %mul3A_250 = arith.constant 16 : i32
        %mul3A_251 = arith.muli %add3A_227, %mul3A_250 : i32
        %swap3A_252 = arith.index_cast %mul3A_251 : i32 to index
        %swap3A_253 = tpu.vector_load %arg9[%swap3A_252] {strides = array<i32>} : memref<12544xf32, #tpu.memory_space<vmem>>, vector<16xf32>,
        tpu.vector_store %arg9[%swap3A_252], %get3A_249 {strides = array<i32>} : memref<12544xf32, #tpu.memory_space<vmem>>, vector<16xf32>,
        %scan3A_254 = arith.constant 3 : i32
        %scan3A_255 = arith.addi %scan3A_162, %scan3A_254 : i32
        %mul3A_256 = arith.constant 1 : i32
        %mul3A_257 = arith.muli %scan3A_255, %mul3A_256 : i32
        %add3A_258 = arith.constant 0 : i32
        %add3A_259 = arith.addi %add3A_258, %mul3A_257 : i32
        %get3A_260 = arith.index_cast %add3A_259 : i32 to index
        %get3A_261 = arith.constant 0 : index
        %get3A_262 = tpu.vector_load %arg7[%get3A_260, %get3A_261] {strides = array<i32>} : memref<784x16xi32, #tpu.memory_space<vmem>>, vector<16xi32>,
        %shift_right_logical3A_263 = arith.constant 5 : i32
        %shift_right_logical3A_264 = vector.broadcast %shift_right_logical3A_263 : i32 to vector<16xi32>
        %shift_right_logical3A_265 = arith.shrui %get3A_262, %shift_right_logical3A_264 : vector<16xi32>
        %convert_element_type3A_266 = arith.sitofp %shift_right_logical3A_265 : vector<16xi32> to vector<16xf32>
        %mul3A_267 = arith.constant 0.333333343 : f32
        %mul3A_268 = vector.broadcast %mul3A_267 : f32 to vector<16xf32>
        %mul3A_269 = arith.mulf %convert_element_type3A_266, %mul3A_268 : vector<16xf32>
        %convert_element_type3A_270 = arith.fptosi %mul3A_269 : vector<16xf32> to vector<16xi32>
        %mul3A_271 = arith.constant 16 : i32
        %mul3A_272 = vector.broadcast %mul3A_271 : i32 to vector<16xi32>
        %mul3A_273 = arith.muli %convert_element_type3A_270, %mul3A_272 : vector<16xi32>
        %add3A_274 = arith.addi %mul3A_273, %iota3A : vector<16xi32>
        %mul3A_275 = arith.constant 16 : i32
        %mul3A_276 = arith.muli %add3A_259, %mul3A_275 : i32
        %swap3A_277 = arith.index_cast %mul3A_276 : i32 to index
        %swap3A_278 = tpu.vector_load %arg8[%swap3A_277] {strides = array<i32>} : memref<12544xi32, #tpu.memory_space<vmem>>, vector<16xi32>,
        tpu.vector_store %arg8[%swap3A_277], %add3A_274 {strides = array<i32>} : memref<12544xi32, #tpu.memory_space<vmem>>, vector<16xi32>,
        %get3A_279 = arith.index_cast %add3A_259 : i32 to index
        %get3A_280 = arith.constant 0 : index
        %get3A_281 = tpu.vector_load %arg6[%get3A_279, %get3A_280] {strides = array<i32>} : memref<784x16xf32, #tpu.memory_space<vmem>>, vector<16xf32>,
        %mul3A_282 = arith.constant 16 : i32
        %mul3A_283 = arith.muli %add3A_259, %mul3A_282 : i32
        %swap3A_284 = arith.index_cast %mul3A_283 : i32 to index
        %swap3A_285 = tpu.vector_load %arg9[%swap3A_284] {strides = array<i32>} : memref<12544xf32, #tpu.memory_space<vmem>>, vector<16xf32>,
        tpu.vector_store %arg9[%swap3A_284], %get3A_281 {strides = array<i32>} : memref<12544xf32, #tpu.memory_space<vmem>>, vector<16xf32>,
      }
      %scan3A_140 = arith.constant 784 : i32
      %scan3A_141 = arith.constant 0 : i32
      %scan3A_142 = arith.constant 98 : i32
      %scan3A_143 = arith.addi %scan3A_141, %scan3A_142 : i32
      %scan3A_144 = arith.constant 1 : i32
      scf.for %scan3A_162 = %scan3A_141 to %scan3A_143 step %scan3A_144  : i32 {
        %mul3A_163 = arith.constant 1 : i32
        %mul3A_164 = arith.muli %scan3A_162, %mul3A_163 : i32
        %add3A_165 = arith.constant 0 : i32
        %add3A_166 = arith.addi %add3A_165, %mul3A_164 : i32
        %mul3A_167 = arith.constant 128 : i32
        %mul3A_168 = arith.muli %add3A_166, %mul3A_167 : i32
        %mul3A_169 = arith.constant 128 : i32
        %mul3A_170 = arith.muli %add3A_166, %mul3A_169 : i32
        %dma_start3A_171 = tpu.memref_slice %arg9[%mul3A_168] : memref<12544xf32, #tpu.memory_space<vmem>> -> memref<128xf32, #tpu.memory_space<vmem>>
        %dma_start3A_172 = tpu.memref_slice %arg8[%mul3A_170] : memref<12544xi32, #tpu.memory_space<vmem>> -> memref<128xi32, #tpu.memory_space<vmem>>
        %dma_start3A_173 = arith.constant 0 : i32
        %dma_start3A_174 = tpu.memref_slice %arg5[%dma_start3A_173] : memref<802816xf32, #tpu.memory_space<vmem_shared>> -> memref<802816xf32, #tpu.memory_space<vmem_shared>>
        tpu.enqueue_indirect_dma source(%dma_start3A_171 : memref<128xf32, #tpu.memory_space<vmem>>) target(%dma_start3A_174 : memref<802816xf32, #tpu.memory_space<vmem_shared>>) offsets(%dma_start3A_172 : memref<128xi32, #tpu.memory_space<vmem>>) semaphore(%arg11 : memref<!tpu.dma_semaphore, #tpu.memory_space<semaphore_mem>>) {add = true}
      }
      %scan3A_145 = arith.constant 98 : i32
      %scan3A_146 = arith.constant 0 : i32
      %scan3A_147 = arith.constant 98 : i32
      %scan3A_148 = arith.addi %scan3A_146, %scan3A_147 : i32
      %scan3A_149 = arith.constant 1 : i32
      scf.for %scan3A_162 = %scan3A_146 to %scan3A_148 step %scan3A_149  : i32 {
        %mul3A_163 = arith.constant 1 : i32
        %mul3A_164 = arith.muli %scan3A_162, %mul3A_163 : i32
        %add3A_165 = arith.constant 0 : i32
        %add3A_166 = arith.addi %add3A_165, %mul3A_164 : i32
        %mul3A_167 = arith.constant 128 : i32
        %mul3A_168 = arith.muli %add3A_166, %mul3A_167 : i32
        %mul3A_169 = arith.constant 128 : i32
        %mul3A_170 = arith.muli %add3A_166, %mul3A_169 : i32
        %dma_wait3A_171 = tpu.memref_slice %arg9[%mul3A_168] : memref<12544xf32, #tpu.memory_space<vmem>> -> memref<128xf32, #tpu.memory_space<vmem>>
        %dma_wait3A_172 = tpu.memref_slice %arg8[%mul3A_170] : memref<12544xi32, #tpu.memory_space<vmem>> -> memref<128xi32, #tpu.memory_space<vmem>>
        %dma_wait3A_173 = arith.constant 0 : i32
        %dma_wait3A_174 = tpu.memref_slice %arg5[%dma_wait3A_173] : memref<802816xf32, #tpu.memory_space<vmem_shared>> -> memref<802816xf32, #tpu.memory_space<vmem_shared>>
        tpu.wait_indirect_dma semaphore(%arg11 : memref<!tpu.dma_semaphore, #tpu.memory_space<semaphore_mem>>) src(%dma_wait3A_171 : memref<128xf32, #tpu.memory_space<vmem>>) dst(%dma_wait3A_174 : memref<802816xf32, #tpu.memory_space<vmem_shared>>)
      }
      %scan3A_150 = arith.constant 98 : i32
      %barrier3A_151 = arith.constant 0 : index
      tpu.barrier barrier_id(%barrier3A_151)
      %dma_start3A_152 = tpu.memref_slice %arg4[%add3A_69, %mul3A_71] : memref<24x802816xf32, #tpu.memory_space<hbm>> -> memref<1x50176xf32, #tpu.memory_space<hbm>>
      %dma_start3A_153 = tpu.memref_squeeze %dma_start3A_152 : memref<1x50176xf32, #tpu.memory_space<hbm>> -> memref<50176xf32, #tpu.memory_space<hbm>>
      %dma_start3A_154 = tpu.memref_slice %arg5[%mul3A_71] : memref<802816xf32, #tpu.memory_space<vmem_shared>> -> memref<50176xf32, #tpu.memory_space<vmem_shared>>
      tpu.enqueue_dma source(%dma_start3A_154 : memref<50176xf32, #tpu.memory_space<vmem_shared>>) target(%dma_start3A_153 : memref<50176xf32, #tpu.memory_space<hbm>>) target_semaphore(%arg13 : memref<!tpu.dma_semaphore, #tpu.memory_space<semaphore_mem>>)
      %add3A_155 = arith.constant 1 : i32
      %add3A_156 = arith.addi %add3A_66, %add3A_155 : i32
      %lt3A_157 = arith.constant 12 : i32
      %lt3A_158 = arith.cmpi slt, %add3A_156, %lt3A_157 : i32
      %convert_element_type3A_159 = arith.extui %lt3A_158 : i1 to i32
      %cond3A_160 = arith.constant 0 : i32
      %cond3A_161 = arith.cmpi ne, %convert_element_type3A_159, %cond3A_160 : i32
      scf.if %cond3A_161 {
        %add3A_162 = arith.constant 1 : i32
        %add3A_163 = arith.addi %add3A_66, %add3A_162 : i32
        %mul3A_164 = arith.constant 12 : i32
        %mul3A_165 = arith.muli %arg0, %mul3A_164 : i32
        %add3A_166 = arith.addi %mul3A_165, %add3A_163 : i32
        %jit3A_167 = arith.constant 6 : i32
        %div3A_168 = arith.divsi %add3A_166, %jit3A_167 : i32
        %sign3A_169 = arith.constant 0 : i32
        %sign3A_170 = arith.cmpi sgt, %add3A_166, %sign3A_169 : i32
        %sign3A_171 = arith.extui %sign3A_170 : i1 to i32
        %sign3A_172 = arith.constant 0 : i32
        %sign3A_173 = arith.cmpi slt, %add3A_166, %sign3A_172 : i32
        %sign3A_174 = arith.extui %sign3A_173 : i1 to i32
        %sign3A_175 = arith.subi %sign3A_171, %sign3A_174 : i32
        %sign3A_176 = arith.constant 0 : i32
        %sign3A_177 = arith.cmpi sgt, %jit3A_167, %sign3A_176 : i32
        %sign3A_178 = arith.extui %sign3A_177 : i1 to i32
        %sign3A_179 = arith.constant 0 : i32
        %sign3A_180 = arith.cmpi slt, %jit3A_167, %sign3A_179 : i32
        %sign3A_181 = arith.extui %sign3A_180 : i1 to i32
        %sign3A_182 = arith.subi %sign3A_178, %sign3A_181 : i32
        %ne3A_183 = arith.cmpi ne, %sign3A_175, %sign3A_182 : i32
        %rem3A_184 = arith.remsi %add3A_166, %jit3A_167 : i32
        %ne3A_185 = arith.constant 0 : i32
        %ne3A_186 = arith.cmpi ne, %rem3A_184, %ne3A_185 : i32
        %and3A_187 = arith.andi %ne3A_183, %ne3A_186 : i1
        %sub3A_188 = arith.constant 1 : i32
        %sub3A_189 = arith.subi %div3A_168, %sub3A_188 : i32
        %select_n3A_190 = arith.select %and3A_187, %sub3A_189, %div3A_168 : i32
        %jit3A_191 = arith.constant 6 : i32
        %eq3A_192 = arith.constant 0 : i32
        %eq3A_193 = arith.cmpi eq, %jit3A_191, %eq3A_192 : i32
        %jit3A_194 = arith.constant 1 : i32
        %select_n3A_195 = arith.select %eq3A_193, %jit3A_194, %jit3A_191 : i32
        %rem3A_196 = arith.remsi %add3A_166, %select_n3A_195 : i32
        %ne3A_197 = arith.constant 0 : i32
        %ne3A_198 = arith.cmpi ne, %rem3A_196, %ne3A_197 : i32
        %lt3A_199 = arith.constant 0 : i32
        %lt3A_200 = arith.cmpi slt, %rem3A_196, %lt3A_199 : i32
        %lt3A_201 = arith.constant 0 : i32
        %lt3A_202 = arith.cmpi slt, %select_n3A_195, %lt3A_201 : i32
        %ne3A_203 = arith.xori %lt3A_200, %lt3A_202 : i1
        %and3A_204 = arith.andi %ne3A_203, %ne3A_198 : i1
        %add3A_205 = arith.addi %rem3A_196, %select_n3A_195 : i32
        %select_n3A_206 = arith.select %and3A_204, %add3A_205, %rem3A_196 : i32
        %mul3A_207 = arith.constant 16 : i32
        %mul3A_208 = arith.muli %select_n3A_206, %mul3A_207 : i32
        %mul3A_209 = arith.constant 784 : i32
        %mul3A_210 = arith.muli %arg1, %mul3A_209 : i32
        %dma_start3A_211 = tpu.memref_slice %arg3[%select_n3A_190, %mul3A_210, %mul3A_208] : memref<4x12544x96xi32, #tpu.memory_space<hbm>> -> memref<1x784x16xi32, #tpu.memory_space<hbm>>
        %dma_start3A_212 = tpu.memref_squeeze %dma_start3A_211 : memref<1x784x16xi32, #tpu.memory_space<hbm>> -> memref<784x16xi32, #tpu.memory_space<hbm>>
        %dma_start3A_213 = tpu.memref_slice %arg3[%select_n3A_190, %mul3A_210, %mul3A_208] : memref<4x12544x96xi32, #tpu.memory_space<hbm>> -> memref<1x784x16xi32, #tpu.memory_space<hbm>>
        %dma_start3A_214 = tpu.memref_squeeze %dma_start3A_213 : memref<1x784x16xi32, #tpu.memory_space<hbm>> -> memref<784x16xi32, #tpu.memory_space<hbm>>
        tpu.enqueue_dma source(%dma_start3A_214 : memref<784x16xi32, #tpu.memory_space<hbm>>) target(%arg7 : memref<784x16xi32, #tpu.memory_space<vmem>>) target_semaphore(%arg12 : memref<!tpu.dma_semaphore, #tpu.memory_space<semaphore_mem>>)
        %dma_start3A_215 = tpu.memref_slice %arg2[%select_n3A_190, %mul3A_210, %mul3A_208] : memref<4x12544x96xf32, #tpu.memory_space<hbm>> -> memref<1x784x16xf32, #tpu.memory_space<hbm>>
        %dma_start3A_216 = tpu.memref_squeeze %dma_start3A_215 : memref<1x784x16xf32, #tpu.memory_space<hbm>> -> memref<784x16xf32, #tpu.memory_space<hbm>>
        %dma_start3A_217 = tpu.memref_slice %arg2[%select_n3A_190, %mul3A_210, %mul3A_208] : memref<4x12544x96xf32, #tpu.memory_space<hbm>> -> memref<1x784x16xf32, #tpu.memory_space<hbm>>
        %dma_start3A_218 = tpu.memref_squeeze %dma_start3A_217 : memref<1x784x16xf32, #tpu.memory_space<hbm>> -> memref<784x16xf32, #tpu.memory_space<hbm>>
        tpu.enqueue_dma source(%dma_start3A_218 : memref<784x16xf32, #tpu.memory_space<hbm>>) target(%arg6 : memref<784x16xf32, #tpu.memory_space<vmem>>) target_semaphore(%arg12 : memref<!tpu.dma_semaphore, #tpu.memory_space<semaphore_mem>>)
      } else {
      }
    }
    %scan3A_51 = arith.constant 12 : i32
    %mul3A_52 = arith.constant 50176 : i32
    %mul3A_53 = arith.muli %arg1, %mul3A_52 : i32
    %mul3A_54 = arith.constant 12 : i32
    %mul3A_55 = arith.muli %arg0, %mul3A_54 : i32
    %add3A_56 = arith.constant 12 : i32
    %add3A_57 = arith.addi %mul3A_55, %add3A_56 : i32
    %sub3A_58 = arith.constant 1 : i32
    %sub3A_59 = arith.subi %add3A_57, %sub3A_58 : i32
    %dma_wait3A = tpu.memref_slice %arg4[%sub3A_59, %mul3A_53] : memref<24x802816xf32, #tpu.memory_space<hbm>> -> memref<1x50176xf32, #tpu.memory_space<hbm>>
    %dma_wait3A_60 = tpu.memref_squeeze %dma_wait3A : memref<1x50176xf32, #tpu.memory_space<hbm>> -> memref<50176xf32, #tpu.memory_space<hbm>>
    %dma_wait3A_61 = tpu.memref_slice %arg5[%mul3A_53] : memref<802816xf32, #tpu.memory_space<vmem_shared>> -> memref<50176xf32, #tpu.memory_space<vmem_shared>>
    tpu.wait_dma2 semaphore(%arg13 : memref<!tpu.dma_semaphore, #tpu.memory_space<semaphore_mem>>) src(%dma_wait3A_61 : memref<50176xf32, #tpu.memory_space<vmem_shared>>) dst(%dma_wait3A_60 : memref<50176xf32, #tpu.memory_space<hbm>>)
    return
  }
}

</mosaic_0001>

<sc_bundles>
// kernel: kernel.4.cloned.1.call-start
scs
__scs_entry_jumppad:
0x0: {  	(pc) =	sbr.rel $0x88, $3  }
0x1: {  	(tag) =	ssettag $0x0;
	lr =	simm.s32 $0x1  }
0x2: {  	[smem:$0x3F9F] =	sst lr;
	_ =	strace $0xD0000000  }
0x3: {  	_ = 	snop  }
0x4: {  	_ = 	snop  }
0x5: {  	_ = 	snop  }
0x6: {  	_ = 	snop  }
0x7: {  	_ = 	snop  }
__scs_overlays_trampoline_lowered:
0x8: {  	[smem:$0x3FAE] =	sst s0  }
0x9: {  	[smem:$0x3FAF] =	sst s1  }
0xa: {  	[smem:$0x3FB0] =	sst s2  }
0xb: {  	[smem:$0x3FB1] =	sst s3  }
0xc: {  	[smem:$0x3FB2] =	sst s4  }
0xd: {  	[smem:$0x3FB3] =	sst s5  }
0xe: {  	[smem:$0x3FB4] =	sst s6  }
0xf: {  	[smem:$0x3FB5] =	sst s7  }
0x10: {  	[smem:$0x3FB6] =	sst s8  }
0x11: {  	[smem:$0x3FB7] =	sst s9;
	s0 =	simm.s32 @!p0 $0x0  }
0x12: {  	s1 =	sld [smem:$0x3F9D];
	s0 =	simm.s32 @p0 $0x1  }
0x13: {  	[smem:$0x3FB8] =	sst s0;
	s0 =	simm.s32 @!p1 $0x0  }
0x14: {  	s2 =	sld [smem:$0x3F9C];
	s0 =	simm.s32 @p1 $0x1  }
0x15: {  	[smem:$0x3FB9] =	sst s0;
	s0 =	simm.s32 @!p2 $0x0  }
0x16: {  	s3 =	sld [smem:$0x3FDB];
	s0 =	simm.s32 @p2 $0x1  }
0x17: {  	s4 =	simm.s32 $0x1BF5;
	[smem:$0x3FBB] =	sst s0  }
0x18: {  	s0 =	sld [smem:$0x3F9E];
	_ =	swait.ge [sflag:s4], $0x0  }
0x19: {  	s7 =	sld [smem:$0x3F9F]  }
0x1a: {  	s8 =	sadd.s32 $0xFFFFE003, lr  }
0x1b: {  	s9 =	sadd.s32 $0xFFFFFEF7, lr;
	s5 =	simm.s32 $0xFFFFFFFF;
	p2 =	slt.u32 s8, $0xFFFFF086  }
0x1c: {  	p1 =	slt.u32 s9, $0xF7A;
	s5 =	simm.s32 @!p2 $0x0  }
0x1d: {  	s5 =	simm.s32 @p1 $0x1;
	p0 =	seq.s32 s7, s2  }
0x1e: {  	s7 =	smul.u32 @!p0 $0xF7A, s2;
	p2 =	seq.s32 @!p0 s5, $0x0  }
0x1f: {  	s9 =	smul.u32 $0xF7A, s1;
	s8 =	simm.s32 @!p0 $0x1BF5;
	p2 =	por !p2, p0  }
0x20: {  	[sflag:s8] =	ssyncset.s32 @!p0 $0xFFFFF086;
	s6 =	sadd.s32 @!p0 s3, s7;
	s7 =	simm.s32 @!p0 $0x108  }
0x21: {  	s3 =	sadd.s32 s3, s9;
	s6 =	sadd.s32 @!p0 $0x88, s6;
	s7 =	simm.s32 @p2 $0x1082  }
0x22: {  	[simem:s7], [sflag:s8] =	dma.local @!p0 [hbm:s6], $0xF7A  }
0x23: {  	s9 =	sor.u32 $0xD0000000, s2;
	s6 =	simm.s32 $0x108;
	_ =	swait.ge @!p0 [sflag:s8], $0x0  }
0x24: {  	s3 =	sadd.s32 $0x88, s3;
	s6 =	simm.s32 @!p1 $0x1082;
	[sflag:s4] =	ssyncset.s32 $0xFFFFF086  }
0x25: {  	[simem:s6], [sflag:s4] =	dma.local [hbm:s3], $0xF7A  }
0x26: {  	[smem:$0x3F9F] =	sst s1;
	(tag) =	ssettag s2;
	_ =	strace s9  }
0x27: {  	s1 =	sld [smem:$0x3FAF]  }
0x28: {  	s2 =	sld [smem:$0x3FB0]  }
0x29: {  	s4 =	sld [smem:$0x3FB2]  }
0x2a: {  	p0 =	seq.s32 s5, $0x0;
	s5 =	sld [smem:$0x3FB3]  }
0x2b: {  	s6 =	sld [smem:$0x3FB4]  }
0x2c: {  	s7 =	sld [smem:$0x3FB5]  }
0x2d: {  	s3 =	simm.s32 $0x108;
	s8 =	sld [smem:$0x3FB6]  }
0x2e: {  	s3 =	simm.s32 @!p0 $0x1082;
	s9 =	sld [smem:$0x3FB7]  }
0x2f: {  	lr =	sadd.s32 s0, s3;
	s0 =	sld [smem:$0x3FAE]  }
0x30: {  	s3 =	sld [smem:$0x3FB1]  }
0x31: {  	[smem:$0x3FBA] =	sst s10  }
0x32: {  	s10 =	sld [smem:$0x3FB8];
	_ =	sdelay $0x3  }
0x33: {  	p0 =	seq.s32 s10, $0x1;
	s10 =	sld [smem:$0x3FBA];
	_ =	sdelay $0x3  }
0x34: {  	[smem:$0x3FBA] =	sst s10  }
0x35: {  	s10 =	sld [smem:$0x3FB9];
	_ =	sdelay $0x3  }
0x36: {  	p1 =	seq.s32 s10, $0x1;
	s10 =	sld [smem:$0x3FBA];
	_ =	sdelay $0x3  }
0x37: {  	[smem:$0x3FBA] =	sst s10  }
0x38: {  	s10 =	sld [smem:$0x3FBB]  }
0x39: {  	_ = 	snop;
	(pc) =	sbr.ind lr, $3  }
0x3a: {  	_ = 	snop  }
0x3b: {  	_ = 	snop  }
0x3c: {  	p2 =	seq.s32 s10, $0x1;
	s10 =	sld [smem:$0x3FBA]  }
0x3d: {  	_ =	shalt  }
0x3e: {  	_ =	shalt  }
0x3f: {  	_ =	shalt  }
0x40: {  	_ =	shalt  }
0x41: {  	_ =	shalt  }
0x42: {  	_ =	shalt  }
0x43: {  	_ =	shalt  }
0x44: {  	_ =	shalt  }
0x45: {  	_ =	shalt  }
0x46: {  	_ =	shalt  }
0x47: {  	_ =	shalt  }
0x48: {  	_ =	shalt  }
0x49: {  	_ =	shalt  }
0x4a: {  	_ =	shalt  }
0x4b: {  	_ =	shalt  }
0x4c: {  	_ =	shalt  }
0x4d: {  	_ =	shalt  }
0x4e: {  	_ =	shalt  }
0x4f: {  	_ =	shalt  }
0x50: {  	_ =	shalt  }
0x51: {  	_ =	shalt  }
0x52: {  	_ =	shalt  }
0x53: {  	_ =	shalt  }
0x54: {  	_ =	shalt  }
0x55: {  	_ =	shalt  }
0x56: {  	_ =	shalt  }
0x57: {  	_ =	shalt  }
0x58: {  	_ =	shalt  }
0x59: {  	_ =	shalt  }
0x5a: {  	_ =	shalt  }
0x5b: {  	_ =	shalt  }
0x5c: {  	_ =	shalt  }
0x5d: {  	_ =	shalt  }
0x5e: {  	_ =	shalt  }
0x5f: {  	_ =	shalt  }
0x60: {  	_ =	shalt  }
0x61: {  	_ =	shalt  }
0x62: {  	_ =	shalt  }
0x63: {  	_ =	shalt  }
0x64: {  	_ =	shalt  }
0x65: {  	_ =	shalt  }
0x66: {  	_ =	shalt  }
0x67: {  	_ =	shalt  }
0x68: {  	_ =	shalt  }
0x69: {  	_ =	shalt  }
0x6a: {  	_ =	shalt  }
0x6b: {  	_ =	shalt  }
0x6c: {  	_ =	shalt  }
0x6d: {  	_ =	shalt  }
0x6e: {  	_ =	shalt  }
0x6f: {  	_ =	shalt  }
0x70: {  	_ =	shalt  }
0x71: {  	_ =	shalt  }
0x72: {  	_ =	shalt  }
0x73: {  	_ =	shalt  }
0x74: {  	_ =	shalt  }
0x75: {  	_ =	shalt  }
0x76: {  	_ =	shalt  }
0x77: {  	_ =	shalt  }
0x78: {  	_ =	shalt  }
0x79: {  	_ =	shalt  }
0x7a: {  	_ =	shalt  }
0x7b: {  	_ =	shalt  }
0x7c: {  	_ =	shalt  }
0x7d: {  	_ =	shalt  }
0x7e: {  	_ =	shalt  }
0x7f: {  	_ =	shalt  }
0x80: {  	_ =	shalt  }
0x81: {  	_ =	shalt  }
0x82: {  	_ =	shalt  }
0x83: {  	_ =	shalt  }
0x84: {  	_ =	shalt  }
0x85: {  	_ =	shalt  }
0x86: {  	_ =	shalt  }
0x87: {  	_ =	shalt  }
.Lfunc_end0:
.L_simem_size_0:
called_computation.1_lowered:
.L_overlay_start_0:
0x88: {  	s2 =	sld [smem:$0x3FD9]  }
0x89: {  	s3 =	sld [smem:$0x3FFE];
	_ =	sdelay $0x1  }
0x8a: {  	s1 =	srdreg.scid  }
0x8b: {  	s0 =	sand.u32 $0x1, s1  }
0x8c: {  	s17 =	sshll.u32 s0, $0xA;
	s2 =	sadd.s32 s3, s2  }
0x8d: {  	s2 =	sadd.s32 s2, s17  }
0x8e: {  	[smem:$0x3FC6] =	sst s2  }
0x8f: {  	_ = 	snop  }
0x90: {  	s2 =	sld [smem:$0x3FD0];
	(tm) =	ssettm $0x1  }
0x91: {  	s18 =	sld [smem:$0x3FFB];
	_ =	sdelay $0x3  }
0x92: {  	_ =	strace s18  }
0x93: {  	s3 =	sld [smem:$0x3FFC];
	_ =	sdelay $0x3  }
0x94: {  	_ =	strace s3  }
0x95: {  	s3 =	sld [smem:$0x3FFD];
	_ =	sdelay $0x3  }
0x96: {  	_ =	strace s3  }
0x97: {  	_ =	strace $0x8FFFFFFF  }
0x98: {  	s19 =	sld [smem:$0x3FDB];
	_ =	sdelay $0x1  }
0x99: {  	s4 =	simm.s32 $_scs_section_size  }
0x9a: {  	s5 =	simm.s32 $_size__tile_overlayer_lowered;
	s6 =	simm.s32 $_tile_overlayer_lowered  }
0x9b: {  	s22 =	simm.s32 $0x1BFF;
	s21 =	sshll.u32 s6, $0x1;
	s3 =	sadd.s32 s4, s19  }
0x9c: {  	s7 =	simm.s32 $0x0;
	s20 =	sshll.u32 s5, $0x1;
	s5 =	sadd.s32 s21, s3  }
0x9d: {  	[timem:s7], [sflag:s22] =	dma.local [hbm:s5], s20  }
0x9e: {  	_ =	swait.ge [sflag:s22], s20  }
0x9f: {  	s4 =	ssub.s32 $0x0, s20;
	[sflag:s22] =	ssyncset.done $0x0  }
0xa0: {  	[sflag:s22] =	ssyncadd.s32 s4;
	_ =	sdelay $0x1  }
0xa1: {  	s23 =	simm.s32 $0x1B8B  }
0xa2: {  	_ =	swait.ge [sflag:s23], $0x1  }
0xa3: {  	[sflag:s23] =	ssyncset.done $0x0  }
0xa4: {  	s25 =	simm.s32 $0x1B8E;
	s24 =	sld [smem:$0x3FFE];
	[sflag:s23] =	ssyncadd.s32 $0xFFFFFFFF  }
0xa5: {  	s26 =	simm.s32 $execute0_lowered;
	[smem:$0x3FD2] =	sst s25  }
0xa6: {  	s5 =	sshll.u32 s26, $0x1;
	_ =	strace $0x80000046;
	[dreg:$0x1] =	wrdreg $0xFFFFFFFF  }
0xa7: {  	s28 =	simm.s32 $_size_execute0_lowered;
	s3 =	sadd.s32 s3, s5;
	[dreg:$0x0] =	wrdreg $0x0  }
0xa8: {  	s5 =	sshll.u32 s28, $0x1;
	[dreg:$0x2] =	wrdreg s3  }
0xa9: {  	[dreg:$0x3] =	wrdreg s5  }
0xaa: {  	[dreg:$0x4] =	wrdreg $0xC0  }
0xab: {  	_ =	task [dreg:s7], $0x5FFFF  }
0xac: {  	[dreg:$0x1] =	wrdreg $0xFFFFFFFF  }
0xad: {  	[dreg:$0x0] =	wrdreg $0x60  }
0xae: {  	[dreg:$0x2] =	wrdreg s2  }
0xaf: {  	[dreg:$0x3] =	wrdreg s24  }
0xb0: {  	[dreg:$0x4] =	wrdreg $0x0  }
0xb1: {  	[dreg:$0x5] =	wrdreg $0x9  }
0xb2: {  	_ =	task.clear_ibuf [dreg:s7], $0x6FFFF;
	_ =	strace $0x90000046  }
0xb3: {  	s29 =	simm.s32 $0x9;
	_ =	strace $0x80000048  }
0xb4: {  	_ =	swait.ge [sflag:s29], $0x1  }
0xb5: {  	[sflag:s29] =	ssyncadd.s32 $0xFFFFFFFF  }
0xb6: {  	_ =	strace $0x90000048  }
0xb7: {  	_ =	sfence  }
0xb8: {  	s30 =	sld [smem:$0x0];
	_ =	sdelay $0x2  }
0xb9: {  	s31 =	sshll.u32 s1, $0xD;
	s1 =	sshrl.u32 s1, $0x2  }
0xba: {  	s3 =	sand.u32 $0x4000, s31;
	s1 =	sadd.s32 s1, s30  }
0xbb: {  	s0 =	sor.u32 s3, s0;
	s1 =	sshll.u32 s1, $0x11  }
0xbc: {  	s0 =	sor.u32 s1, s0  }
0xbd: {  	s0 =	sadd.s32 $0x8F2B, s0  }
0xbe: {  	[sflag:s0] =	ssyncadd.remote.s32 $0x1  }
0xbf: {  	_ =	sfence.sel $0xFFFF  }
0xc0: {  	[dreg:$0x0] =	wrdreg $0xFFFFFFFF;
	(pc) =	sbr.abs _section_cstart, $3  }
0xc1: {  	[dreg:$0x1] =	wrdreg $0xFFFFFFFF  }
0xc2: {  	_ =	task.clear_ibuf [dreg:s7], $0x2FFFF;
	_ =	strace $0x9FFFFFFF  }
0xc3: {  	(tm) =	ssettm $0x7FFFFFFF  }
tec
execute0_lowered:
.L_overlay_start_1:
0x0: {  	(tag) =	ssettag $0x1  }
0x1: {  	s1 =	rddreg [dreg:$0x0]  }
0x2: {  	s0 =	rddreg [dreg:$0x1]  }
0x3: {  	s3 =	rddreg [dreg:$0x2]  }
0x4: {  	s5 =	srdreg.scid;
	s2 =	stileid.u32;
	s4 =	simm.s32 $0x0  }
0x5: {  	s17 =	simm.s32 $0x10;
	s18 =	simm.s32 $0x60;
	s21 =	simm.s32 $0x18800  }
0x6: {  	s22 =	simm.s32 $0x4;
	s23 =	simm.s32 $0x2;
	s24 =	simm.s32 $0x80  }
0x7: {  	s25 =	simm.s32 $0x1;
	s9 =	sand.u32 $0x1, s5;
	s5 =	smul.u32 $0x12600, s2  }
0x8: {  	s26 =	simm.s32 $0x3;
	[smem:$0x7FF] =	sst s4;
	s7 =	smul.u32 $0x24C000, s9  }
0x9: {  	s6 =	sadd.s32 $0xC00, s0;
	s8 =	sadd.s32 $0x93C00, s0;
	s10 =	ssub.s32 $0x2, s9  }
0xa: {  	_ =	strace $0x80000047;
	s11 =	sshrl.u32 s10, $0x1;
	s12 =	sadd.s32 s5, s7  }
0xb: {  	s7 =	smul.u32 $0xC400, s2;
	s29 =	ssub.s32 s10, s11;
	s30 =	sshrl.u32 s12, $0x3  }
0xc: {  	s9 =	smul.u32 $0xC, s9;
	s13 =	smax.u32 s29, $0x1;
	s31 =	sadd.s32 s6, s30  }
0xd: {  	s11 =	sadd.s32 s7, s3;
	s12 =	sadd.s32 s1, s30;
	[dreg:$0x4] =	wrdreg s31  }
0xe: {  	v0 =	vimm.f32 $0.0e+00;
	v1 =	vlaneseq.u32;
	s14 =	sadd.s32 $0x3100, s11;
	s15 =	sadd.s32 $0x6200, s11;
	s16 =	sadd.s32 $0x9300, s11  }
.LBB2_1:
0xf: {  	s0 =	simm.s32 $0x40;
	s10 =	simm.s32 $0x0  }
.LBB2_2:
0x10: {  	p0 =	sne.s32 s0, $0xC3C0;
	[tilespmem:s10+$0x18800] =	vst v0;
	s10 =	smov.u32 s0;
	s0 =	sadd.s32 $0x40, s0  }
.Ltmp0:
0x11: {  	(pc) =	sbr.rel @p0 .LBB2_2-.Ltmp0, $2  }
0x12: {  	_ =	sdelay $0x2  }
0x13: {  	s10 =	sshra.s32 s10, $0x2  }
0x14: {  	[tilespmem:s10+$0x18800] =	vst v0;
	s0 =	rddreg [dreg:$0x4];
	s30 =	simm.s32 $0xF500  }
0x15: {  	[tilespmem:s30], [sflag:$0x2] =	stream.strided.gather [hbm4b:s0+s17], $0x3100, s18, s17, $0x38;
	[tilespmem:$0x1B900] =	vst v63  }
0x16: {  	s31 =	simm.s32 $0xC400;
	s28 =	simm.s32 $0x0  }
0x17: {  	[tilespmem:s31], [sflag:$0x2] =	stream.strided.gather [hbm4b:s12+s17], $0x3100, s18, s17, $0x38;
	[tilespmem:$0x1B900] =	vst v63  }
.LBB2_4:
0x18: {  	p0 =	seq.s32 s28, $0x0  }
0x19: {  	s0 =	simm.s32 @!p0 $0x3  }
0x1a: {  	_ =	swait.ge @!p0 [sflag:s0], $0x1880  }
0x1b: {  	[sflag:s0] =	ssyncset.done @!p0 $0x0  }
0x1c: {  	[sflag:s0] =	ssyncadd.s32 @!p0 $0xFFFFE780  }
0x1d: {  	[spmem:s11] =	stream.linear.scatter [tilespmem:s21], [sflag:$0x4], $0x3100, $0x38;
	[tilespmem:$0x1B900] =	vst v63  }
0x1e: {  	_ = 	snop  }
0x1f: {  	[spmem:s14] =	stream.linear.scatter [tilespmem:s21], [sflag:$0x4], $0x3100, $0x38;
	[tilespmem:$0x1B900] =	vst v63  }
0x20: {  	_ = 	snop  }
0x21: {  	[spmem:s15] =	stream.linear.scatter [tilespmem:s21], [sflag:$0x4], $0x3100, $0x38;
	[tilespmem:$0x1B900] =	vst v63  }
0x22: {  	_ = 	snop  }
0x23: {  	[spmem:s16] =	stream.linear.scatter [tilespmem:s21], [sflag:$0x4], $0x3100, $0x38;
	[tilespmem:$0x1B900] =	vst v63  }
0x24: {  	_ =	swait.ge [sflag:s22], $0x3100  }
0x25: {  	[sflag:s22] =	ssyncset.done $0x0  }
0x26: {  	[sflag:s22] =	ssyncadd.s32 $0xFFFFCF00  }
0x27: {  	_ =	swait.ge [sflag:s22], $0x3100  }
0x28: {  	[sflag:s22] =	ssyncset.done $0x0  }
0x29: {  	[sflag:s22] =	ssyncadd.s32 $0xFFFFCF00  }
0x2a: {  	_ =	swait.ge [sflag:s22], $0x3100  }
0x2b: {  	[sflag:s22] =	ssyncset.done $0x0  }
0x2c: {  	[sflag:s22] =	ssyncadd.s32 $0xFFFFCF00  }
0x2d: {  	_ =	swait.ge [sflag:s22], $0x3100  }
0x2e: {  	[sflag:s22] =	ssyncset.done $0x0  }
0x2f: {  	[sflag:s22] =	ssyncadd.s32 $0xFFFFCF00  }
0x30: {  	[bflag:$0x0] =	sbarrier.arrive $0xFFFF  }
0x31: {  	_ =	swait.ge [sflag:s23], $0x3100  }
0x32: {  	[sflag:s23] =	ssyncset.done $0x0  }
0x33: {  	[sflag:s23] =	ssyncadd.s32 $0xFFFFCF00  }
0x34: {  	_ =	swait.ge [sflag:s23], $0x3100  }
0x35: {  	[sflag:s23] =	ssyncset.done $0x0  }
0x36: {  	s20 =	simm.s32 $0xF520;
	[sflag:s23] =	ssyncadd.s32 $0xFFFFCF00  }
0x37: {  	v2 =	vld [tilespmem:s20+$0xFFFFFFE0];
	_ =	sdelay $0x4  }
0x38: {  	v2 =	vshrl.u32 v2, $0x5  }
0x39: {  	v2 =	vcvt.s32.f32 v2;
	_ =	sdelay $0x1  }
0x3a: {  	v2 =	vmul.f32 $3.333333430e-01, v2;
	_ =	sdelay $0x1  }
0x3b: {  	v2 =	vtrunc.f32 v2  }
0x3c: {  	v2 =	vcvt.f32.s32 v2;
	_ =	sdelay $0x1  }
0x3d: {  	v2 =	vshll.u32 v2, $0x4  }
0x3e: {  	s29 =	simm.s32 $0x12620;
	v2 =	vor.u32 v1, v2  }
0x3f: {  	s10 =	simm.s32 $0xC420;
	[tilespmem:s29+$0xFFFFFFE0] =	vst v2  }
0x40: {  	v2 =	vld [tilespmem:s10+$0xFFFFFFE0];
	_ =	sdelay $0x3  }
0x41: {  	s30 =	simm.s32 $0x15720  }
0x42: {  	[tilespmem:s30+$0xFFFFFFE0] =	vst v2  }
0x43: {  	v2 =	vld [tilespmem:s20+$0xFFFFFFF0];
	_ =	sdelay $0x4  }
0x44: {  	v2 =	vshrl.u32 v2, $0x5  }
0x45: {  	v2 =	vcvt.s32.f32 v2;
	_ =	sdelay $0x1  }
0x46: {  	v2 =	vmul.f32 $3.333333430e-01, v2;
	_ =	sdelay $0x1  }
0x47: {  	v2 =	vtrunc.f32 v2  }
0x48: {  	v2 =	vcvt.f32.s32 v2;
	_ =	sdelay $0x1  }
0x49: {  	v2 =	vshll.u32 v2, $0x4  }
0x4a: {  	v2 =	vor.u32 v1, v2  }
0x4b: {  	[tilespmem:s29+$0xFFFFFFF0] =	vst v2  }
0x4c: {  	v2 =	vld [tilespmem:s10+$0xFFFFFFF0];
	_ =	sdelay $0x4  }
0x4d: {  	[tilespmem:s30+$0xFFFFFFF0] =	vst v2  }
0x4e: {  	v2 =	vld [tilespmem:s20+$0x0];
	_ =	sdelay $0x4  }
0x4f: {  	v2 =	vshrl.u32 v2, $0x5  }
0x50: {  	v2 =	vcvt.s32.f32 v2;
	_ =	sdelay $0x1  }
0x51: {  	v2 =	vmul.f32 $3.333333430e-01, v2;
	_ =	sdelay $0x1  }
0x52: {  	v2 =	vtrunc.f32 v2  }
0x53: {  	v2 =	vcvt.f32.s32 v2;
	_ =	sdelay $0x1  }
0x54: {  	v2 =	vshll.u32 v2, $0x4  }
0x55: {  	v2 =	vor.u32 v1, v2  }
0x56: {  	[tilespmem:s29+$0x0] =	vst v2  }
0x57: {  	v2 =	vld [tilespmem:s10+$0x0];
	_ =	sdelay $0x4  }
0x58: {  	[tilespmem:s30+$0x0] =	vst v2  }
0x59: {  	v2 =	vld [tilespmem:s20+$0x10];
	_ =	sdelay $0x4  }
0x5a: {  	v2 =	vshrl.u32 v2, $0x5  }
0x5b: {  	v2 =	vcvt.s32.f32 v2;
	_ =	sdelay $0x1  }
0x5c: {  	v2 =	vmul.f32 $3.333333430e-01, v2;
	_ =	sdelay $0x1  }
0x5d: {  	v2 =	vtrunc.f32 v2  }
0x5e: {  	v2 =	vcvt.f32.s32 v2;
	_ =	sdelay $0x1  }
0x5f: {  	v2 =	vshll.u32 v2, $0x4  }
0x60: {  	v2 =	vor.u32 v1, v2  }
0x61: {  	[tilespmem:s29+$0x10] =	vst v2  }
0x62: {  	v2 =	vld [tilespmem:s10+$0x10];
	_ =	sdelay $0x2  }
0x63: {  	s31 =	sadd.s32 s9, s28  }
0x64: {  	s19 =	simm.s32 $0xC460;
	s0 =	simm.s32 $0x0;
	s20 =	simm.s32 $0xF560  }
.LBB2_5:
0x65: {  	s0 =	sadd.s32 $0x4, s0;
	[tilespmem:s30+$0x10] =	vst v2;
	s29 =	sadd.s32 $0x40, s29;
	s30 =	sadd.s32 $0x40, s30  }
0x66: {  	v2 =	vld [tilespmem:s20+$0xFFFFFFE0];
	p0 =	slt.u32 s0, $0x30C;
	_ =	sdelay $0x4  }
0x67: {  	v2 =	vshrl.u32 v2, $0x5  }
0x68: {  	v2 =	vcvt.s32.f32 v2;
	_ =	sdelay $0x1  }
0x69: {  	v2 =	vmul.f32 $3.333333430e-01, v2;
	_ =	sdelay $0x1  }
0x6a: {  	v2 =	vtrunc.f32 v2  }
0x6b: {  	v2 =	vcvt.f32.s32 v2;
	_ =	sdelay $0x1  }
0x6c: {  	v2 =	vshll.u32 v2, $0x4  }
0x6d: {  	v2 =	vor.u32 v1, v2  }
0x6e: {  	[tilespmem:s29+$0xFFFFFFE0] =	vst v2  }
0x6f: {  	v2 =	vld [tilespmem:s19+$0xFFFFFFE0];
	_ =	sdelay $0x4  }
0x70: {  	[tilespmem:s30+$0xFFFFFFE0] =	vst v2  }
0x71: {  	v2 =	vld [tilespmem:s20+$0xFFFFFFF0];
	_ =	sdelay $0x4  }
0x72: {  	v2 =	vshrl.u32 v2, $0x5  }
0x73: {  	v2 =	vcvt.s32.f32 v2;
	_ =	sdelay $0x1  }
0x74: {  	v2 =	vmul.f32 $3.333333430e-01, v2;
	_ =	sdelay $0x1  }
0x75: {  	v2 =	vtrunc.f32 v2  }
0x76: {  	v2 =	vcvt.f32.s32 v2;
	_ =	sdelay $0x1  }
0x77: {  	v2 =	vshll.u32 v2, $0x4  }
0x78: {  	v2 =	vor.u32 v1, v2  }
0x79: {  	[tilespmem:s29+$0xFFFFFFF0] =	vst v2  }
0x7a: {  	v2 =	vld [tilespmem:s19+$0xFFFFFFF0];
	_ =	sdelay $0x4  }
0x7b: {  	[tilespmem:s30+$0xFFFFFFF0] =	vst v2  }
0x7c: {  	v2 =	vld [tilespmem:s20+$0x0];
	_ =	sdelay $0x4  }
0x7d: {  	v2 =	vshrl.u32 v2, $0x5  }
0x7e: {  	v2 =	vcvt.s32.f32 v2;
	_ =	sdelay $0x1  }
0x7f: {  	v2 =	vmul.f32 $3.333333430e-01, v2;
	_ =	sdelay $0x1  }
0x80: {  	v2 =	vtrunc.f32 v2  }
0x81: {  	v2 =	vcvt.f32.s32 v2;
	_ =	sdelay $0x1  }
0x82: {  	v2 =	vshll.u32 v2, $0x4  }
0x83: {  	v2 =	vor.u32 v1, v2  }
0x84: {  	[tilespmem:s29+$0x0] =	vst v2  }
0x85: {  	v2 =	vld [tilespmem:s19+$0x0];
	_ =	sdelay $0x4  }
0x86: {  	[tilespmem:s30+$0x0] =	vst v2  }
0x87: {  	v2 =	vld [tilespmem:s20+$0x10];
	_ =	sdelay $0x4  }
0x88: {  	v2 =	vshrl.u32 v2, $0x5  }
0x89: {  	v2 =	vcvt.s32.f32 v2;
	_ =	sdelay $0x1  }
0x8a: {  	v2 =	vmul.f32 $3.333333430e-01, v2;
	_ =	sdelay $0x1  }
0x8b: {  	v2 =	vtrunc.f32 v2  }
0x8c: {  	v2 =	vcvt.f32.s32 v2;
	_ =	sdelay $0x1  }
0x8d: {  	v2 =	vshll.u32 v2, $0x4  }
0x8e: {  	v2 =	vor.u32 v1, v2  }
0x8f: {  	[tilespmem:s29+$0x10] =	vst v2  }
.Ltmp1:
0x90: {  	v2 =	vld [tilespmem:s19+$0x10];
	(pc) =	sbr.rel @p0 .LBB2_5-.Ltmp1, $2  }
0x91: {  	_ =	sdelay $0x2  }
0x92: {  	s10 =	simm.s32 $0x0;
	s20 =	sadd.s32 $0x40, s20;
	s19 =	sadd.s32 $0x40, s19  }
0x93: {  	[tilespmem:s30+$0x10] =	vst v2  }
.LBB2_7:
0x94: {  	p0 =	sne.s32 s10, $0xC200  }
.Ltmp2:
0x95: {  	_ = 	snop;
	(pc) =	sbr.rel @p0 .LBB2_7-.Ltmp2, $4  }
0x96: {  	_ = 	snop  }
0x97: {  	s0 =	sshra.s32 s10, $0x2  }
0x98: {  	s10 =	sadd.s32 $0x200, s10;
	s19 =	sadd.s32 $0x15700, s0;
	s0 =	sadd.s32 $0x12600, s0  }
0x99: {  	[spmem:s3] =	stream.indirect.scatter.add.f32 [tilespmem:s19], [sflag:$0x1], $0x1, s0, s24, $0xb8;
	[tilespmem:$0x1B900] =	vst v63  }
0x9a: {  	_ =	swait.ge [sflag:s25], $0x80  }
0x9b: {  	s0 =	simm.s32 $0x61;
	[sflag:s25] =	ssyncset.done $0x0  }
.LBB2_9:
0x9c: {  	p0 =	sne.s32 s0, $0x1;
	s0 =	sadd.s32 $0xFFFFFFFF, s0;
	[sflag:s25] =	ssyncadd.s32 $0xFFFFFF80  }
.Ltmp3:
0x9d: {  	(pc) =	sbr.rel @p0 .LBB2_9-.Ltmp3, $3  }
0x9e: {  	_ =	sdelay $0x1  }
0x9f: {  	_ =	swait.ge [sflag:s25], $0x80  }
0xa0: {  	[sflag:s25] =	ssyncset.done $0x0  }
0xa1: {  	s0 =	smul.u32 $0xC4000, s31  }
0xa2: {  	[sflag:s25] =	ssyncadd.s32 $0xFFFFFF80;
	p0 =	seq.s32 s28, $0xB;
	s10 =	sshll.u32 s2, $0x6  }
0xa3: {  	s20 =	sshrl.u32 s11, $0x3;
	s28 =	sadd.s32 @!p0 $0x1, s28;
	s0 =	sadd.s32 s7, s0  }
0xa4: {  	[bflag:$0x0] =	sbarrier.arrive $0xFFFF;
	s19 =	sadd.s32 @!p0 s9, s28;
	s0 =	sshrl.u32 s0, $0x3  }
0xa5: {  	s10 =	sor.u32 $0x1C03, s10;
	s29 =	smulhi.u32 @!p0 $0xAAAAAAAB, s19;
	s0 =	sadd.s32 s8, s0  }
0xa6: {  	[hbm:s0], [sflag:s10] =	dma.local [spmem:s20], $0x1880  }
0xa7: {  	s0 =	sshrl.u32 @!p0 s29, $0x2  }
0xa8: {  	s10 =	smul.u32 @!p0 $0x6, s0  }
0xa9: {  	s0 =	smul.u32 @!p0 $0x126000, s0  }
0xaa: {  	s10 =	ssub.s32 @!p0 s19, s10  }
0xab: {  	s0 =	sadd.s32 @!p0 s5, s0;
	s10 =	sshll.u32 @!p0 s10, $0x4  }
0xac: {  	s0 =	sor.u32 @!p0 s10, s0  }
0xad: {  	s20 =	simm.s32 @!p0 $0x60;
	s0 =	sshrl.u32 @!p0 s0, $0x3  }
0xae: {  	s29 =	simm.s32 @!p0 $0xF500;
	s19 =	simm.s32 @!p0 $0x10;
	s10 =	sadd.s32 @!p0 s6, s0  }
0xaf: {  	[tilespmem:s29], [sflag:$0x2] =	stream.strided.gather @!p0 [hbm4b:s10+s19], $0x3100, s20, s19, $0x38;
	[tilespmem:$0x1B900] =	vst v63  }
0xb0: {  	p1 =	sne.s32 @!p0 s28, $0xC;
	s0 =	sadd.s32 @!p0 s1, s0;
	s10 =	simm.s32 @!p0 $0xC400  }
0xb1: {  	[tilespmem:s10], [sflag:$0x2] =	stream.strided.gather @!p0 [hbm4b:s0+s19], $0x3100, s20, s19, $0x38;
	[tilespmem:$0x1B900] =	vst v63  }
0xb2: {  	p0 =	por p0, !p1  }
.Ltmp4:
0xb3: {  	_ = 	snop;
	(pc) =	sbr.rel @!p0 .LBB2_4-.Ltmp4, $1  }
0xb4: {  	_ =	sdelay $0x3  }
0xb5: {  	s4 =	sadd.s32 $0x1, s4  }
0xb6: {  	p0 =	sne.s32 s4, s13  }
.Ltmp5:
0xb7: {  	_ = 	snop;
	(pc) =	sbr.rel @p0 .LBB2_1-.Ltmp5, $4  }
0xb8: {  	_ = 	snop  }
0xb9: {  	_ =	swait.ge [sflag:s26], $0x1880  }
0xba: {  	[sflag:s26] =	ssyncset.done $0x0  }
0xbb: {  	[sflag:s26] =	ssyncadd.s32 $0xFFFFE780  }
0xbc: {  	_ =	sfence.sel $0x180000  }
0xbd: {  	[bflag:$0x0] =	sbarrier.arrive $0xFFFF  }
0xbe: {  	_ =	strace $0x90000047  }
0xbf: {  	[bflag:$0x2] =	sbarrier.arrive $0xFFFF  }
0xc0: {  	p0 =	sne.s32 s2, $0x0;
	s0 =	rddreg [dreg:$0x3]  }
0xc1: {  	s0 =	sadd.s32 @!p0 $0x100000, s0  }
0xc2: {  	[sflag:s0] =	ssyncadd.tile.s32 @!p0 $0x1;
	_ =	shalt  }
.Lfunc_end2:
_tile_overlayer_lowered:
.L_overlay_start_2:
0xc3: {  	(tag) =	ssettag $0x2  }
0xc4: {  	s0 =	rddreg [dreg:$0x0];
	s2 =	stileid.u32  }
0xc5: {  	s1 =	rddreg [dreg:$0x1];
	p0 =	sne.s32 s2, $0x0  }
0xc6: {  	s3 =	rddreg [dreg:$0x2];
	[bflag:$0x3] =	sbarrier.arrive $0xFFFF;
	s2 =	simm.s32 @!p0 $0x1C05  }
0xc7: {  	[timem:s3], [sflag:s2] =	dma.local @!p0 [hbm:s0], s1  }
0xc8: {  	s0 =	simm.s32 @!p0 $0x5  }
0xc9: {  	_ =	swait.ge @!p0 [sflag:s0], s1  }
0xca: {  	s1 =	ssub.s32 @!p0 $0x0, s1;
	[sflag:s0] =	ssyncset.done @!p0 $0x0  }
0xcb: {  	[sflag:s0] =	ssyncadd.s32 @!p0 s1  }
0xcc: {  	[bflag:$0x3] =	sbarrier.arrive $0xFFFF  }
0xcd: {  	_ =	shalt  }

// kernel: kernel.7.cloned.1.call-start
scs
__scs_entry_jumppad:
0x0: {  	(pc) =	sbr.rel $0x88, $3  }
0x1: {  	(tag) =	ssettag $0x0;
	lr =	simm.s32 $0x1  }
0x2: {  	[smem:$0x3F9F] =	sst lr;
	_ =	strace $0xD0000000  }
0x3: {  	_ = 	snop  }
0x4: {  	_ = 	snop  }
0x5: {  	_ = 	snop  }
0x6: {  	_ = 	snop  }
0x7: {  	_ = 	snop  }
__scs_overlays_trampoline_lowered:
0x8: {  	[smem:$0x3FAE] =	sst s0  }
0x9: {  	[smem:$0x3FAF] =	sst s1  }
0xa: {  	[smem:$0x3FB0] =	sst s2  }
0xb: {  	[smem:$0x3FB1] =	sst s3  }
0xc: {  	[smem:$0x3FB2] =	sst s4  }
0xd: {  	[smem:$0x3FB3] =	sst s5  }
0xe: {  	[smem:$0x3FB4] =	sst s6  }
0xf: {  	[smem:$0x3FB5] =	sst s7  }
0x10: {  	[smem:$0x3FB6] =	sst s8  }
0x11: {  	[smem:$0x3FB7] =	sst s9;
	s0 =	simm.s32 @!p0 $0x0  }
0x12: {  	s1 =	sld [smem:$0x3F9D];
	s0 =	simm.s32 @p0 $0x1  }
0x13: {  	[smem:$0x3FB8] =	sst s0;
	s0 =	simm.s32 @!p1 $0x0  }
0x14: {  	s2 =	sld [smem:$0x3F9C];
	s0 =	simm.s32 @p1 $0x1  }
0x15: {  	[smem:$0x3FB9] =	sst s0;
	s0 =	simm.s32 @!p2 $0x0  }
0x16: {  	s3 =	sld [smem:$0x3FDB];
	s0 =	simm.s32 @p2 $0x1  }
0x17: {  	s4 =	simm.s32 $0x1BF5;
	[smem:$0x3FBB] =	sst s0  }
0x18: {  	s0 =	sld [smem:$0x3F9E];
	_ =	swait.ge [sflag:s4], $0x0  }
0x19: {  	s7 =	sld [smem:$0x3F9F]  }
0x1a: {  	s8 =	sadd.s32 $0xFFFFE003, lr  }
0x1b: {  	s9 =	sadd.s32 $0xFFFFFEF7, lr;
	s5 =	simm.s32 $0xFFFFFFFF;
	p2 =	slt.u32 s8, $0xFFFFF086  }
0x1c: {  	p1 =	slt.u32 s9, $0xF7A;
	s5 =	simm.s32 @!p2 $0x0  }
0x1d: {  	s5 =	simm.s32 @p1 $0x1;
	p0 =	seq.s32 s7, s2  }
0x1e: {  	s7 =	smul.u32 @!p0 $0xF7A, s2;
	p2 =	seq.s32 @!p0 s5, $0x0  }
0x1f: {  	s9 =	smul.u32 $0xF7A, s1;
	s8 =	simm.s32 @!p0 $0x1BF5;
	p2 =	por !p2, p0  }
0x20: {  	[sflag:s8] =	ssyncset.s32 @!p0 $0xFFFFF086;
	s6 =	sadd.s32 @!p0 s3, s7;
	s7 =	simm.s32 @!p0 $0x108  }
0x21: {  	s3 =	sadd.s32 s3, s9;
	s6 =	sadd.s32 @!p0 $0x88, s6;
	s7 =	simm.s32 @p2 $0x1082  }
0x22: {  	[simem:s7], [sflag:s8] =	dma.local @!p0 [hbm:s6], $0xF7A  }
0x23: {  	s9 =	sor.u32 $0xD0000000, s2;
	s6 =	simm.s32 $0x108;
	_ =	swait.ge @!p0 [sflag:s8], $0x0  }
0x24: {  	s3 =	sadd.s32 $0x88, s3;
	s6 =	simm.s32 @!p1 $0x1082;
	[sflag:s4] =	ssyncset.s32 $0xFFFFF086  }
0x25: {  	[simem:s6], [sflag:s4] =	dma.local [hbm:s3], $0xF7A  }
0x26: {  	[smem:$0x3F9F] =	sst s1;
	(tag) =	ssettag s2;
	_ =	strace s9  }
0x27: {  	s1 =	sld [smem:$0x3FAF]  }
0x28: {  	s2 =	sld [smem:$0x3FB0]  }
0x29: {  	s4 =	sld [smem:$0x3FB2]  }
0x2a: {  	p0 =	seq.s32 s5, $0x0;
	s5 =	sld [smem:$0x3FB3]  }
0x2b: {  	s6 =	sld [smem:$0x3FB4]  }
0x2c: {  	s7 =	sld [smem:$0x3FB5]  }
0x2d: {  	s3 =	simm.s32 $0x108;
	s8 =	sld [smem:$0x3FB6]  }
0x2e: {  	s3 =	simm.s32 @!p0 $0x1082;
	s9 =	sld [smem:$0x3FB7]  }
0x2f: {  	lr =	sadd.s32 s0, s3;
	s0 =	sld [smem:$0x3FAE]  }
0x30: {  	s3 =	sld [smem:$0x3FB1]  }
0x31: {  	[smem:$0x3FBA] =	sst s10  }
0x32: {  	s10 =	sld [smem:$0x3FB8];
	_ =	sdelay $0x3  }
0x33: {  	p0 =	seq.s32 s10, $0x1;
	s10 =	sld [smem:$0x3FBA];
	_ =	sdelay $0x3  }
0x34: {  	[smem:$0x3FBA] =	sst s10  }
0x35: {  	s10 =	sld [smem:$0x3FB9];
	_ =	sdelay $0x3  }
0x36: {  	p1 =	seq.s32 s10, $0x1;
	s10 =	sld [smem:$0x3FBA];
	_ =	sdelay $0x3  }
0x37: {  	[smem:$0x3FBA] =	sst s10  }
0x38: {  	s10 =	sld [smem:$0x3FBB]  }
0x39: {  	_ = 	snop;
	(pc) =	sbr.ind lr, $3  }
0x3a: {  	_ = 	snop  }
0x3b: {  	_ = 	snop  }
0x3c: {  	p2 =	seq.s32 s10, $0x1;
	s10 =	sld [smem:$0x3FBA]  }
0x3d: {  	_ =	shalt  }
0x3e: {  	_ =	shalt  }
0x3f: {  	_ =	shalt  }
0x40: {  	_ =	shalt  }
0x41: {  	_ =	shalt  }
0x42: {  	_ =	shalt  }
0x43: {  	_ =	shalt  }
0x44: {  	_ =	shalt  }
0x45: {  	_ =	shalt  }
0x46: {  	_ =	shalt  }
0x47: {  	_ =	shalt  }
0x48: {  	_ =	shalt  }
0x49: {  	_ =	shalt  }
0x4a: {  	_ =	shalt  }
0x4b: {  	_ =	shalt  }
0x4c: {  	_ =	shalt  }
0x4d: {  	_ =	shalt  }
0x4e: {  	_ =	shalt  }
0x4f: {  	_ =	shalt  }
0x50: {  	_ =	shalt  }
0x51: {  	_ =	shalt  }
0x52: {  	_ =	shalt  }
0x53: {  	_ =	shalt  }
0x54: {  	_ =	shalt  }
0x55: {  	_ =	shalt  }
0x56: {  	_ =	shalt  }
0x57: {  	_ =	shalt  }
0x58: {  	_ =	shalt  }
0x59: {  	_ =	shalt  }
0x5a: {  	_ =	shalt  }
0x5b: {  	_ =	shalt  }
0x5c: {  	_ =	shalt  }
0x5d: {  	_ =	shalt  }
0x5e: {  	_ =	shalt  }
0x5f: {  	_ =	shalt  }
0x60: {  	_ =	shalt  }
0x61: {  	_ =	shalt  }
0x62: {  	_ =	shalt  }
0x63: {  	_ =	shalt  }
0x64: {  	_ =	shalt  }
0x65: {  	_ =	shalt  }
0x66: {  	_ =	shalt  }
0x67: {  	_ =	shalt  }
0x68: {  	_ =	shalt  }
0x69: {  	_ =	shalt  }
0x6a: {  	_ =	shalt  }
0x6b: {  	_ =	shalt  }
0x6c: {  	_ =	shalt  }
0x6d: {  	_ =	shalt  }
0x6e: {  	_ =	shalt  }
0x6f: {  	_ =	shalt  }
0x70: {  	_ =	shalt  }
0x71: {  	_ =	shalt  }
0x72: {  	_ =	shalt  }
0x73: {  	_ =	shalt  }
0x74: {  	_ =	shalt  }
0x75: {  	_ =	shalt  }
0x76: {  	_ =	shalt  }
0x77: {  	_ =	shalt  }
0x78: {  	_ =	shalt  }
0x79: {  	_ =	shalt  }
0x7a: {  	_ =	shalt  }
0x7b: {  	_ =	shalt  }
0x7c: {  	_ =	shalt  }
0x7d: {  	_ =	shalt  }
0x7e: {  	_ =	shalt  }
0x7f: {  	_ =	shalt  }
0x80: {  	_ =	shalt  }
0x81: {  	_ =	shalt  }
0x82: {  	_ =	shalt  }
0x83: {  	_ =	shalt  }
0x84: {  	_ =	shalt  }
0x85: {  	_ =	shalt  }
0x86: {  	_ =	shalt  }
0x87: {  	_ =	shalt  }
.Lfunc_end0:
.L_simem_size_0:
called_computation.2_lowered:
.L_overlay_start_0:
0x88: {  	s2 =	sld [smem:$0x3FD9]  }
0x89: {  	s3 =	sld [smem:$0x3FFE];
	_ =	sdelay $0x1  }
0x8a: {  	s1 =	srdreg.scid  }
0x8b: {  	s0 =	sand.u32 $0x1, s1  }
0x8c: {  	s17 =	sshll.u32 s0, $0xA;
	s2 =	sadd.s32 s3, s2  }
0x8d: {  	s2 =	sadd.s32 s2, s17  }
0x8e: {  	[smem:$0x3FC6] =	sst s2  }
0x8f: {  	_ = 	snop  }
0x90: {  	s2 =	sld [smem:$0x3FD0];
	(tm) =	ssettm $0x1  }
0x91: {  	s18 =	sld [smem:$0x3FFB];
	_ =	sdelay $0x3  }
0x92: {  	_ =	strace s18  }
0x93: {  	s3 =	sld [smem:$0x3FFC];
	_ =	sdelay $0x3  }
0x94: {  	_ =	strace s3  }
0x95: {  	s3 =	sld [smem:$0x3FFD];
	_ =	sdelay $0x3  }
0x96: {  	_ =	strace s3  }
0x97: {  	_ =	strace $0x8FFFFFFF  }
0x98: {  	s19 =	sld [smem:$0x3FDB];
	_ =	sdelay $0x1  }
0x99: {  	s4 =	simm.s32 $_scs_section_size  }
0x9a: {  	s5 =	simm.s32 $_size__tile_overlayer_lowered;
	s6 =	simm.s32 $_tile_overlayer_lowered  }
0x9b: {  	s22 =	simm.s32 $0x1BFF;
	s21 =	sshll.u32 s6, $0x1;
	s3 =	sadd.s32 s4, s19  }
0x9c: {  	s7 =	simm.s32 $0x0;
	s20 =	sshll.u32 s5, $0x1;
	s5 =	sadd.s32 s21, s3  }
0x9d: {  	[timem:s7], [sflag:s22] =	dma.local [hbm:s5], s20  }
0x9e: {  	_ =	swait.ge [sflag:s22], s20  }
0x9f: {  	s4 =	ssub.s32 $0x0, s20;
	[sflag:s22] =	ssyncset.done $0x0  }
0xa0: {  	[sflag:s22] =	ssyncadd.s32 s4;
	_ =	sdelay $0x1  }
0xa1: {  	s23 =	simm.s32 $0x1B8B  }
0xa2: {  	_ =	swait.ge [sflag:s23], $0x1  }
0xa3: {  	[sflag:s23] =	ssyncset.done $0x0  }
0xa4: {  	s25 =	simm.s32 $0x1B8E;
	s24 =	sld [smem:$0x3FFE];
	[sflag:s23] =	ssyncadd.s32 $0xFFFFFFFF  }
0xa5: {  	s26 =	simm.s32 $execute0_lowered;
	[smem:$0x3FD2] =	sst s25  }
0xa6: {  	s5 =	sshll.u32 s26, $0x1;
	_ =	strace $0x80000049;
	[dreg:$0x1] =	wrdreg $0xFFFFFFFF  }
0xa7: {  	s28 =	simm.s32 $_size_execute0_lowered;
	s3 =	sadd.s32 s3, s5;
	[dreg:$0x0] =	wrdreg $0x0  }
0xa8: {  	s5 =	sshll.u32 s28, $0x1;
	[dreg:$0x2] =	wrdreg s3  }
0xa9: {  	[dreg:$0x3] =	wrdreg s5  }
0xaa: {  	[dreg:$0x4] =	wrdreg $0xC0  }
0xab: {  	_ =	task [dreg:s7], $0x5FFFF  }
0xac: {  	[dreg:$0x1] =	wrdreg $0xFFFFFFFF  }
0xad: {  	[dreg:$0x0] =	wrdreg $0x60  }
0xae: {  	[dreg:$0x2] =	wrdreg s24  }
0xaf: {  	[dreg:$0x3] =	wrdreg s2  }
0xb0: {  	[dreg:$0x4] =	wrdreg $0x9  }
0xb1: {  	_ =	task.clear_ibuf [dreg:s7], $0x5FFFF;
	_ =	strace $0x90000049  }
0xb2: {  	s29 =	simm.s32 $0x9;
	_ =	strace $0x8000004B  }
0xb3: {  	_ =	swait.ge [sflag:s29], $0x1  }
0xb4: {  	[sflag:s29] =	ssyncadd.s32 $0xFFFFFFFF  }
0xb5: {  	_ =	strace $0x9000004B  }
0xb6: {  	_ =	sfence  }
0xb7: {  	s30 =	sld [smem:$0x0];
	_ =	sdelay $0x2  }
0xb8: {  	s31 =	sshll.u32 s1, $0xD;
	s1 =	sshrl.u32 s1, $0x2  }
0xb9: {  	s3 =	sand.u32 $0x4000, s31;
	s1 =	sadd.s32 s1, s30  }
0xba: {  	s0 =	sor.u32 s3, s0;
	s1 =	sshll.u32 s1, $0x11  }
0xbb: {  	s0 =	sor.u32 s1, s0  }
0xbc: {  	s0 =	sadd.s32 $0x8F2B, s0  }
0xbd: {  	[sflag:s0] =	ssyncadd.remote.s32 $0x1  }
0xbe: {  	_ =	sfence.sel $0xFFFF  }
0xbf: {  	[dreg:$0x0] =	wrdreg $0xFFFFFFFF;
	(pc) =	sbr.abs _section_cstart, $3  }
0xc0: {  	[dreg:$0x1] =	wrdreg $0xFFFFFFFF  }
0xc1: {  	_ =	task.clear_ibuf [dreg:s7], $0x2FFFF;
	_ =	strace $0x9FFFFFFF  }
0xc2: {  	(tm) =	ssettm $0x7FFFFFFF  }
0xc3: {  	_ =	shalt  }
tec
execute0_lowered:
.L_overlay_start_1:
0x0: {  	(tag) =	ssettag $0x1  }
0x1: {  	s0 =	srdreg.scid  }
0x2: {  	s9 =	stileid.u32;
	s3 =	rddreg [dreg:$0x0]  }
0x3: {  	s8 =	rddreg [dreg:$0x1];
	s14 =	smul.u32 $0xC400, s9  }
0x4: {  	s2 =	simm.s32 $0x0;
	s1 =	sand.u32 $0x1, s0;
	s13 =	smul.u32 $0x49800, s9  }
0x5: {  	[smem:$0x7FF] =	sst s2;
	s26 =	smul.u32 $0xC, s1  }
0x6: {  	s22 =	sadd.s32 $0x93C00, s3;
	s4 =	smul.u32 $0x930000, s1;
	[dreg:$0x4] =	wrdreg s1  }
0x7: {  	s12 =	smov.u32 s8;
	_ =	strace $0x8000004A;
	s5 =	sor.u32 $0x1, s26  }
0x8: {  	s20 =	sadd.s32 s14, s4;
	s4 =	sadd.s32 s13, s4;
	s7 =	sor.u32 $0x2, s26  }
0x9: {  	s19 =	sor.u32 $0x3, s26;
	s6 =	smul.u32 $0x2B, s5;
	s10 =	sshrl.u32 s20, $0x3  }
0xa: {  	s11 =	sshrl.u32 s4, $0x3;
	s15 =	smul.u32 $0x2B, s7;
	s3 =	sadd.s32 s22, s10  }
0xb: {  	s16 =	smul.u32 $0xC4000, s7;
	s6 =	sshrl.u32 s6, $0x8;
	[dreg:$0x3] =	wrdreg s3  }
0xc: {  	s3 =	sadd.s32 s8, s11;
	s8 =	sshrl.u32 s15, $0x8;
	s15 =	smul.u32 $0x2B, s19  }
0xd: {  	s0 =	smov.u32 s13;
	s6 =	smul.u32 $0x6, s6  }
0xe: {  	s21 =	smov.u32 s12;
	s29 =	smov.u32 s0;
	s10 =	smul.u32 $0x6, s8  }
0xf: {  	s31 =	sadd.s32 $0x4, s26;
	s11 =	rddreg [dreg:$0x3];
	s8 =	smul.u32 $0x498000, s8  }
0x10: {  	[tilespmem:s2], [sflag:$0x1] =	stream.linear.gather [hbm4b:s11+s2], $0xC400, $0x38;
	[tilespmem:$0x18800] =	vst v63  }
0x11: {  	s15 =	sshrl.u32 s15, $0x8;
	s11 =	simm.s32 $0x2;
	s6 =	ssub.s32 s5, s6  }
0x12: {  	s5 =	smul.u32 $0xC4000, s5;
	s7 =	ssub.s32 s7, s10;
	s17 =	sadd.s32 s13, s8  }
0x13: {  	s8 =	simm.s32 $0x60;
	s6 =	sshll.u32 s6, $0x4;
	s7 =	sshll.u32 s7, $0x4  }
0x14: {  	s6 =	sand.u32 $0xF0, s6;
	s5 =	sadd.s32 s14, s5;
	s18 =	sand.u32 $0xE0, s7  }
0x15: {  	s4 =	sor.u32 s6, s4;
	s6 =	sadd.s32 s14, s16;
	s16 =	smul.u32 $0xC4000, s19  }
0x16: {  	s7 =	simm.s32 $0x10;
	s23 =	sor.u32 s18, s17;
	s17 =	smul.u32 $0x6, s15  }
0x17: {  	s5 =	sshrl.u32 s5, $0x3;
	s15 =	smul.u32 $0x498000, s15;
	s9 =	sshrl.u32 s4, $0x3  }
0x18: {  	s4 =	sadd.s32 s22, s5;
	s24 =	sshrl.u32 s23, $0x3;
	s23 =	smul.u32 $0xC4000, s31  }
0x19: {  	s5 =	sadd.s32 s12, s9;
	s12 =	sshrl.u32 s6, $0x3;
	s6 =	simm.s32 $0x1  }
0x1a: {  	s9 =	simm.s32 $0xC400;
	s16 =	sadd.s32 s14, s16;
	s13 =	ssub.s32 s19, s17  }
0x1b: {  	s15 =	sadd.s32 s0, s15;
	_ =	swait.ge [sflag:s6], $0xC400;
	s13 =	sshll.u32 s13, $0x4  }
0x1c: {  	s10 =	sadd.s32 s22, s12;
	[sflag:s6] =	ssyncset.done $0x0;
	s25 =	sand.u32 $0xF0, s13  }
0x1d: {  	[sflag:s6] =	ssyncadd.s32 $0xFFFF3C00;
	s15 =	sor.u32 s25, s15;
	s25 =	smul.u32 $0x204, s1  }
0x1e: {  	[hbm4b:s3+s7] =	stream.strided.scatter [tilespmem:s2], [sflag:$0x2], $0xC400, s8, s7, $0x38;
	[tilespmem:$0x18800] =	vst v63  }
0x1f: {  	s12 =	sadd.s32 s21, s24;
	s16 =	sshrl.u32 s16, $0x3;
	s18 =	sadd.s32 $0xAC, s25  }
0x20: {  	[tilespmem:s9], [sflag:$0x1] =	stream.linear.gather [hbm4b:s4+s2], $0xC400, $0x38;
	[tilespmem:$0x18800] =	vst v63  }
0x21: {  	s17 =	sadd.s32 s14, s23;
	s23 =	sadd.s32 $0x3D4000, s20;
	s18 =	sshrl.u32 s18, $0x8  }
0x22: {  	s13 =	sadd.s32 s22, s16;
	_ =	swait.ge [sflag:s6], $0xC400;
	s19 =	smul.u32 $0x6, s18  }
0x23: {  	s15 =	sshrl.u32 s15, $0x3;
	s24 =	smul.u32 $0x498000, s18;
	[sflag:s6] =	ssyncset.done $0x0  }
0x24: {  	s17 =	sshrl.u32 s17, $0x3;
	s14 =	sadd.s32 s21, s15;
	[sflag:s6] =	ssyncadd.s32 $0xFFFF3C00  }
0x25: {  	s16 =	ssub.s32 s31, s19;
	s31 =	sadd.s32 $0xD7, s25;
	s15 =	sadd.s32 s0, s24  }
0x26: {  	[hbm4b:s5+s7] =	stream.strided.scatter [tilespmem:s9], [sflag:$0x2], $0xC400, s8, s7, $0x38;
	[tilespmem:$0x18800] =	vst v63  }
0x27: {  	s24 =	sadd.s32 $0x102, s25;
	s18 =	sshrl.u32 s31, $0x8;
	_ =	swait.ge [sflag:s11], $0xC400  }
0x28: {  	s16 =	sshll.u32 s16, $0x4;
	s1 =	smul.u32 $0x6, s18;
	[sflag:s11] =	ssyncset.done $0x0  }
0x29: {  	s16 =	sand.u32 $0xE0, s16;
	s18 =	smul.u32 $0x498000, s18;
	[sflag:s11] =	ssyncadd.s32 $0xFFFF3C00  }
0x2a: {  	[tilespmem:s2], [sflag:$0x1] =	stream.linear.gather [hbm4b:s10+s2], $0xC400, $0x38;
	[tilespmem:$0x18800] =	vst v63  }
0x2b: {  	s16 =	sor.u32 s16, s15;
	s15 =	sadd.s32 s22, s17;
	_ =	swait.ge [sflag:s6], $0xC400  }
0x2c: {  	s19 =	ssub.s32 s26, s1;
	s16 =	sshrl.u32 s16, $0x3;
	[sflag:s6] =	ssyncset.done $0x0  }
0x2d: {  	s18 =	sadd.s32 s0, s18;
	s1 =	smov.u32 s21;
	[sflag:s6] =	ssyncadd.s32 $0xFFFF3C00  }
0x2e: {  	[hbm4b:s12+s7] =	stream.strided.scatter [tilespmem:s2], [sflag:$0x2], $0xC400, s8, s7, $0x38;
	[tilespmem:$0x18800] =	vst v63  }
0x2f: {  	s0 =	smov.u32 s20;
	s17 =	sshll.u32 s19, $0x4;
	_ =	swait.ge [sflag:s11], $0xC400  }
0x30: {  	s16 =	sadd.s32 s21, s16;
	s19 =	sshrl.u32 s24, $0x8;
	[sflag:s11] =	ssyncset.done $0x0  }
0x31: {  	s28 =	smov.u32 s0;
	s17 =	sadd.s32 $0x50, s17;
	[sflag:s11] =	ssyncadd.s32 $0xFFFF3C00  }
0x32: {  	[tilespmem:s9], [sflag:$0x1] =	stream.linear.gather [hbm4b:s13+s2], $0xC400, $0x38;
	[tilespmem:$0x18800] =	vst v63  }
0x33: {  	s31 =	smul.u32 $0x6, s19;
	s17 =	sand.u32 $0xF0, s17;
	_ =	swait.ge [sflag:s6], $0xC400  }
0x34: {  	s19 =	smul.u32 $0x498000, s19;
	s18 =	sor.u32 s17, s18;
	[sflag:s6] =	ssyncset.done $0x0  }
0x35: {  	s17 =	sshrl.u32 s23, $0x3;
	s20 =	ssub.s32 s26, s31;
	[sflag:s6] =	ssyncadd.s32 $0xFFFF3C00  }
0x36: {  	[hbm4b:s14+s7] =	stream.strided.scatter [tilespmem:s9], [sflag:$0x2], $0xC400, s8, s7, $0x38;
	[tilespmem:$0x18800] =	vst v63  }
0x37: {  	s19 =	sadd.s32 s29, s19;
	s23 =	sadd.s32 $0x498000, s0;
	_ =	swait.ge [sflag:s11], $0xC400  }
0x38: {  	s31 =	sadd.s32 $0x12D, s25;
	s0 =	smov.u32 s22;
	[sflag:s11] =	ssyncset.done $0x0  }
0x39: {  	s17 =	sadd.s32 s22, s17;
	s18 =	sshrl.u32 s18, $0x3;
	[sflag:s11] =	ssyncadd.s32 $0xFFFF3C00  }
0x3a: {  	[tilespmem:s2], [sflag:$0x1] =	stream.linear.gather [hbm4b:s15+s2], $0xC400, $0x38;
	[tilespmem:$0x18800] =	vst v63  }
0x3b: {  	s20 =	sshll.u32 s20, $0x4;
	s24 =	sshrl.u32 s23, $0x3;
	_ =	swait.ge [sflag:s6], $0xC400  }
0x3c: {  	s18 =	sadd.s32 s21, s18;
	s20 =	sadd.s32 $0x60, s20;
	[sflag:s6] =	ssyncset.done $0x0  }
0x3d: {  	s21 =	sshrl.u32 s31, $0x8;
	s31 =	smov.u32 s28;
	[sflag:s6] =	ssyncadd.s32 $0xFFFF3C00  }
0x3e: {  	[hbm4b:s16+s7] =	stream.strided.scatter [tilespmem:s2], [sflag:$0x2], $0xC400, s8, s7, $0x38;
	[tilespmem:$0x18800] =	vst v63  }
0x3f: {  	s20 =	sand.u32 $0xE0, s20;
	s23 =	smul.u32 $0x498000, s21;
	_ =	swait.ge [sflag:s11], $0xC400  }
0x40: {  	s21 =	smul.u32 $0x6, s21;
	s20 =	sor.u32 s20, s19;
	[sflag:s11] =	ssyncset.done $0x0  }
0x41: {  	s19 =	sadd.s32 s22, s24;
	s24 =	sadd.s32 $0x55C000, s28;
	[sflag:s11] =	ssyncadd.s32 $0xFFFF3C00  }
0x42: {  	[tilespmem:s9], [sflag:$0x1] =	stream.linear.gather [hbm4b:s17+s2], $0xC400, $0x38;
	[tilespmem:$0x18800] =	vst v63  }
0x43: {  	s20 =	sshrl.u32 s20, $0x3;
	s22 =	sadd.s32 s29, s23;
	_ =	swait.ge [sflag:s6], $0xC400  }
0x44: {  	s21 =	ssub.s32 s26, s21;
	s23 =	sadd.s32 $0x158, s25;
	[sflag:s6] =	ssyncset.done $0x0  }
0x45: {  	s24 =	sshrl.u32 s24, $0x3;
	s20 =	sadd.s32 s1, s20;
	[sflag:s6] =	ssyncadd.s32 $0xFFFF3C00  }
0x46: {  	[hbm4b:s18+s7] =	stream.strided.scatter [tilespmem:s9], [sflag:$0x2], $0xC400, s8, s7, $0x38;
	[tilespmem:$0x18800] =	vst v63  }
0x47: {  	s21 =	sshll.u32 s21, $0x4;
	s23 =	sshrl.u32 s23, $0x8;
	_ =	swait.ge [sflag:s11], $0xC400  }
0x48: {  	s21 =	sadd.s32 $0x70, s21;
	s28 =	smul.u32 $0x6, s23;
	[sflag:s11] =	ssyncset.done $0x0  }
0x49: {  	s23 =	smul.u32 $0x498000, s23;
	s21 =	sand.u32 $0xF0, s21;
	[sflag:s11] =	ssyncadd.s32 $0xFFFF3C00  }
0x4a: {  	[tilespmem:s2], [sflag:$0x1] =	stream.linear.gather [hbm4b:s19+s2], $0xC400, $0x38;
	[tilespmem:$0x18800] =	vst v63  }
0x4b: {  	s22 =	sor.u32 s21, s22;
	s21 =	sadd.s32 s0, s24;
	_ =	swait.ge [sflag:s6], $0xC400  }
0x4c: {  	s24 =	ssub.s32 s26, s28;
	s23 =	sadd.s32 s29, s23;
	[sflag:s6] =	ssyncset.done $0x0  }
0x4d: {  	s28 =	sadd.s32 $0x183, s25;
	[dreg:$0x6] =	wrdreg s31;
	[sflag:s6] =	ssyncadd.s32 $0xFFFF3C00  }
0x4e: {  	[hbm4b:s20+s7] =	stream.strided.scatter [tilespmem:s2], [sflag:$0x2], $0xC400, s8, s7, $0x38;
	[tilespmem:$0x18800] =	vst v63  }
0x4f: {  	s25 =	sadd.s32 $0x1AE, s25;
	s24 =	sshll.u32 s24, $0x4;
	_ =	swait.ge [sflag:s11], $0xC400  }
0x50: {  	s22 =	sshrl.u32 s22, $0x3;
	[dreg:$0x8] =	wrdreg s0;
	[sflag:s11] =	ssyncset.done $0x0  }
0x51: {  	s28 =	sshrl.u32 s28, $0x8;
	[dreg:$0x7] =	wrdreg s26;
	[sflag:s11] =	ssyncadd.s32 $0xFFFF3C00  }
0x52: {  	[tilespmem:s9], [sflag:$0x1] =	stream.linear.gather [hbm4b:s21+s2], $0xC400, $0x38;
	[tilespmem:$0x18800] =	vst v63  }
0x53: {  	s24 =	sadd.s32 $0x80, s24;
	s30 =	smul.u32 $0x6, s28;
	_ =	swait.ge [sflag:s6], $0xC400  }
0x54: {  	s22 =	sadd.s32 s1, s22;
	s28 =	smul.u32 $0x498000, s28;
	[sflag:s6] =	ssyncset.done $0x0  }
0x55: {  	s24 =	sand.u32 $0xE0, s24;
	[dreg:$0x5] =	wrdreg s29;
	[sflag:s6] =	ssyncadd.s32 $0xFFFF3C00  }
0x56: {  	[hbm4b:s22+s7] =	stream.strided.scatter [tilespmem:s9], [sflag:$0x2], $0xC400, s8, s7, $0x38;
	[tilespmem:$0x18800] =	vst v63  }
0x57: {  	s24 =	sor.u32 s24, s23;
	s23 =	sadd.s32 $0x620000, s31;
	_ =	swait.ge [sflag:s11], $0xC400  }
0x58: {  	s30 =	ssub.s32 s26, s30;
	s23 =	sshrl.u32 s23, $0x3;
	[sflag:s11] =	ssyncset.done $0x0  }
0x59: {  	s30 =	sshll.u32 s30, $0x4;
	s23 =	sadd.s32 s0, s23;
	[sflag:s11] =	ssyncadd.s32 $0xFFFF3C00  }
0x5a: {  	[tilespmem:s2], [sflag:$0x1] =	stream.linear.gather [hbm4b:s23+s2], $0xC400, $0x38;
	[tilespmem:$0x18800] =	vst v63  }
0x5b: {  	s28 =	sadd.s32 s29, s28;
	s30 =	sadd.s32 $0x90, s30;
	_ =	swait.ge [sflag:s6], $0xC400  }
0x5c: {  	s24 =	sshrl.u32 s24, $0x3;
	s30 =	sand.u32 $0xF0, s30;
	[sflag:s6] =	ssyncset.done $0x0  }
0x5d: {  	s24 =	sadd.s32 s1, s24;
	s30 =	sor.u32 s30, s28;
	[sflag:s6] =	ssyncadd.s32 $0xFFFF3C00  }
0x5e: {  	[hbm4b:s24+s7] =	stream.strided.scatter [tilespmem:s2], [sflag:$0x2], $0xC400, s8, s7, $0x38;
	[tilespmem:$0x18800] =	vst v63  }
0x5f: {  	s1 =	sadd.s32 $0x6E4000, s31;
	s30 =	sshrl.u32 s30, $0x3;
	_ =	swait.ge [sflag:s11], $0xC400  }
0x60: {  	s0 =	sshrl.u32 s1, $0x3;
	s26 =	rddreg [dreg:$0x8];
	[sflag:s11] =	ssyncset.done $0x0  }
0x61: {  	s31 =	sadd.s32 $0x7A8000, s31;
	s28 =	sadd.s32 s26, s0;
	[sflag:s11] =	ssyncadd.s32 $0xFFFF3C00  }
0x62: {  	[tilespmem:s9], [sflag:$0x1] =	stream.linear.gather [hbm4b:s28+s2], $0xC400, $0x38;
	[tilespmem:$0x18800] =	vst v63  }
0x63: {  	s1 =	sshrl.u32 s31, $0x3;
	s0 =	sshrl.u32 s25, $0x8;
	_ =	swait.ge [sflag:s6], $0xC400  }
0x64: {  	s1 =	sadd.s32 s26, s1;
	s25 =	smul.u32 $0x6, s0;
	s29 =	rddreg [dreg:$0x1]  }
0x65: {  	[sflag:s6] =	ssyncset.done $0x0;
	s31 =	rddreg [dreg:$0x7];
	s30 =	sadd.s32 s29, s30  }
0x66: {  	s29 =	ssub.s32 s31, s25;
	s31 =	sadd.s32 $0xB, s31;
	[sflag:s6] =	ssyncadd.s32 $0xFFFF3C00  }
0x67: {  	[hbm4b:s30+s7] =	stream.strided.scatter [tilespmem:s9], [sflag:$0x2], $0xC400, s8, s7, $0x38;
	[tilespmem:$0x18800] =	vst v63  }
0x68: {  	s25 =	smul.u32 $0x2B, s31;
	s26 =	smov.u32 s31;
	s29 =	sshll.u32 s29, $0x4  }
0x69: {  	s31 =	smul.u32 $0x498000, s0;
	_ =	swait.ge [sflag:s11], $0xC400;
	s29 =	sadd.s32 $0xA0, s29  }
0x6a: {  	[sflag:s11] =	ssyncset.done $0x0;
	s0 =	sshrl.u32 s25, $0x8;
	s25 =	rddreg [dreg:$0x5]  }
0x6b: {  	[sflag:s11] =	ssyncadd.s32 $0xFFFF3C00;
	s25 =	sadd.s32 s25, s31;
	s31 =	smul.u32 $0x6, s0  }
0x6c: {  	[tilespmem:s2], [sflag:$0x1] =	stream.linear.gather [hbm4b:s1+s2], $0xC400, $0x38;
	[tilespmem:$0x18800] =	vst v63  }
0x6d: {  	s29 =	sand.u32 $0xE0, s29;
	_ =	swait.ge [sflag:s6], $0xC400  }
0x6e: {  	s25 =	sor.u32 s29, s25;
	s26 =	ssub.s32 s26, s31;
	[sflag:s6] =	ssyncset.done $0x0  }
0x6f: {  	s25 =	sshrl.u32 s25, $0x3;
	s31 =	smul.u32 $0x498000, s0;
	s29 =	rddreg [dreg:$0x1]  }
0x70: {  	[sflag:s6] =	ssyncadd.s32 $0xFFFF3C00;
	s25 =	sadd.s32 s29, s25;
	s29 =	rddreg [dreg:$0x6]  }
0x71: {  	[hbm4b:s25+s7] =	stream.strided.scatter [tilespmem:s2], [sflag:$0x2], $0xC400, s8, s7, $0x38;
	[tilespmem:$0x18800] =	vst v63  }
0x72: {  	s26 =	sshll.u32 s26, $0x4;
	s29 =	sadd.s32 $0x86C000, s29;
	_ =	swait.ge [sflag:s11], $0xC400  }
0x73: {  	s29 =	sshrl.u32 s29, $0x3;
	s0 =	rddreg [dreg:$0x8];
	[sflag:s11] =	ssyncset.done $0x0  }
0x74: {  	s0 =	sadd.s32 s0, s29;
	s29 =	rddreg [dreg:$0x5];
	[sflag:s11] =	ssyncadd.s32 $0xFFFF3C00  }
0x75: {  	[tilespmem:s9], [sflag:$0x1] =	stream.linear.gather [hbm4b:s0+s2], $0xC400, $0x38;
	[tilespmem:$0x18800] =	vst v63  }
0x76: {  	s26 =	sand.u32 $0xF0, s26;
	s29 =	sadd.s32 s29, s31;
	_ =	swait.ge [sflag:s6], $0xC400  }
0x77: {  	s26 =	sor.u32 s26, s29;
	[sflag:s6] =	ssyncset.done $0x0  }
0x78: {  	s26 =	sshrl.u32 s26, $0x3;
	s29 =	rddreg [dreg:$0x1]  }
0x79: {  	s26 =	sadd.s32 s29, s26;
	s29 =	rddreg [dreg:$0x4]  }
0x7a: {  	[sflag:s6] =	ssyncadd.s32 $0xFFFF3C00;
	s29 =	ssub.s32 $0x2, s29  }
0x7b: {  	[hbm4b:s26+s7] =	stream.strided.scatter [tilespmem:s9], [sflag:$0x2], $0xC400, s8, s7, $0x38;
	[tilespmem:$0x18800] =	vst v63  }
0x7c: {  	s31 =	sshrl.u32 s29, $0x1  }
0x7d: {  	s29 =	ssub.s32 s29, s31  }
0x7e: {  	s29 =	smax.u32 s29, $0x1  }
0x7f: {  	p0 =	sne.s32 s29, $0x1  }
.Ltmp0:
0x80: {  	_ =	swait.ge [sflag:s11], $0xC400;
	(pc) =	sbr.rel @!p0 .LBB2_2-.Ltmp0, $4  }
0x81: {  	[sflag:s11] =	ssyncset.done $0x0  }
0x82: {  	[sflag:s11] =	ssyncadd.s32 $0xFFFF3C00  }
0x83: {  	_ =	swait.ge [sflag:s11], $0xC400  }
0x84: {  	s29 =	sadd.s32 $0xFFFFFFFF, s29;
	[sflag:s11] =	ssyncset.done $0x0  }
.LBB2_1:
0x85: {  	s31 =	rddreg [dreg:$0x3];
	[sflag:s11] =	ssyncadd.s32 $0xFFFF3C00  }
0x86: {  	[tilespmem:s2], [sflag:$0x1] =	stream.linear.gather [hbm4b:s31+s2], $0xC400, $0x38;
	[tilespmem:$0x18800] =	vst v63  }
0x87: {  	_ =	swait.ge [sflag:s6], $0xC400  }
0x88: {  	[sflag:s6] =	ssyncset.done $0x0  }
0x89: {  	[sflag:s6] =	ssyncadd.s32 $0xFFFF3C00  }
0x8a: {  	[hbm4b:s3+s7] =	stream.strided.scatter [tilespmem:s2], [sflag:$0x2], $0xC400, s8, s7, $0x38;
	[tilespmem:$0x18800] =	vst v63  }
0x8b: {  	_ = 	snop  }
0x8c: {  	[tilespmem:s9], [sflag:$0x1] =	stream.linear.gather [hbm4b:s4+s2], $0xC400, $0x38;
	[tilespmem:$0x18800] =	vst v63  }
0x8d: {  	_ =	swait.ge [sflag:s6], $0xC400  }
0x8e: {  	[sflag:s6] =	ssyncset.done $0x0  }
0x8f: {  	[sflag:s6] =	ssyncadd.s32 $0xFFFF3C00  }
0x90: {  	[hbm4b:s5+s7] =	stream.strided.scatter [tilespmem:s9], [sflag:$0x2], $0xC400, s8, s7, $0x38;
	[tilespmem:$0x18800] =	vst v63  }
0x91: {  	_ =	swait.ge [sflag:s11], $0xC400  }
0x92: {  	[sflag:s11] =	ssyncset.done $0x0  }
0x93: {  	[sflag:s11] =	ssyncadd.s32 $0xFFFF3C00  }
0x94: {  	[tilespmem:s2], [sflag:$0x1] =	stream.linear.gather [hbm4b:s10+s2], $0xC400, $0x38;
	[tilespmem:$0x18800] =	vst v63  }
0x95: {  	_ =	swait.ge [sflag:s6], $0xC400  }
0x96: {  	[sflag:s6] =	ssyncset.done $0x0  }
0x97: {  	[sflag:s6] =	ssyncadd.s32 $0xFFFF3C00  }
0x98: {  	[hbm4b:s12+s7] =	stream.strided.scatter [tilespmem:s2], [sflag:$0x2], $0xC400, s8, s7, $0x38;
	[tilespmem:$0x18800] =	vst v63  }
0x99: {  	_ =	swait.ge [sflag:s11], $0xC400  }
0x9a: {  	[sflag:s11] =	ssyncset.done $0x0  }
0x9b: {  	[sflag:s11] =	ssyncadd.s32 $0xFFFF3C00  }
0x9c: {  	[tilespmem:s9], [sflag:$0x1] =	stream.linear.gather [hbm4b:s13+s2], $0xC400, $0x38;
	[tilespmem:$0x18800] =	vst v63  }
0x9d: {  	_ =	swait.ge [sflag:s6], $0xC400  }
0x9e: {  	[sflag:s6] =	ssyncset.done $0x0  }
0x9f: {  	[sflag:s6] =	ssyncadd.s32 $0xFFFF3C00  }
0xa0: {  	[hbm4b:s14+s7] =	stream.strided.scatter [tilespmem:s9], [sflag:$0x2], $0xC400, s8, s7, $0x38;
	[tilespmem:$0x18800] =	vst v63  }
0xa1: {  	_ =	swait.ge [sflag:s11], $0xC400  }
0xa2: {  	[sflag:s11] =	ssyncset.done $0x0  }
0xa3: {  	[sflag:s11] =	ssyncadd.s32 $0xFFFF3C00  }
0xa4: {  	[tilespmem:s2], [sflag:$0x1] =	stream.linear.gather [hbm4b:s15+s2], $0xC400, $0x38;
	[tilespmem:$0x18800] =	vst v63  }
0xa5: {  	_ =	swait.ge [sflag:s6], $0xC400  }
0xa6: {  	[sflag:s6] =	ssyncset.done $0x0  }
0xa7: {  	[sflag:s6] =	ssyncadd.s32 $0xFFFF3C00  }
0xa8: {  	[hbm4b:s16+s7] =	stream.strided.scatter [tilespmem:s2], [sflag:$0x2], $0xC400, s8, s7, $0x38;
	[tilespmem:$0x18800] =	vst v63  }
0xa9: {  	_ =	swait.ge [sflag:s11], $0xC400  }
0xaa: {  	[sflag:s11] =	ssyncset.done $0x0  }
0xab: {  	[sflag:s11] =	ssyncadd.s32 $0xFFFF3C00  }
0xac: {  	[tilespmem:s9], [sflag:$0x1] =	stream.linear.gather [hbm4b:s17+s2], $0xC400, $0x38;
	[tilespmem:$0x18800] =	vst v63  }
0xad: {  	_ =	swait.ge [sflag:s6], $0xC400  }
0xae: {  	[sflag:s6] =	ssyncset.done $0x0  }
0xaf: {  	[sflag:s6] =	ssyncadd.s32 $0xFFFF3C00  }
0xb0: {  	[hbm4b:s18+s7] =	stream.strided.scatter [tilespmem:s9], [sflag:$0x2], $0xC400, s8, s7, $0x38;
	[tilespmem:$0x18800] =	vst v63  }
0xb1: {  	_ =	swait.ge [sflag:s11], $0xC400  }
0xb2: {  	[sflag:s11] =	ssyncset.done $0x0  }
0xb3: {  	[sflag:s11] =	ssyncadd.s32 $0xFFFF3C00  }
0xb4: {  	[tilespmem:s2], [sflag:$0x1] =	stream.linear.gather [hbm4b:s19+s2], $0xC400, $0x38;
	[tilespmem:$0x18800] =	vst v63  }
0xb5: {  	_ =	swait.ge [sflag:s6], $0xC400  }
0xb6: {  	[sflag:s6] =	ssyncset.done $0x0  }
0xb7: {  	[sflag:s6] =	ssyncadd.s32 $0xFFFF3C00  }
0xb8: {  	[hbm4b:s20+s7] =	stream.strided.scatter [tilespmem:s2], [sflag:$0x2], $0xC400, s8, s7, $0x38;
	[tilespmem:$0x18800] =	vst v63  }
0xb9: {  	_ =	swait.ge [sflag:s11], $0xC400  }
0xba: {  	[sflag:s11] =	ssyncset.done $0x0  }
0xbb: {  	[sflag:s11] =	ssyncadd.s32 $0xFFFF3C00  }
0xbc: {  	[tilespmem:s9], [sflag:$0x1] =	stream.linear.gather [hbm4b:s21+s2], $0xC400, $0x38;
	[tilespmem:$0x18800] =	vst v63  }
0xbd: {  	_ =	swait.ge [sflag:s6], $0xC400  }
0xbe: {  	[sflag:s6] =	ssyncset.done $0x0  }
0xbf: {  	[sflag:s6] =	ssyncadd.s32 $0xFFFF3C00  }
0xc0: {  	[hbm4b:s22+s7] =	stream.strided.scatter [tilespmem:s9], [sflag:$0x2], $0xC400, s8, s7, $0x38;
	[tilespmem:$0x18800] =	vst v63  }
0xc1: {  	_ =	swait.ge [sflag:s11], $0xC400  }
0xc2: {  	[sflag:s11] =	ssyncset.done $0x0  }
0xc3: {  	[sflag:s11] =	ssyncadd.s32 $0xFFFF3C00  }
0xc4: {  	[tilespmem:s2], [sflag:$0x1] =	stream.linear.gather [hbm4b:s23+s2], $0xC400, $0x38;
	[tilespmem:$0x18800] =	vst v63  }
0xc5: {  	_ =	swait.ge [sflag:s6], $0xC400  }
0xc6: {  	[sflag:s6] =	ssyncset.done $0x0  }
0xc7: {  	[sflag:s6] =	ssyncadd.s32 $0xFFFF3C00  }
0xc8: {  	[hbm4b:s24+s7] =	stream.strided.scatter [tilespmem:s2], [sflag:$0x2], $0xC400, s8, s7, $0x38;
	[tilespmem:$0x18800] =	vst v63  }
0xc9: {  	_ =	swait.ge [sflag:s11], $0xC400  }
0xca: {  	[sflag:s11] =	ssyncset.done $0x0  }
0xcb: {  	[sflag:s11] =	ssyncadd.s32 $0xFFFF3C00  }
0xcc: {  	[tilespmem:s9], [sflag:$0x1] =	stream.linear.gather [hbm4b:s28+s2], $0xC400, $0x38;
	[tilespmem:$0x18800] =	vst v63  }
0xcd: {  	_ =	swait.ge [sflag:s6], $0xC400  }
0xce: {  	[sflag:s6] =	ssyncset.done $0x0  }
0xcf: {  	[sflag:s6] =	ssyncadd.s32 $0xFFFF3C00  }
0xd0: {  	[hbm4b:s30+s7] =	stream.strided.scatter [tilespmem:s9], [sflag:$0x2], $0xC400, s8, s7, $0x38;
	[tilespmem:$0x18800] =	vst v63  }
0xd1: {  	_ =	swait.ge [sflag:s11], $0xC400  }
0xd2: {  	[sflag:s11] =	ssyncset.done $0x0  }
0xd3: {  	[sflag:s11] =	ssyncadd.s32 $0xFFFF3C00  }
0xd4: {  	[tilespmem:s2], [sflag:$0x1] =	stream.linear.gather [hbm4b:s1+s2], $0xC400, $0x38;
	[tilespmem:$0x18800] =	vst v63  }
0xd5: {  	_ =	swait.ge [sflag:s6], $0xC400  }
0xd6: {  	[sflag:s6] =	ssyncset.done $0x0  }
0xd7: {  	[sflag:s6] =	ssyncadd.s32 $0xFFFF3C00  }
0xd8: {  	[hbm4b:s25+s7] =	stream.strided.scatter [tilespmem:s2], [sflag:$0x2], $0xC400, s8, s7, $0x38;
	[tilespmem:$0x18800] =	vst v63  }
0xd9: {  	_ =	swait.ge [sflag:s11], $0xC400  }
0xda: {  	[sflag:s11] =	ssyncset.done $0x0  }
0xdb: {  	[sflag:s11] =	ssyncadd.s32 $0xFFFF3C00  }
0xdc: {  	[tilespmem:s9], [sflag:$0x1] =	stream.linear.gather [hbm4b:s0+s2], $0xC400, $0x38;
	[tilespmem:$0x18800] =	vst v63  }
0xdd: {  	_ =	swait.ge [sflag:s6], $0xC400  }
0xde: {  	[sflag:s6] =	ssyncset.done $0x0  }
0xdf: {  	p0 =	sne.s32 s29, $0x1;
	[sflag:s6] =	ssyncadd.s32 $0xFFFF3C00  }
0xe0: {  	[hbm4b:s26+s7] =	stream.strided.scatter [tilespmem:s9], [sflag:$0x2], $0xC400, s8, s7, $0x38;
	[tilespmem:$0x18800] =	vst v63  }
.Ltmp1:
0xe1: {  	_ =	swait.ge [sflag:s11], $0xC400;
	(pc) =	sbr.rel @p0 .LBB2_1-.Ltmp1, $4  }
0xe2: {  	[sflag:s11] =	ssyncset.done $0x0  }
0xe3: {  	[sflag:s11] =	ssyncadd.s32 $0xFFFF3C00  }
0xe4: {  	_ =	swait.ge [sflag:s11], $0xC400  }
0xe5: {  	s29 =	sadd.s32 $0xFFFFFFFF, s29;
	[sflag:s11] =	ssyncset.done $0x0  }
.LBB2_2:
0xe6: {  	[sflag:s11] =	ssyncadd.s32 $0xFFFF3C00  }
0xe7: {  	_ =	sfence.sel $0x180000  }
0xe8: {  	[bflag:$0x0] =	sbarrier.arrive $0xFFFF  }
0xe9: {  	_ =	strace $0x9000004A  }
0xea: {  	s0 =	stileid.u32;
	[bflag:$0x2] =	sbarrier.arrive $0xFFFF  }
0xeb: {  	p0 =	sne.s32 s0, $0x0;
	s0 =	rddreg [dreg:$0x2]  }
0xec: {  	s0 =	sadd.s32 @!p0 $0x100000, s0  }
0xed: {  	[sflag:s0] =	ssyncadd.tile.s32 @!p0 $0x1;
	_ =	shalt  }
.Lfunc_end2:
_tile_overlayer_lowered:
.L_overlay_start_2:
0xee: {  	(tag) =	ssettag $0x2  }
0xef: {  	s0 =	rddreg [dreg:$0x0];
	s2 =	stileid.u32  }
0xf0: {  	s1 =	rddreg [dreg:$0x1];
	p0 =	sne.s32 s2, $0x0  }
0xf1: {  	s3 =	rddreg [dreg:$0x2];
	[bflag:$0x3] =	sbarrier.arrive $0xFFFF;
	s2 =	simm.s32 @!p0 $0x1C03  }
0xf2: {  	[timem:s3], [sflag:s2] =	dma.local @!p0 [hbm:s0], s1  }
0xf3: {  	s0 =	simm.s32 @!p0 $0x3  }
0xf4: {  	_ =	swait.ge @!p0 [sflag:s0], s1  }
0xf5: {  	s1 =	ssub.s32 @!p0 $0x0, s1;
	[sflag:s0] =	ssyncset.done @!p0 $0x0  }
0xf6: {  	[sflag:s0] =	ssyncadd.s32 @!p0 s1  }
0xf7: {  	[bflag:$0x3] =	sbarrier.arrive $0xFFFF  }
0xf8: {  	_ =	shalt  }

// kernel: sparse-core-data-format-call.cloned.1.call-start
scs
called_computation_lowered:
.L_overlay_start_0:
0x0: {  	s2 =	sld [smem:$0x3FD9]  }
0x1: {  	s3 =	sld [smem:$0x3FFE];
	_ =	sdelay $0x1  }
0x2: {  	s1 =	srdreg.scid  }
0x3: {  	s0 =	sand.u32 $0x1, s1  }
0x4: {  	s18 =	sshll.u32 s0, $0xA;
	s2 =	sadd.s32 s3, s2  }
0x5: {  	s2 =	sadd.s32 s2, s18  }
0x6: {  	[smem:$0x3FC6] =	sst s2  }
0x7: {  	_ = 	snop  }
0x8: {  	s2 =	sld [smem:$0x3FD0];
	(tm) =	ssettm $0x1  }
0x9: {  	s19 =	sld [smem:$0x3FFB];
	_ =	sdelay $0x3  }
0xa: {  	_ =	strace s19  }
0xb: {  	s3 =	sld [smem:$0x3FFC];
	_ =	sdelay $0x3  }
0xc: {  	_ =	strace s3  }
0xd: {  	s3 =	sld [smem:$0x3FFD];
	_ =	sdelay $0x3  }
0xe: {  	_ =	strace s3  }
0xf: {  	_ =	strace $0x8FFFFFFF  }
0x10: {  	s20 =	sld [smem:$0x3FDB];
	_ =	sdelay $0x1  }
0x11: {  	s4 =	simm.s32 $_scs_section_size  }
0x12: {  	s5 =	simm.s32 $_size__tile_overlayer_lowered;
	s6 =	simm.s32 $_tile_overlayer_lowered  }
0x13: {  	s23 =	simm.s32 $0x1BFF;
	s22 =	sshll.u32 s6, $0x1;
	s3 =	sadd.s32 s4, s20  }
0x14: {  	s7 =	simm.s32 $0x0;
	s21 =	sshll.u32 s5, $0x1;
	s5 =	sadd.s32 s22, s3  }
0x15: {  	[timem:s7], [sflag:s23] =	dma.local [hbm:s5], s21  }
0x16: {  	_ =	swait.ge [sflag:s23], s21  }
0x17: {  	s4 =	ssub.s32 $0x0, s21;
	[sflag:s23] =	ssyncset.done $0x0  }
0x18: {  	[sflag:s23] =	ssyncadd.s32 s4;
	_ =	sdelay $0x1  }
0x19: {  	s24 =	simm.s32 $0x1B8B  }
0x1a: {  	_ =	swait.ge [sflag:s24], $0x1  }
0x1b: {  	[sflag:s24] =	ssyncset.done $0x0  }
0x1c: {  	s26 =	simm.s32 $0x1B8E;
	s25 =	sld [smem:$0x3FFE];
	[sflag:s24] =	ssyncadd.s32 $0xFFFFFFFF  }
0x1d: {  	s27 =	simm.s32 $execute0_lowered;
	[smem:$0x3FD2] =	sst s26  }
0x1e: {  	s5 =	sshll.u32 s27, $0x1;
	_ =	strace $0x8000004C;
	[dreg:$0x1] =	wrdreg $0xFFFFFFFF  }
0x1f: {  	s28 =	simm.s32 $_size_execute0_lowered;
	s3 =	sadd.s32 s3, s5;
	[dreg:$0x0] =	wrdreg $0x0  }
0x20: {  	s5 =	sshll.u32 s28, $0x1;
	[dreg:$0x2] =	wrdreg s3  }
0x21: {  	[dreg:$0x3] =	wrdreg s5  }
0x22: {  	[dreg:$0x4] =	wrdreg $0xC0  }
0x23: {  	_ =	task [dreg:s7], $0x5FFFF  }
0x24: {  	[dreg:$0x1] =	wrdreg $0xFFFFFFFF  }
0x25: {  	[dreg:$0x0] =	wrdreg $0x60  }
0x26: {  	[dreg:$0x2] =	wrdreg s25  }
0x27: {  	[dreg:$0x3] =	wrdreg s2  }
0x28: {  	[dreg:$0x4] =	wrdreg $0x9  }
0x29: {  	_ =	task.clear_ibuf [dreg:s7], $0x5FFFF;
	_ =	strace $0x9000004C  }
0x2a: {  	s29 =	simm.s32 $0x9;
	_ =	strace $0x8000004E  }
0x2b: {  	_ =	swait.ge [sflag:s29], $0x1  }
0x2c: {  	[sflag:s29] =	ssyncadd.s32 $0xFFFFFFFF  }
0x2d: {  	_ =	strace $0x9000004E  }
0x2e: {  	_ =	sfence  }
0x2f: {  	s30 =	sld [smem:$0x0];
	_ =	sdelay $0x2  }
0x30: {  	s31 =	sshll.u32 s1, $0xD;
	s1 =	sshrl.u32 s1, $0x2  }
0x31: {  	s3 =	sand.u32 $0x4000, s31;
	s1 =	sadd.s32 s1, s30  }
0x32: {  	s0 =	sor.u32 s3, s0;
	s1 =	sshll.u32 s1, $0x11  }
0x33: {  	s0 =	sor.u32 s1, s0  }
0x34: {  	s0 =	sadd.s32 $0x8F2B, s0  }
0x35: {  	[sflag:s0] =	ssyncadd.remote.s32 $0x1  }
0x36: {  	_ =	sfence.sel $0xFFFF  }
0x37: {  	[dreg:$0x0] =	wrdreg $0xFFFFFFFF;
	(pc) =	sbr.abs _section_cstart, $3  }
0x38: {  	[dreg:$0x1] =	wrdreg $0xFFFFFFFF  }
0x39: {  	_ =	task.clear_ibuf [dreg:s7], $0x2FFFF;
	_ =	strace $0x9FFFFFFF  }
0x3a: {  	(tm) =	ssettm $0x7FFFFFFF  }
0x3b: {  	_ =	shalt  }
tec
execute0_lowered:
.L_overlay_start_1:
0x0: {  	(tag) =	ssettag $0x1  }
0x1: {  	s0 =	rddreg [dreg:$0x0]  }
0x2: {  	s1 =	srdreg.scid;
	_ =	strace $0x8000004D;
	s2 =	stileid.u32  }
0x3: {  	s30 =	simm.s32 $0x1;
	s31 =	simm.s32 $0x2;
	s15 =	simm.s32 $0x0  }
0x4: {  	s16 =	simm.s32 $0x0;
	s17 =	simm.s32 $0x0;
	s8 =	simm.s32 $0x0  }
0x5: {  	s10 =	simm.s32 $0x0;
	s12 =	simm.s32 $0x0;
	s11 =	simm.s32 $0x0  }
.Ltmp0:
0x6: {  	s9 =	simm.s32 $0x0;
	s29 =	sshll.u32 s1, $0x4;
	(pc) =	sbr.rel .LBB1_1-.Ltmp0, $4  }
0x7: {  	s6 =	sadd.s32 $0xC00, s0;
	[sflag:s30] =	ssyncpa.u1 $0x0;
	s0 =	sand.u32 $0x10, s29  }
0x8: {  	s7 =	sand.u32 $0x3, s2;
	[dreg:$0x3] =	wrdreg s6;
	s0 =	sor.u32 s2, s0  }
0x9: {  	[sflag:s31] =	ssyncpa.u1 $0x0;
	[dreg:$0x4] =	wrdreg s7;
	s22 =	sshrl.u32 s0, $0x2  }
0xa: {  	s14 =	smov.u32 s7;
	s13 =	smov.u32 s22;
	[dreg:$0x5] =	wrdreg s22  }
.LBB1_9:
0xb: {  	p0 =	sgt.s32 s8, $0x80;
	s3 =	smul.u32 $0xA8000, s12  }
0xc: {  	s0 =	smov.u32 s8;
	s1 =	sshrl.u32 s8, $0x5;
	s27 =	smul.u32 $0xC00, s10  }
0xd: {  	s4 =	sshrl.u32 s8, $0x3;
	s5 =	rddreg [dreg:$0x1];
	s0 =	simm.s32 @!p0 $0x80  }
0xe: {  	s28 =	sand.u32 $0x7, s8;
	s1 =	sand.u32 $0xFFFFFC, s1;
	s0 =	sadd.s32 s19, s0  }
0xf: {  	s29 =	rddreg [dreg:$0x6];
	s26 =	smulhi.u32 $0x2AAAAAB, s1;
	s2 =	sadd.s32 $0xFFFFFF80, s0  }
0x10: {  	s6 =	rddreg [dreg:$0x3];
	s0 =	ssub.s32 $0x100, s0;
	p0 =	sgt.s32 s2, $0x7F  }
0x11: {  	s7 =	rddreg [dreg:$0x4];
	s2 =	smul.u32 $0x60, s26;
	s0 =	simm.s32 @p0 $0x0  }
0x12: {  	s31 =	simm.s32 $0x800;
	s22 =	rddreg [dreg:$0x5];
	s0 =	smul.u32 s0, s18  }
0x13: {  	s4 =	sand.u32 $0xF, s4;
	s3 =	sadd.s32 s5, s3;
	s1 =	ssub.s32 s1, s2  }
0x14: {  	s2 =	sadd.s32 s27, s3;
	s3 =	sshll.u32 s28, $0x12;
	s0 =	smul.u32 $0x60, s0  }
0x15: {  	s1 =	sshll.u32 s1, $0x5;
	s2 =	sadd.s32 s4, s2;
	s4 =	sor.u32 $0x8000, s29  }
0x16: {  	s30 =	sor.u32 $0x400, s3;
	s1 =	sadd.s32 s1, s2;
	s0 =	sand.u32 $0x3FFFFFE0, s0  }
0x17: {  	[hbm4b:s1+s30] =	stream.strided.scatter [tilespmem:s4], [sflag:$0x2], s0, s31, s30, $0x20;
	[tilespmem:$0x10100] =	vst v63  }
.LBB1_10:
0x18: {  	p0 =	slt.u32 s9, $0x2  }
0x19: {  	p1 =	sgt.s32 @!p0 s17, $0x3  }
0x1a: {  	s0 =	smov.u32 s17;
	s1 =	sshra.s32 @!p0 s17, $0x1F;
	p1 =	por !p1, p0  }
0x1b: {  	s2 =	smov.u32 s16;
	s1 =	sand.u32 @!p0 s1, s17;
	s0 =	simm.s32 @p1 $0x3  }
0x1c: {  	s3 =	sshra.s32 @!p0 s16, $0x1F;
	p1 =	sgt.s32 @!p0 s16, $0xDF;
	s0 =	ssub.s32 @!p0 s0, s1  }
0x1d: {  	s4 =	sshra.s32 @!p0 s15, $0x1F;
	p2 =	por !p1, p0;
	s1 =	sadd.s32 @!p0 $0xFFFFFFFD, s0  }
0x1e: {  	s2 =	simm.s32 @p2 $0xDF;
	p1 =	sgt.s32 @!p0 s1, $0x0;
	s1 =	sand.u32 @!p0 s3, s16  }
0x1f: {  	s0 =	ssub.s32 @!p0 $0x4, s0;
	p2 =	sgt.s32 @!p0 s15, $0x80;
	s1 =	ssub.s32 @!p0 s2, s1  }
0x20: {  	p2 =	por !p2, p0;
	s3 =	smov.u32 s15;
	s2 =	sadd.s32 @!p0 $0xFFFFFF21, s1  }
0x21: {  	s3 =	simm.s32 @p2 $0x80;
	p2 =	sgt.s32 @!p0 s2, $0x0;
	s2 =	sand.u32 @!p0 s4, s15  }
0x22: {  	s0 =	smul.u32 @!p0 $0x60, s0;
	p1 =	por !p1, p0;
	s2 =	ssub.s32 @!p0 s3, s2  }
0x23: {  	s1 =	ssub.s32 @!p0 $0xE0, s1;
	p2 =	por !p2, p0;
	s3 =	sadd.s32 @!p0 $0xFFFFFF80, s2  }
0x24: {  	s0 =	simm.s32 @!p1 $0x0;
	s1 =	simm.s32 @!p2 $0x0;
	p2 =	sgt.s32 @!p0 s3, $0x7F  }
0x25: {  	s2 =	ssub.s32 @!p0 $0x100, s2;
	s0 =	smul.u32 @!p0 s1, s0;
	p1 =	por !p2, p0  }
0x26: {  	s1 =	sadd.s32 $0x80, s11;
	s3 =	smov.u32 s13;
	s2 =	simm.s32 @!p1 $0x0  }
0x27: {  	p1 =	sgt.s32 s1, $0xDF;
	s0 =	smul.u32 @!p0 s2, s0;
	s2 =	sadd.s32 $0x8, s13  }
0x28: {  	s3 =	smov.u32 @p1 s2  }
0x29: {  	s5 =	smov.u32 s14;
	s2 =	sadd.s32 $0x4, s14;
	p2 =	sgt.s32 s3, $0xDF  }
0x2a: {  	s9 =	sadd.s32 $0x1, s9;
	s5 =	smov.u32 @p2 s2  }
0x2b: {  	s17 =	smov.u32 s12;
	s1 =	simm.s32 @p1 $0x0;
	p1 =	sgt.s32 s5, $0x3  }
0x2c: {  	s12 =	smov.u32 s14;
	s5 =	smov.u32 @p1 s7;
	p1 =	sne.s32 s9, $0x3A  }
.Ltmp1:
0x2d: {  	s16 =	smov.u32 s10;
	s10 =	smov.u32 s13;
	(pc) =	sbr.rel @!p1 .LBB1_11-.Ltmp1, $4  }
0x2e: {  	s4 =	simm.s32 @!p0 $0x2;
	s15 =	smov.u32 s8;
	s0 =	sand.u32 @!p0 $0x3FFFFFE0, s0  }
0x2f: {  	s8 =	smov.u32 s11;
	s11 =	smov.u32 s1;
	_ =	swait.ge @!p0 [sflag:s4], s0  }
0x30: {  	s0 =	ssub.s32 @!p0 $0x0, s0;
	s3 =	smov.u32 @p2 s22;
	[sflag:s4] =	ssyncset.done @!p0 $0x0  }
0x31: {  	s13 =	smov.u32 s3;
	[sflag:s4] =	ssyncadd.s32 @!p0 s0;
	s14 =	smov.u32 s5  }
.LBB1_1:
0x32: {  	p0 =	sgt.u32 s9, $0x37;
	s18 =	smov.u32 s14  }
0x33: {  	s0 =	sand.u32 @!p0 $0x1FFFFFF, s11;
	p1 =	sgt.s32 @!p0 s14, $0x3;
	s19 =	sshra.s32 @!p0 s14, $0x1F  }
0x34: {  	s20 =	sshra.s32 @!p0 s13, $0x1F;
	s1 =	smulhi.u32 @!p0 $0x2492493, s0;
	p1 =	por !p1, p0  }
0x35: {  	s19 =	sand.u32 @!p0 s19, s14;
	s20 =	sand.u32 @!p0 s20, s13;
	s18 =	simm.s32 @p1 $0x3  }
0x36: {  	p1 =	sgt.s32 @!p0 s13, $0xDF;
	s1 =	sshrl.u32 @!p0 s1, $0x1;
	s18 =	ssub.s32 @!p0 s18, s19  }
0x37: {  	p1 =	por !p1, p0;
	s19 =	smov.u32 s13;
	s1 =	smul.u32 @!p0 $0xE0, s1  }
0x38: {  	s19 =	simm.s32 @p1 $0xDF;
	p1 =	sgt.s32 @!p0 s11, $0x60;
	s18 =	sadd.s32 @!p0 $0xFFFFFFFD, s18  }
0x39: {  	s19 =	ssub.s32 @!p0 s19, s20;
	p1 =	por !p1, p0;
	s20 =	smov.u32 s11  }
0x3a: {  	p2 =	sgt.s32 @!p0 s18, $0x0;
	s18 =	sshll.u32 @!p0 s18, $0x7;
	s21 =	sadd.s32 @!p0 $0xFFFFFF21, s19  }
0x3b: {  	s20 =	simm.s32 @p1 $0x60;
	p1 =	sgt.s32 @!p0 s21, $0x0;
	s21 =	sshra.s32 @!p0 s11, $0x1F  }
0x3c: {  	s19 =	ssub.s32 @!p0 $0xE0, s19;
	s18 =	ssub.s32 @!p0 $0x80, s18;
	s21 =	sand.u32 @!p0 s21, s11  }
0x3d: {  	p2 =	por !p2, p0;
	p1 =	por !p1, p0;
	s20 =	ssub.s32 @!p0 s20, s21  }
0x3e: {  	s18 =	simm.s32 @!p2 $0x0;
	s19 =	simm.s32 @!p1 $0x0;
	s21 =	sadd.s32 @!p0 $0xFFFFFFA0, s20  }
0x3f: {  	s0 =	ssub.s32 @!p0 s0, s1;
	s18 =	smul.u32 @!p0 s19, s18;
	p1 =	sgt.s32 @!p0 s21, $0x7F  }
0x40: {  	s19 =	ssub.s32 @!p0 $0xE0, s20;
	s20 =	smul.u32 @!p0 $0xC4000, s14;
	p1 =	por !p1, p0  }
0x41: {  	s1 =	smul.u32 @!p0 $0xE00, s13;
	s21 =	sxor.u32 @!p0 $0xFFFFFFFF, s9;
	s19 =	simm.s32 @!p1 $0x0  }
0x42: {  	s21 =	sshll.u32 @!p0 s21, $0xE;
	s18 =	smul.u32 @!p0 s19, s18;
	s19 =	sadd.s32 @!p0 s6, s20  }
0x43: {  	s0 =	sshll.u32 @!p0 s0, $0x4;
	s20 =	sand.u32 @!p0 $0x4000, s21;
	s1 =	sadd.s32 @!p0 s1, s19  }
0x44: {  	s18 =	sand.u32 @!p0 $0x3FFFFF80, s18;
	s0 =	sadd.s32 @!p0 s0, s1;
	s1 =	simm.s32 @!p0 $0x0  }
0x45: {  	[tilespmem:s20], [sflag:$0x1] =	stream.linear.gather @!p0 [hbm4b:s0+s1], s18, $0x38;
	[tilespmem:$0x10100] =	vst v63  }
0x46: {  	p0 =	seq.s32 s9, $0x0  }
0x47: {  	p1 =	seq.s32 @!p0 s9, $0x39  }
0x48: {  	p0 =	por p0, p1  }
.Ltmp2:
0x49: {  	_ = 	snop;
	(pc) =	sbr.rel @p0 .LBB1_10-.Ltmp2, $1  }
0x4a: {  	_ =	sdelay $0x3  }
0x4b: {  	p0 =	sgt.s32 s12, $0x3;
	s0 =	smov.u32 s12;
	s1 =	sshra.s32 s12, $0x1F  }
0x4c: {  	s18 =	sshra.s32 s10, $0x1F;
	s26 =	ssub.s32 $0x0, s8;
	s27 =	sshra.s32 s8, $0x1F  }
0x4d: {  	p1 =	sgt.s32 s8, $0x60;
	s20 =	smov.u32 s8;
	s0 =	simm.s32 @!p0 $0x3  }
0x4e: {  	s1 =	sand.u32 s1, s12;
	p0 =	sgt.s32 s10, $0xDF;
	s18 =	sand.u32 s18, s10  }
0x4f: {  	s20 =	simm.s32 @!p1 $0x60;
	s0 =	ssub.s32 s0, s1;
	s1 =	smov.u32 s10  }
0x50: {  	s19 =	sadd.s32 $0xFFFFFFFD, s0;
	s1 =	simm.s32 @!p0 $0xDF;
	s0 =	ssub.s32 $0x4, s0  }
0x51: {  	p0 =	sgt.s32 s19, $0x0;
	s1 =	ssub.s32 s1, s18;
	s19 =	sand.u32 s26, s27  }
0x52: {  	s21 =	sadd.s32 $0xFFFFFF21, s1;
	s1 =	ssub.s32 $0xE0, s1;
	s18 =	sadd.s32 s19, s20  }
0x53: {  	s0 =	simm.s32 @p0 $0x0;
	p1 =	sgt.s32 s21, $0x0;
	s20 =	sadd.s32 $0xFFFFFFA0, s18  }
0x54: {  	s1 =	simm.s32 @p1 $0x0;
	s28 =	sshll.u32 s20, $0x7;
	p0 =	sgt.s32 s20, $0x7F  }
0x55: {  	s18 =	smul.u32 s0, s1;
	s0 =	ssub.s32 $0x4000, s28;
	s1 =	sadd.s32 $0x1, s12  }
0x56: {  	s20 =	sadd.s32 $0x1, s10;
	s0 =	simm.s32 @p0 $0x0;
	p0 =	slt.s32 s1, $0x4  }
0x57: {  	s1 =	simm.s32 @!p0 $0x4;
	p0 =	slt.s32 s20, $0xE0  }
0x58: {  	s21 =	ssub.s32 s1, s12;
	s20 =	simm.s32 @!p0 $0xE0;
	s1 =	sadd.s32 $0x80, s8  }
0x59: {  	s22 =	ssub.s32 s20, s10;
	p1 =	slt.s32 s1, $0xE0;
	p0 =	slt.s32 s21, $0x1  }
0x5a: {  	s1 =	simm.s32 @!p1 $0xE0;
	p1 =	slt.s32 @!p0 s22, $0x1  }
0x5b: {  	s23 =	ssub.s32 s1, s8;
	p1 =	por p0, p1  }
0x5c: {  	p2 =	slt.s32 @!p1 s23, $0x1  }
0x5d: {  	s0 =	smul.u32 s18, s0;
	p1 =	por p1, p2  }
.Ltmp3:
0x5e: {  	_ = 	snop;
	(pc) =	sbr.rel @p1 .LBB1_9-.Ltmp3, $4  }
0x5f: {  	s2 =	simm.s32 $0x1;
	s29 =	sand.u32 $0x3FFFFF80, s0;
	s0 =	sand.u32 $0x1, s9  }
0x60: {  	_ =	swait.ge [sflag:s2], s29;
	s31 =	smul.u32 $0x4080, s0  }
0x61: {  	s30 =	ssub.s32 $0x0, s29;
	[sflag:s2] =	ssyncset.done $0x0  }
0x62: {  	[sflag:s2] =	ssyncadd.s32 s30;
	[dreg:$0x6] =	wrdreg s31  }
0x63: {  	s24 =	sshll.u32 @!p0 s0, $0xE;
	s0 =	rddreg [dreg:$0x6]  }
0x64: {  	s26 =	simm.s32 $0x0;
	s25 =	sor.u32 @!p0 $0x8000, s0  }
.LBB1_4:
0x65: {  	s27 =	simm.s32 $0x0  }
.LBB1_5:
0x66: {  	s0 =	sadd.s32 s26, s27  }
0x67: {  	s1 =	sshll.u32 s0, $0x10  }
0x68: {  	s1 =	sshra.s32 s1, $0x2  }
0x69: {  	s1 =	sadd.s32 s1, s24  }
0x6a: {  	s29 =	simm.s32 $0x0;
	s7 =	simm.s32 $0x0;
	s0 =	smul.u32 $0x10200, s0;
	v0 =	vmov s1  }
0x6b: {  	s31 =	simm.s32 $0x10;
	s4 =	simm.s32 $0x30;
	s3 =	simm.s32 $0x50  }
0x6c: {  	s31 =	sand.u32 $0x78, s31;
	s4 =	sand.u32 $0x78, s4;
	s0 =	sshra.s32 s0, $0x2  }
0x6d: {  	s31 =	smul.u32 $0x204, s31;
	s28 =	sadd.s32 s0, s25;
	s0 =	sand.u32 $0x78, s7  }
0x6e: {  	s4 =	smul.u32 $0x204, s4;
	s1 =	sand.u32 $0x3F80, s29;
	s2 =	sxor.u32 $0x40, s0  }
0x6f: {  	s30 =	simm.s32 $0x1;
	s3 =	sand.u32 $0x78, s3;
	s2 =	smul.u32 $0x204, s2;
	v1 =	vld.idx.msk [tilespmem:v0+s1+$0x40 ss:$0x1], $0xffff  }
0x70: {  	p0 =	sne.s32 s23, $0x1;
	s5 =	sand.u32 $0x7F, s29;
	s3 =	smul.u32 $0x204, s3  }
0x71: {  	s7 =	simm.s32 $0x20;
	s0 =	smul.u32 $0x204, s0;
	s2 =	sshrl.u32 s2, $0x2;
	v2 =	vld.idx.msk [tilespmem:v0+s1+$0x0 ss:$0x1], $0xffff  }
0x72: {  	s31 =	sshrl.u32 s31, $0x2;
	s7 =	sand.u32 $0x78, s7;
	v3 =	vld.idx.msk [tilespmem:v0+s1+$0x10 ss:$0x1], $0xffff;
	s2 =	sadd.s32 s2, s28  }
0x73: {  	s7 =	smul.u32 $0x204, s7;
	s0 =	sshrl.u32 s0, $0x2;
	v4 =	vld.idx.msk [tilespmem:v0+s1+$0x20 ss:$0x1], $0xffff;
	s2 =	sadd.s32 s5, s2  }
.Ltmp4:
0x74: {  	s4 =	sshrl.u32 s4, $0x2;
	s0 =	sadd.s32 s0, s28;
	[tilespmem:s2+$0x0 ss:$0x81] =	vst.msk $0xffff, v1;
	v1 =	vld.idx.msk [tilespmem:v0+s1+$0x30 ss:$0x1], $0xffff;
	(pc) =	sbr.rel @!p0 .LBB1_7-.Ltmp4, $4  }
0x75: {  	s20 =	sadd.s32 s31, s28;
	s7 =	sshrl.u32 s7, $0x2;
	s0 =	sadd.s32 s5, s0  }
0x76: {  	s3 =	sshrl.u32 s3, $0x2;
	s7 =	sadd.s32 s7, s28;
	[tilespmem:s0+$0x0 ss:$0x81] =	vst.msk $0xffff, v2;
	s2 =	sadd.s32 s5, s20;
	v2 =	vld.idx.msk [tilespmem:v0+s1+$0x50 ss:$0x1], $0xffff  }
0x77: {  	s6 =	sadd.s32 s4, s28;
	s20 =	sadd.s32 s5, s7;
	[tilespmem:s2+$0x0 ss:$0x81] =	vst.msk $0xffff, v3;
	s2 =	sadd.s32 s3, s28  }
0x78: {  	s31 =	simm.s32 $0x2808;
	s1 =	sadd.s32 s5, s6;
	[tilespmem:s20+$0x0 ss:$0x81] =	vst.msk $0xffff, v4;
	s0 =	sadd.s32 s5, s2  }
.LBB1_6:
0x79: {  	s2 =	sadd.s32 $0xFFFFD800, s31;
	s3 =	sadd.s32 $0xFFFFE000, s31;
	[tilespmem:s1+$0x0 ss:$0x81] =	vst.msk $0xffff, v1;
	s1 =	smov.u32 s30  }
0x7a: {  	s30 =	sadd.s32 $0x1, s30;
	s29 =	sadd.s32 $0x80, s29;
	s4 =	sadd.s32 $0xFFFFE800, s31  }
0x7b: {  	s5 =	sadd.s32 $0xFFFFF000, s31;
	s2 =	sshrl.u32 s2, $0x7;
	p0 =	sne.s32 s23, s30;
	[tilespmem:s0+$0x0 ss:$0x81] =	vst.msk $0xffff, v2  }
0x7c: {  	s6 =	sshrl.u32 s31, $0x7;
	s0 =	sand.u32 $0x3F80, s29;
	s2 =	sand.u32 $0x78, s2  }
0x7d: {  	s3 =	sshrl.u32 s3, $0x7;
	s4 =	sshrl.u32 s4, $0x7;
	v3 =	vld.idx.msk [tilespmem:v0+s0+$0x40 ss:$0x1], $0xffff;
	s7 =	sxor.u32 $0x40, s2  }
0x7e: {  	s5 =	sshrl.u32 s5, $0x7;
	s6 =	sand.u32 $0x78, s6;
	v4 =	vld.idx.msk [tilespmem:v0+s0+$0x0 ss:$0x1], $0xffff;
	s7 =	smul.u32 $0x204, s7  }
0x7f: {  	s20 =	sand.u32 $0x7F, s1;
	s3 =	sand.u32 $0x78, s3;
	s4 =	sand.u32 $0x78, s4;
	v5 =	vld.idx.msk [tilespmem:v0+s0+$0x10 ss:$0x1], $0xffff  }
0x80: {  	s5 =	sand.u32 $0x78, s5;
	s1 =	smul.u32 $0x204, s2;
	v6 =	vld.idx.msk [tilespmem:v0+s0+$0x20 ss:$0x1], $0xffff;
	s7 =	sshrl.u32 s7, $0x2  }
0x81: {  	s3 =	smul.u32 $0x204, s3;
	v1 =	vld.idx.msk [tilespmem:v0+s0+$0x30 ss:$0x1], $0xffff;
	s2 =	sadd.s32 s7, s28  }
0x82: {  	s2 =	sadd.s32 s20, s2;
	v2 =	vld.idx.msk [tilespmem:v0+s0+$0x50 ss:$0x1], $0xffff;
	s0 =	sshrl.u32 s1, $0x2;
	s1 =	smul.u32 $0x204, s4  }
0x83: {  	s4 =	smul.u32 $0x204, s6;
	[tilespmem:s2+$0x0 ss:$0x81] =	vst.msk $0xffff, v3  }
0x84: {  	s0 =	sadd.s32 s0, s28;
	s2 =	sshrl.u32 s3, $0x2;
	s3 =	smul.u32 $0x204, s5  }
.Ltmp5:
0x85: {  	s2 =	sadd.s32 s2, s28;
	s1 =	sshrl.u32 s1, $0x2;
	(pc) =	sbr.rel @p0 .LBB1_6-.Ltmp5, $4  }
0x86: {  	s0 =	sadd.s32 s20, s0;
	s1 =	sadd.s32 s1, s28;
	s3 =	sshrl.u32 s3, $0x2  }
0x87: {  	[tilespmem:s0+$0x0 ss:$0x81] =	vst.msk $0xffff, v4;
	s0 =	sadd.s32 s20, s2;
	s2 =	sadd.s32 s3, s28;
	s3 =	sshrl.u32 s4, $0x2  }
0x88: {  	[tilespmem:s0+$0x0 ss:$0x81] =	vst.msk $0xffff, v5;
	s0 =	sadd.s32 s20, s1;
	s1 =	sadd.s32 s20, s2;
	s2 =	sadd.s32 s3, s28  }
0x89: {  	s31 =	sadd.s32 $0x8, s31;
	[tilespmem:s0+$0x0 ss:$0x81] =	vst.msk $0xffff, v6;
	s0 =	sadd.s32 s20, s2  }
.LBB1_7:
0x8a: {  	s27 =	sadd.s32 $0x1, s27  }
0x8b: {  	p0 =	sne.s32 s27, s22  }
.Ltmp6:
0x8c: {  	_ = 	snop;
	(pc) =	sbr.rel @p0 .LBB1_5-.Ltmp6, $3  }
0x8d: {  	_ =	sdelay $0x1  }
0x8e: {  	[tilespmem:s1+$0x0 ss:$0x81] =	vst.msk $0xffff, v1  }
0x8f: {  	[tilespmem:s0+$0x0 ss:$0x81] =	vst.msk $0xffff, v2  }
0x90: {  	s26 =	sadd.s32 $0x1, s26  }
0x91: {  	p0 =	sne.s32 s26, s21  }
.Ltmp7:
0x92: {  	_ = 	snop;
	(pc) =	sbr.rel @p0 .LBB1_4-.Ltmp7, $4  }
.Ltmp8:
0x93: {  	_ = 	snop;
	(pc) =	sbr.rel @!p0 .LBB1_9-.Ltmp8, $4  }
0x94: {  	_ = 	snop  }
0x95: {  	_ = 	snop  }
0x96: {  	_ = 	snop  }
0x97: {  	_ = 	snop  }
.LBB1_11:
0x98: {  	_ =	sfence.sel $0x180000  }
0x99: {  	s0 =	simm.s32 $0x1;
	[bflag:$0x0] =	sbarrier.arrive $0xFFFF  }
0x9a: {  	s30 =	simm.s32 $0x2;
	[sflag:s0] =	ssyncpa.u1 $0x1  }
0x9b: {  	[sflag:s30] =	ssyncpa.u1 $0x1  }
0x9c: {  	_ =	strace $0x9000004D  }
0x9d: {  	s31 =	stileid.u32;
	[bflag:$0x2] =	sbarrier.arrive $0xFFFF  }
0x9e: {  	p0 =	sne.s32 s31, $0x0;
	s0 =	rddreg [dreg:$0x2]  }
0x9f: {  	s0 =	sadd.s32 @!p0 $0x100000, s0  }
0xa0: {  	[sflag:s0] =	ssyncadd.tile.s32 @!p0 $0x1;
	_ =	shalt  }
.Lfunc_end1:
_tile_overlayer_lowered:
.L_overlay_start_2:
0xa1: {  	(tag) =	ssettag $0x2  }
0xa2: {  	s0 =	rddreg [dreg:$0x0];
	s2 =	stileid.u32  }
0xa3: {  	s1 =	rddreg [dreg:$0x1];
	p0 =	sne.s32 s2, $0x0  }
0xa4: {  	s3 =	rddreg [dreg:$0x2];
	[bflag:$0x3] =	sbarrier.arrive $0xFFFF;
	s2 =	simm.s32 @!p0 $0x1C01  }
0xa5: {  	[timem:s3], [sflag:s2] =	dma.local @!p0 [hbm:s0], s1  }
0xa6: {  	s0 =	simm.s32 @!p0 $0x1  }
0xa7: {  	_ =	swait.ge @!p0 [sflag:s0], s1  }
0xa8: {  	s1 =	ssub.s32 @!p0 $0x0, s1;
	[sflag:s0] =	ssyncset.done @!p0 $0x0  }
0xa9: {  	[sflag:s0] =	ssyncadd.s32 @!p0 s1  }
0xaa: {  	[bflag:$0x3] =	sbarrier.arrive $0xFFFF  }
0xab: {  	_ =	shalt  }

</sc_bundles>
